<compile_context>
chip_gen: v7x
topology: tpu7x:2x2x1
jax: 0.10.2.dev20260603
libtpu: 0.0.44.dev20260713+nightly
codegen_flags: <defaults>
</compile_context>

<pallas_src>
import functools

import jax
import jax.numpy as jnp
import numpy as np
from jax import lax
from jax.experimental import pallas as pl
from jax.experimental.pallas import tpu as pltpu
from jax.experimental.pallas import tpu_sc as plsc

B = 1024
N = 64
T = 8
DH = 32
DO = 64
P = 8
F = T * DH
BB = 128

NW = 32
CB = B // NW
NNB = CB * N
NG = NNB // 16
NBUK = CB * P
NACC = NBUK + 8
NSPL = (NBUK + 1) * 16

_PI = float(np.pi)
_TWO_PI = 2.0 * _PI
_INV_SECT = 4.0 / _PI

_M0 = np.zeros((2 * T, T), np.float32)
_M1 = np.zeros((2 * T, T), np.float32)
for _t in range(T):
    _M0[2 * _t, _t] += 1.0
    _M0[2 * T - 2, _t] += -1.0
    _M1[2 * _t + 1, _t] += 1.0
    _M1[2 * T - 1, _t] += -1.0


_EXP1 = np.zeros((128, 128 * N), np.float32)
for _b in range(128):
    _EXP1[_b, _b * N:(_b + 1) * N] = 1.0


def _tc_body(xe_ref, xn_ref, We_ref, bt_ref, W1_ref, b1_ref,
             W2_ref, b2_ref, W3_ref, b3_ref, exp_ref,
             fre_t_ref, f_re_ref, aux_ref):
    xe = xe_ref[...]
    xn = xn_ref[...]
    We = We_ref[...]
    bt = bt_ref[...]

    ego_blk = jnp.maximum(jnp.dot(We, xe, preferred_element_type=jnp.float32)
                          + bt, 0.0)
    f_nei = jnp.maximum(jnp.dot(We, xn, preferred_element_type=jnp.float32)
                        + bt, 0.0)

    exp1 = exp_ref[...]
    ego_hi = ego_blk.astype(jnp.bfloat16)
    ego_lo = (ego_blk - ego_hi.astype(jnp.float32)).astype(jnp.bfloat16)
    ego_exp = (jnp.dot(ego_hi, exp1, preferred_element_type=jnp.float32)
               + jnp.dot(ego_lo, exp1, preferred_element_type=jnp.float32))
    f = ego_exp * f_nei

    h = jnp.maximum(jnp.dot(W1_ref[...], f,
                            preferred_element_type=jnp.float32) + b1_ref[...],
                    0.0)
    h = jnp.maximum(jnp.dot(W2_ref[...], h,
                            preferred_element_type=jnp.float32) + b2_ref[...],
                    0.0)
    fre_t = jnp.maximum(
        jnp.dot(W3_ref[...], h, preferred_element_type=jnp.float32)
        + b3_ref[...], 0.0)
    fre_t_ref[...] = fre_t
    f_re_ref[...] = fre_t.T

    s = jnp.sum(xn, axis=0, keepdims=True)
    mfc = (s != 0.0).astype(jnp.float32)
    xl = xn[2 * T - 2:2 * T - 1, :]
    yl = xn[2 * T - 1:2 * T, :]
    dc = jnp.sqrt(xl * xl + yl * yl)
    aux_ref[...] = jnp.concatenate([mfc, dc, xl, yl], axis=0)


def _tc_mlp(xe_t, xn_t, W_expT, b_tileC, W1T, b1C, W2T, b2C, W3T, b3C, exp1):
    grid = (B // BB,)
    return pl.pallas_call(
        _tc_body,
        grid=grid,
        in_specs=[
            pl.BlockSpec((2 * T, BB), lambda i: (0, i)),
            pl.BlockSpec((2 * T, BB * N), lambda i: (0, i)),
            pl.BlockSpec((F, 2 * T), lambda i: (0, 0)),
            pl.BlockSpec((F, 1), lambda i: (0, 0)),
            pl.BlockSpec((DH, F), lambda i: (0, 0)),
            pl.BlockSpec((DH, 1), lambda i: (0, 0)),
            pl.BlockSpec((DH, DH), lambda i: (0, 0)),
            pl.BlockSpec((DH, 1), lambda i: (0, 0)),
            pl.BlockSpec((DH, DH), lambda i: (0, 0)),
            pl.BlockSpec((DH, 1), lambda i: (0, 0)),
            pl.BlockSpec((BB, BB * N), lambda i: (0, 0)),
        ],
        out_specs=[
            pl.BlockSpec((DH, BB * N), lambda i: (0, i)),
            pl.BlockSpec((BB * N, DH), lambda i: (i, 0)),
            pl.BlockSpec((4, BB * N), lambda i: (0, i)),
        ],
        out_shape=[
            jax.ShapeDtypeStruct((DH, B * N), jnp.float32),
            jax.ShapeDtypeStruct((B * N, DH), jnp.float32),
            jax.ShapeDtypeStruct((4, B * N), jnp.float32),
        ],
    )(xe_t, xn_t, W_expT, b_tileC, W1T, b1C, W2T, b2C, W3T, b3C, exp1)



_ATAN_C = (0.9999993329, -0.3332985605, 0.1994653599, -0.1390853351,
           0.0964200441, -0.0559098861, 0.0218612288, -0.0040540580)


def _sc_body(aux_hbm, fre_hbm, wce_hbm, bce_hbm,
             z_hbm, out_hbm,
             aux_v, fre_v, bk_v,
             acc_d, acc_a, acc_c, accA_lo, accA_hi, accB_lo, accB_hi,
             dm_v, am_v, rn_v, out_v, wce_v, bce_v, sem):
    sid = lax.axis_index("s")
    wid = sid * 2 + lax.axis_index("c")
    base_n = wid * NNB

    handles = []
    for r in range(4):
        handles.append(pltpu.async_copy(
            aux_hbm.at[pl.ds(r * B * N + base_n, NNB)],
            aux_v.at[pl.ds(r * NNB, NNB)], sem))
    for c in range(DH):
        handles.append(pltpu.async_copy(
            fre_hbm.at[pl.ds(c * B * N + base_n, NNB)],
            fre_v.at[pl.ds(c * NNB, NNB)], sem))
    handles.append(pltpu.async_copy(wce_hbm, wce_v, sem))
    handles.append(pltpu.async_copy(bce_hbm, bce_v, sem))
    handles.append(pltpu.async_copy(z_hbm.at[pl.ds(0, NACC)], acc_d, sem))
    handles.append(pltpu.async_copy(z_hbm.at[pl.ds(0, NACC)], acc_a, sem))
    handles.append(pltpu.async_copy(z_hbm.at[pl.ds(0, NACC)], acc_c, sem))
    handles.append(pltpu.async_copy(z_hbm.at[pl.ds(0, NSPL)], accA_lo, sem))
    handles.append(pltpu.async_copy(z_hbm.at[pl.ds(0, NSPL)], accA_hi, sem))
    handles.append(pltpu.async_copy(z_hbm.at[pl.ds(0, NSPL)], accB_lo, sem))
    handles.append(pltpu.async_copy(z_hbm.at[pl.ds(0, NSPL)], accB_hi, sem))
    for hnd in handles:
        hnd.wait()

    iota = lax.iota(jnp.int32, 16)
    zero16 = jnp.zeros((16,), jnp.float32)
    one16 = jnp.full((16,), 1.0, jnp.float32)

    scope_a = jax.named_scope("sc_loop_a")
    scope_a.__enter__()

    @plsc.parallel_loop(0, NG, 1, unroll=2)
    def body_a(g):
        off = g * 16
        m = aux_v[pl.ds(off, 16)]
        dist = aux_v[pl.ds(NNB + off, 16)]
        px = aux_v[pl.ds(2 * NNB + off, 16)]
        py = aux_v[pl.ds(3 * NNB + off, 16)]
        ax = jnp.abs(py)
        ay = jnp.abs(px)
        mx = jnp.maximum(ax, ay)
        mn = jnp.minimum(ax, ay)
        t = jnp.where(mx > 0.0, mn / mx, zero16)
        s = t * t
        p = jnp.full((16,), _ATAN_C[7], jnp.float32)
        for c in _ATAN_C[6::-1]:
            p = p * s + c
        p = p * t
        a = jnp.where(ay > ax, 0.5 * _PI - p, p)
        a = jnp.where(py < 0.0, _PI - a, a)
        ang = jnp.where(px < 0.0, -a, a)
        ang = jnp.where(ang < 0.0, ang + _TWO_PI, ang)
        bin_i = (ang * _INV_SECT).astype(jnp.int32)
        lb = (off + iota) // N
        keep = jnp.logical_and(m > 0.0, bin_i <= P - 1)
        bk = jnp.where(keep, lb * P + bin_i, NBUK)
        plsc.addupdate_scatter(acc_d, [bk], dist)
        plsc.addupdate_scatter(acc_a, [bk], ang)
        plsc.addupdate_scatter(acc_c, [bk], one16)
        bk_v[pl.ds(off, 16)] = bk

    scope_a.__exit__(None, None, None)
    scope_f = jax.named_scope("sc_loop_fre")
    scope_f.__enter__()

    @plsc.parallel_loop(0, NNB, 2, unroll=2)
    def body_f(j):
        n0 = (j % CB) * N + (j // CB)
        j1 = j + 1
        n1 = (j1 % CB) * N + (j1 // CB)
        bk0 = plsc.load_gather(bk_v, [iota * 0 + n0])
        bk1 = plsc.load_gather(bk_v, [iota * 0 + n1])
        i0 = bk0 * 16 + iota
        i1 = bk1 * 16 + iota
        c0 = iota * NNB + n0
        c1 = iota * NNB + n1
        plsc.addupdate_scatter(accA_lo, [i0], plsc.load_gather(fre_v, [c0]))
        plsc.addupdate_scatter(accB_lo, [i1], plsc.load_gather(fre_v, [c1]))
        plsc.addupdate_scatter(accA_hi, [i0],
                               plsc.load_gather(fre_v, [c0 + 16 * NNB]))
        plsc.addupdate_scatter(accB_hi, [i1],
                               plsc.load_gather(fre_v, [c1 + 16 * NNB]))

    scope_f.__exit__(None, None, None)
    scope_b = jax.named_scope("sc_loop_bc")
    scope_b.__enter__()

    def body_b(g, carry):
        o = g * 16
        cnt = acc_c[pl.ds(o, 16)]
        rn = 1.0 / (cnt + 0.0001)
        dm_v[pl.ds(o, 16)] = acc_d[pl.ds(o, 16)] * rn
        am_v[pl.ds(o, 16)] = acc_a[pl.ds(o, 16)] * rn
        rn_v[pl.ds(o, 16)] = rn
        return carry

    lax.fori_loop(0, NBUK // 16, body_b, 0)

    w0a = wce_v[pl.ds(0, 16)]
    w0b = wce_v[pl.ds(16, 16)]
    w1a = wce_v[pl.ds(32, 16)]
    w1b = wce_v[pl.ds(48, 16)]
    bca = bce_v[pl.ds(0, 16)]
    bcb = bce_v[pl.ds(16, 16)]

    @plsc.parallel_loop(0, NBUK, 1, unroll=2)
    def body_c(b):
        bi = iota * 0 + b
        rnb = plsc.load_gather(rn_v, [bi])
        dmb = plsc.load_gather(dm_v, [bi])
        amb = plsc.load_gather(am_v, [bi])
        lo = accA_lo[pl.ds(b * 16, 16)] + accB_lo[pl.ds(b * 16, 16)]
        hi = accA_hi[pl.ds(b * 16, 16)] + accB_hi[pl.ds(b * 16, 16)]
        out_v[pl.ds(b * DO, 16)] = lo * rnb
        out_v[pl.ds(b * DO + 16, 16)] = hi * rnb
        out_v[pl.ds(b * DO + 32, 16)] = jnp.maximum(
            dmb * w0a + amb * w1a + bca, 0.0)
        out_v[pl.ds(b * DO + 48, 16)] = jnp.maximum(
            dmb * w0b + amb * w1b + bcb, 0.0)
    scope_b.__exit__(None, None, None)
    pltpu.sync_copy(out_v, out_hbm.at[pl.ds(wid * NBUK * DO, NBUK * DO)])


_SC_SEG_CACHE = []


def _get_sc_seg():
    if _SC_SEG_CACHE:
        return _SC_SEG_CACHE[0]
    sc_seg = functools.partial(
            pl.kernel,
        out_type=jax.ShapeDtypeStruct((B * P * DO,), jnp.float32),
        mesh=plsc.VectorSubcoreMesh(core_axis_name="c", subcore_axis_name="s"),
        scratch_types=[
            pltpu.VMEM((NNB * 4,), jnp.float32),
            pltpu.VMEM((NNB * DH,), jnp.float32),
            pltpu.VMEM((NNB,), jnp.int32),
            pltpu.VMEM((NACC,), jnp.float32),
            pltpu.VMEM((NACC,), jnp.float32),
            pltpu.VMEM((NACC,), jnp.float32),
            pltpu.VMEM((NSPL,), jnp.float32),
            pltpu.VMEM((NSPL,), jnp.float32),
            pltpu.VMEM((NSPL,), jnp.float32),
            pltpu.VMEM((NSPL,), jnp.float32),
            pltpu.VMEM((NBUK,), jnp.float32),
            pltpu.VMEM((NBUK,), jnp.float32),
            pltpu.VMEM((NBUK,), jnp.float32),
            pltpu.VMEM((NBUK * DO,), jnp.float32),
            pltpu.VMEM((2 * DH,), jnp.float32),
            pltpu.VMEM((DH,), jnp.float32),
            pltpu.SemaphoreType.DMA,
        ],
        compiler_params=pltpu.CompilerParams(needs_layout_passes=False),
    )(_sc_body)
    _SC_SEG_CACHE.append(sc_seg)
    return sc_seg


def kernel(x_ego_2d, x_nei_2d, W_tre, b_tre, W1, b1, W2, b2, W3, b3, Wce, bce):
    xe_t = x_ego_2d.transpose(1, 2, 0).reshape(2 * T, B)
    xn_t = x_nei_2d.transpose(2, 3, 0, 1).reshape(2 * T, B * N)
    W_exp = (jnp.asarray(_M0)[:, :, None] * W_tre[0][None, None, :]
             + jnp.asarray(_M1)[:, :, None] * W_tre[1][None, None, :]
             ).reshape(2 * T, F)
    b_tile = jnp.tile(b_tre, T)
    exp1 = jnp.asarray(_EXP1, jnp.bfloat16)
    fre_t, f_re, aux = _tc_mlp(xe_t, xn_t, W_exp.T, b_tile[:, None],
                               W1.T, b1[:, None], W2.T, b2[:, None],
                               W3.T, b3[:, None], exp1)
    z = jnp.zeros(((NBUK + 1) * DH,), jnp.float32)
    out = _get_sc_seg()(aux.reshape(4 * B * N), fre_t.reshape(DH * B * N),
                        Wce.reshape(2 * DH), bce, z)
    return (out.reshape(B, P, DO), f_re.reshape(B, N, DH))

# --- scband reference (transcript-rebuilt; emitter-appended) ---
"""Pipeline reference for scband-resonance-layer-37615323578985 (READ-ONLY COPY).

The authoritative reference and input builder live on the scoring server;
editing this copy changes nothing except your own understanding.
"""

import jax, jax.numpy as jnp
import numpy as np

B = 1024
N = 64
T = 8
DH = 32
DO = 64
P = 8


def setup_inputs(seed: int = 0) -> dict:
    key = jax.random.key(seed)
    ks = jax.random.split(key, 8)
    def w(k, shp):
        return jax.random.normal(k, shp, dtype=jnp.float32) * (1.0 / np.sqrt(shp[0]))
    inp = {}
    inp["x_ego_2d"] = jax.random.normal(ks[0], (B, T, 2), dtype=jnp.float32)
    inp["x_nei_2d"] = jax.random.normal(ks[1], (B, N, T, 2), dtype=jnp.float32)
    inp["W_tre"] = w(ks[2], (2, DH))
    inp["b_tre"] = jnp.zeros((DH,), jnp.float32)
    inp["W1"] = w(ks[3], (T * DH, DH))
    inp["b1"] = jnp.zeros((DH,), jnp.float32)
    inp["W2"] = w(ks[4], (DH, DH))
    inp["b2"] = jnp.zeros((DH,), jnp.float32)
    inp["W3"] = w(ks[5], (DH, DO // 2))
    inp["b3"] = jnp.zeros((DO // 2,), jnp.float32)
    inp["Wce"] = w(ks[6], (2, DO // 2))
    inp["bce"] = jnp.zeros((DO // 2,), jnp.float32)
    return inp


def reference(x_ego_2d, x_nei_2d, W_tre, b_tre, W1, b1, W2, b2, W3, b3, Wce, bce):
    # TrajEncoding (identity transform + Dense+ReLU)
    x_ego_pure = (x_ego_2d - x_ego_2d[..., -1:, :])[..., None, :, :]
    x_nei_pure = x_nei_2d - x_nei_2d[..., -1:, :]
    packed = jnp.concatenate([x_ego_pure, x_nei_pure], axis=-3)
    f_pack = jax.nn.relu(packed @ W_tre + b_tre)
    f_ego = f_pack[..., :1, :, :]
    f_nei = f_pack[..., 1:, :, :]
    f = f_ego * f_nei
    f = f.reshape(f.shape[:-2] + (f.shape[-2] * f.shape[-1],))
    h = jax.nn.relu(f @ W1 + b1)
    h = jax.nn.relu(h @ W2 + b2)
    f_re = jax.nn.relu(h @ W3 + b3)
    # partition assignment per neighbor
    p_nei = x_nei_2d[..., -1, :]
    f_distance = jnp.sqrt(jnp.sum(p_nei ** 2, axis=-1))
    f_angle = jnp.arctan2(p_nei[..., 0], p_nei[..., 1])
    f_angle = jnp.mod(f_angle, 2.0 * np.pi)
    partition_indices = (f_angle / (2.0 * np.pi / P)).astype(jnp.int32)
    nei_mask = (jnp.sum(x_nei_2d, axis=(-1, -2)) != 0).astype(jnp.int32)
    partition_indices = partition_indices * nei_mask + (-1) * (1 - nei_mask)
    # masked segment-mean reduce over the neighbor axis, per angular partition
    pos_list = []
    re_list = []
    for p in range(P):
        m = (partition_indices == p).astype(jnp.float32)
        n = jnp.sum(m, axis=-1) + 0.0001
        d_mean = jnp.sum(f_distance * m, axis=-1) / n
        a_mean = jnp.sum(f_angle * m, axis=-1) / n
        pos_list.append(jnp.stack([d_mean, a_mean], axis=-1))
        re_list.append(jnp.sum(f_re * m[..., None], axis=-2) / n[..., None])
    positions = jnp.stack(pos_list, axis=-2)
    re_partitions = jnp.stack(re_list, axis=-2)
    f_pos = jax.nn.relu(positions @ Wce + bce)
    re_matrix = jnp.concatenate([re_partitions, f_pos], axis=-1)
    return (re_matrix, f_re)

if __name__ == "__main__":
    import jax
    _d = setup_inputs()
    print(jax.jit(kernel)(*tuple(_d.values())))

</pallas_src>

<mosaic_0001>
#map = affine_map<(d0, d1) -> (0)>
module attributes {stable_mosaic.version = 14 : i64} {
  func.func @_sc_body(%arg0: i32, %arg1: i32, %arg2: memref<262144xf32, #tpu.memory_space<hbm>>, %arg3: memref<2097152xf32, #tpu.memory_space<hbm>>, %arg4: memref<64xf32, #tpu.memory_space<hbm>>, %arg5: memref<32xf32, #tpu.memory_space<hbm>>, %arg6: memref<8224xf32, #tpu.memory_space<hbm>>, %arg7: memref<524288xf32, #tpu.memory_space<hbm>>, %arg8: memref<8192xf32, #tpu.memory_space<vmem>>, %arg9: memref<65536xf32, #tpu.memory_space<vmem>>, %arg10: memref<2048xi32, #tpu.memory_space<vmem>>, %arg11: memref<264xf32, #tpu.memory_space<vmem>>, %arg12: memref<264xf32, #tpu.memory_space<vmem>>, %arg13: memref<264xf32, #tpu.memory_space<vmem>>, %arg14: memref<4112xf32, #tpu.memory_space<vmem>>, %arg15: memref<4112xf32, #tpu.memory_space<vmem>>, %arg16: memref<4112xf32, #tpu.memory_space<vmem>>, %arg17: memref<4112xf32, #tpu.memory_space<vmem>>, %arg18: memref<256xf32, #tpu.memory_space<vmem>>, %arg19: memref<256xf32, #tpu.memory_space<vmem>>, %arg20: memref<256xf32, #tpu.memory_space<vmem>>, %arg21: memref<16384xf32, #tpu.memory_space<vmem>>, %arg22: memref<64xf32, #tpu.memory_space<vmem>>, %arg23: memref<32xf32, #tpu.memory_space<vmem>>, %arg24: memref<!tpu.dma_semaphore, #tpu.memory_space<semaphore_mem>>) attributes {dimension_semantics = [#tpu.dimension_semantics<core_parallel>, #tpu.dimension_semantics<subcore_parallel>], iteration_bounds = array<i64: 2, 16>, scalar_prefetch = 0 : i64, scratch_operands = 17 : i64, tpu.core_type = #tpu.core_type<sc_vector_subcore>, window_params = [{transform_indices = #map}, {transform_indices = #map}, {transform_indices = #map}, {transform_indices = #map}, {transform_indices = #map}, {transform_indices = #map}]} {
    %mul3A = arith.constant 2 : i32
    %mul3A_0 = arith.muli %arg1, %mul3A : i32
    %add3A = arith.addi %mul3A_0, %arg0 : i32
    %mul3A_1 = arith.constant 2048 : i32
    %mul3A_2 = arith.muli %add3A, %mul3A_1 : i32
    %add3A_3 = arith.constant 0 : i32
    %add3A_4 = arith.addi %add3A_3, %mul3A_2 : i32
    %dma_start3A = arith.constant 0 : i32
    %dma_start3A_5 = tpu.memref_slice %arg8[%dma_start3A] : memref<8192xf32, #tpu.memory_space<vmem>> -> memref<2048xf32, #tpu.memory_space<vmem>>
    %dma_start3A_6 = tpu.memref_slice %arg2[%add3A_4] : memref<262144xf32, #tpu.memory_space<hbm>> -> memref<2048xf32, #tpu.memory_space<hbm>>
    %dma_start3A_7 = arith.constant 0 : i32
    %dma_start3A_8 = tpu.memref_slice %arg8[%dma_start3A_7] : memref<8192xf32, #tpu.memory_space<vmem>> -> memref<2048xf32, #tpu.memory_space<vmem>>
    %dma_start3A_9 = tpu.memref_slice %arg2[%add3A_4] : memref<262144xf32, #tpu.memory_space<hbm>> -> memref<2048xf32, #tpu.memory_space<hbm>>
    tpu.enqueue_dma source(%dma_start3A_9 : memref<2048xf32, #tpu.memory_space<hbm>>) target(%dma_start3A_8 : memref<2048xf32, #tpu.memory_space<vmem>>) target_semaphore(%arg24 : memref<!tpu.dma_semaphore, #tpu.memory_space<semaphore_mem>>)
    %add3A_10 = arith.constant 65536 : i32
    %add3A_11 = arith.addi %add3A_10, %mul3A_2 : i32
    %dma_start3A_12 = arith.constant 2048 : i32
    %dma_start3A_13 = tpu.memref_slice %arg8[%dma_start3A_12] : memref<8192xf32, #tpu.memory_space<vmem>> -> memref<2048xf32, #tpu.memory_space<vmem>>
    %dma_start3A_14 = tpu.memref_slice %arg2[%add3A_11] : memref<262144xf32, #tpu.memory_space<hbm>> -> memref<2048xf32, #tpu.memory_space<hbm>>
    %dma_start3A_15 = arith.constant 2048 : i32
    %dma_start3A_16 = tpu.memref_slice %arg8[%dma_start3A_15] : memref<8192xf32, #tpu.memory_space<vmem>> -> memref<2048xf32, #tpu.memory_space<vmem>>
    %dma_start3A_17 = tpu.memref_slice %arg2[%add3A_11] : memref<262144xf32, #tpu.memory_space<hbm>> -> memref<2048xf32, #tpu.memory_space<hbm>>
    tpu.enqueue_dma source(%dma_start3A_17 : memref<2048xf32, #tpu.memory_space<hbm>>) target(%dma_start3A_16 : memref<2048xf32, #tpu.memory_space<vmem>>) target_semaphore(%arg24 : memref<!tpu.dma_semaphore, #tpu.memory_space<semaphore_mem>>)
    %add3A_18 = arith.constant 131072 : i32
    %add3A_19 = arith.addi %add3A_18, %mul3A_2 : i32
    %dma_start3A_20 = arith.constant 4096 : i32
    %dma_start3A_21 = tpu.memref_slice %arg8[%dma_start3A_20] : memref<8192xf32, #tpu.memory_space<vmem>> -> memref<2048xf32, #tpu.memory_space<vmem>>
    %dma_start3A_22 = tpu.memref_slice %arg2[%add3A_19] : memref<262144xf32, #tpu.memory_space<hbm>> -> memref<2048xf32, #tpu.memory_space<hbm>>
    %dma_start3A_23 = arith.constant 4096 : i32
    %dma_start3A_24 = tpu.memref_slice %arg8[%dma_start3A_23] : memref<8192xf32, #tpu.memory_space<vmem>> -> memref<2048xf32, #tpu.memory_space<vmem>>
    %dma_start3A_25 = tpu.memref_slice %arg2[%add3A_19] : memref<262144xf32, #tpu.memory_space<hbm>> -> memref<2048xf32, #tpu.memory_space<hbm>>
    tpu.enqueue_dma source(%dma_start3A_25 : memref<2048xf32, #tpu.memory_space<hbm>>) target(%dma_start3A_24 : memref<2048xf32, #tpu.memory_space<vmem>>) target_semaphore(%arg24 : memref<!tpu.dma_semaphore, #tpu.memory_space<semaphore_mem>>)
    %add3A_26 = arith.constant 196608 : i32
    %add3A_27 = arith.addi %add3A_26, %mul3A_2 : i32
    %dma_start3A_28 = arith.constant 6144 : i32
    %dma_start3A_29 = tpu.memref_slice %arg8[%dma_start3A_28] : memref<8192xf32, #tpu.memory_space<vmem>> -> memref<2048xf32, #tpu.memory_space<vmem>>
    %dma_start3A_30 = tpu.memref_slice %arg2[%add3A_27] : memref<262144xf32, #tpu.memory_space<hbm>> -> memref<2048xf32, #tpu.memory_space<hbm>>
    %dma_start3A_31 = arith.constant 6144 : i32
    %dma_start3A_32 = tpu.memref_slice %arg8[%dma_start3A_31] : memref<8192xf32, #tpu.memory_space<vmem>> -> memref<2048xf32, #tpu.memory_space<vmem>>
    %dma_start3A_33 = tpu.memref_slice %arg2[%add3A_27] : memref<262144xf32, #tpu.memory_space<hbm>> -> memref<2048xf32, #tpu.memory_space<hbm>>
    tpu.enqueue_dma source(%dma_start3A_33 : memref<2048xf32, #tpu.memory_space<hbm>>) target(%dma_start3A_32 : memref<2048xf32, #tpu.memory_space<vmem>>) target_semaphore(%arg24 : memref<!tpu.dma_semaphore, #tpu.memory_space<semaphore_mem>>)
    %add3A_34 = arith.constant 0 : i32
    %add3A_35 = arith.addi %add3A_34, %mul3A_2 : i32
    %dma_start3A_36 = arith.constant 0 : i32
    %dma_start3A_37 = tpu.memref_slice %arg9[%dma_start3A_36] : memref<65536xf32, #tpu.memory_space<vmem>> -> memref<2048xf32, #tpu.memory_space<vmem>>
    %dma_start3A_38 = tpu.memref_slice %arg3[%add3A_35] : memref<2097152xf32, #tpu.memory_space<hbm>> -> memref<2048xf32, #tpu.memory_space<hbm>>
    %dma_start3A_39 = arith.constant 0 : i32
    %dma_start3A_40 = tpu.memref_slice %arg9[%dma_start3A_39] : memref<65536xf32, #tpu.memory_space<vmem>> -> memref<2048xf32, #tpu.memory_space<vmem>>
    %dma_start3A_41 = tpu.memref_slice %arg3[%add3A_35] : memref<2097152xf32, #tpu.memory_space<hbm>> -> memref<2048xf32, #tpu.memory_space<hbm>>
    tpu.enqueue_dma source(%dma_start3A_41 : memref<2048xf32, #tpu.memory_space<hbm>>) target(%dma_start3A_40 : memref<2048xf32, #tpu.memory_space<vmem>>) target_semaphore(%arg24 : memref<!tpu.dma_semaphore, #tpu.memory_space<semaphore_mem>>)
    %add3A_42 = arith.constant 65536 : i32
    %add3A_43 = arith.addi %add3A_42, %mul3A_2 : i32
    %dma_start3A_44 = arith.constant 2048 : i32
    %dma_start3A_45 = tpu.memref_slice %arg9[%dma_start3A_44] : memref<65536xf32, #tpu.memory_space<vmem>> -> memref<2048xf32, #tpu.memory_space<vmem>>
    %dma_start3A_46 = tpu.memref_slice %arg3[%add3A_43] : memref<2097152xf32, #tpu.memory_space<hbm>> -> memref<2048xf32, #tpu.memory_space<hbm>>
    %dma_start3A_47 = arith.constant 2048 : i32
    %dma_start3A_48 = tpu.memref_slice %arg9[%dma_start3A_47] : memref<65536xf32, #tpu.memory_space<vmem>> -> memref<2048xf32, #tpu.memory_space<vmem>>
    %dma_start3A_49 = tpu.memref_slice %arg3[%add3A_43] : memref<2097152xf32, #tpu.memory_space<hbm>> -> memref<2048xf32, #tpu.memory_space<hbm>>
    tpu.enqueue_dma source(%dma_start3A_49 : memref<2048xf32, #tpu.memory_space<hbm>>) target(%dma_start3A_48 : memref<2048xf32, #tpu.memory_space<vmem>>) target_semaphore(%arg24 : memref<!tpu.dma_semaphore, #tpu.memory_space<semaphore_mem>>)
    %add3A_50 = arith.constant 131072 : i32
    %add3A_51 = arith.addi %add3A_50, %mul3A_2 : i32
    %dma_start3A_52 = arith.constant 4096 : i32
    %dma_start3A_53 = tpu.memref_slice %arg9[%dma_start3A_52] : memref<65536xf32, #tpu.memory_space<vmem>> -> memref<2048xf32, #tpu.memory_space<vmem>>
    %dma_start3A_54 = tpu.memref_slice %arg3[%add3A_51] : memref<2097152xf32, #tpu.memory_space<hbm>> -> memref<2048xf32, #tpu.memory_space<hbm>>
    %dma_start3A_55 = arith.constant 4096 : i32
    %dma_start3A_56 = tpu.memref_slice %arg9[%dma_start3A_55] : memref<65536xf32, #tpu.memory_space<vmem>> -> memref<2048xf32, #tpu.memory_space<vmem>>
    %dma_start3A_57 = tpu.memref_slice %arg3[%add3A_51] : memref<2097152xf32, #tpu.memory_space<hbm>> -> memref<2048xf32, #tpu.memory_space<hbm>>
    tpu.enqueue_dma source(%dma_start3A_57 : memref<2048xf32, #tpu.memory_space<hbm>>) target(%dma_start3A_56 : memref<2048xf32, #tpu.memory_space<vmem>>) target_semaphore(%arg24 : memref<!tpu.dma_semaphore, #tpu.memory_space<semaphore_mem>>)
    %add3A_58 = arith.constant 196608 : i32
    %add3A_59 = arith.addi %add3A_58, %mul3A_2 : i32
    %dma_start3A_60 = arith.constant 6144 : i32
    %dma_start3A_61 = tpu.memref_slice %arg9[%dma_start3A_60] : memref<65536xf32, #tpu.memory_space<vmem>> -> memref<2048xf32, #tpu.memory_space<vmem>>
    %dma_start3A_62 = tpu.memref_slice %arg3[%add3A_59] : memref<2097152xf32, #tpu.memory_space<hbm>> -> memref<2048xf32, #tpu.memory_space<hbm>>
    %dma_start3A_63 = arith.constant 6144 : i32
    %dma_start3A_64 = tpu.memref_slice %arg9[%dma_start3A_63] : memref<65536xf32, #tpu.memory_space<vmem>> -> memref<2048xf32, #tpu.memory_space<vmem>>
    %dma_start3A_65 = tpu.memref_slice %arg3[%add3A_59] : memref<2097152xf32, #tpu.memory_space<hbm>> -> memref<2048xf32, #tpu.memory_space<hbm>>
    tpu.enqueue_dma source(%dma_start3A_65 : memref<2048xf32, #tpu.memory_space<hbm>>) target(%dma_start3A_64 : memref<2048xf32, #tpu.memory_space<vmem>>) target_semaphore(%arg24 : memref<!tpu.dma_semaphore, #tpu.memory_space<semaphore_mem>>)
    %add3A_66 = arith.constant 262144 : i32
    %add3A_67 = arith.addi %add3A_66, %mul3A_2 : i32
    %dma_start3A_68 = arith.constant 8192 : i32
    %dma_start3A_69 = tpu.memref_slice %arg9[%dma_start3A_68] : memref<65536xf32, #tpu.memory_space<vmem>> -> memref<2048xf32, #tpu.memory_space<vmem>>
    %dma_start3A_70 = tpu.memref_slice %arg3[%add3A_67] : memref<2097152xf32, #tpu.memory_space<hbm>> -> memref<2048xf32, #tpu.memory_space<hbm>>
    %dma_start3A_71 = arith.constant 8192 : i32
    %dma_start3A_72 = tpu.memref_slice %arg9[%dma_start3A_71] : memref<65536xf32, #tpu.memory_space<vmem>> -> memref<2048xf32, #tpu.memory_space<vmem>>
    %dma_start3A_73 = tpu.memref_slice %arg3[%add3A_67] : memref<2097152xf32, #tpu.memory_space<hbm>> -> memref<2048xf32, #tpu.memory_space<hbm>>
    tpu.enqueue_dma source(%dma_start3A_73 : memref<2048xf32, #tpu.memory_space<hbm>>) target(%dma_start3A_72 : memref<2048xf32, #tpu.memory_space<vmem>>) target_semaphore(%arg24 : memref<!tpu.dma_semaphore, #tpu.memory_space<semaphore_mem>>)
    %add3A_74 = arith.constant 327680 : i32
    %add3A_75 = arith.addi %add3A_74, %mul3A_2 : i32
    %dma_start3A_76 = arith.constant 10240 : i32
    %dma_start3A_77 = tpu.memref_slice %arg9[%dma_start3A_76] : memref<65536xf32, #tpu.memory_space<vmem>> -> memref<2048xf32, #tpu.memory_space<vmem>>
    %dma_start3A_78 = tpu.memref_slice %arg3[%add3A_75] : memref<2097152xf32, #tpu.memory_space<hbm>> -> memref<2048xf32, #tpu.memory_space<hbm>>
    %dma_start3A_79 = arith.constant 10240 : i32
    %dma_start3A_80 = tpu.memref_slice %arg9[%dma_start3A_79] : memref<65536xf32, #tpu.memory_space<vmem>> -> memref<2048xf32, #tpu.memory_space<vmem>>
    %dma_start3A_81 = tpu.memref_slice %arg3[%add3A_75] : memref<2097152xf32, #tpu.memory_space<hbm>> -> memref<2048xf32, #tpu.memory_space<hbm>>
    tpu.enqueue_dma source(%dma_start3A_81 : memref<2048xf32, #tpu.memory_space<hbm>>) target(%dma_start3A_80 : memref<2048xf32, #tpu.memory_space<vmem>>) target_semaphore(%arg24 : memref<!tpu.dma_semaphore, #tpu.memory_space<semaphore_mem>>)
    %add3A_82 = arith.constant 393216 : i32
    %add3A_83 = arith.addi %add3A_82, %mul3A_2 : i32
    %dma_start3A_84 = arith.constant 12288 : i32
    %dma_start3A_85 = tpu.memref_slice %arg9[%dma_start3A_84] : memref<65536xf32, #tpu.memory_space<vmem>> -> memref<2048xf32, #tpu.memory_space<vmem>>
    %dma_start3A_86 = tpu.memref_slice %arg3[%add3A_83] : memref<2097152xf32, #tpu.memory_space<hbm>> -> memref<2048xf32, #tpu.memory_space<hbm>>
    %dma_start3A_87 = arith.constant 12288 : i32
    %dma_start3A_88 = tpu.memref_slice %arg9[%dma_start3A_87] : memref<65536xf32, #tpu.memory_space<vmem>> -> memref<2048xf32, #tpu.memory_space<vmem>>
    %dma_start3A_89 = tpu.memref_slice %arg3[%add3A_83] : memref<2097152xf32, #tpu.memory_space<hbm>> -> memref<2048xf32, #tpu.memory_space<hbm>>
    tpu.enqueue_dma source(%dma_start3A_89 : memref<2048xf32, #tpu.memory_space<hbm>>) target(%dma_start3A_88 : memref<2048xf32, #tpu.memory_space<vmem>>) target_semaphore(%arg24 : memref<!tpu.dma_semaphore, #tpu.memory_space<semaphore_mem>>)
    %add3A_90 = arith.constant 458752 : i32
    %add3A_91 = arith.addi %add3A_90, %mul3A_2 : i32
    %dma_start3A_92 = arith.constant 14336 : i32
    %dma_start3A_93 = tpu.memref_slice %arg9[%dma_start3A_92] : memref<65536xf32, #tpu.memory_space<vmem>> -> memref<2048xf32, #tpu.memory_space<vmem>>
    %dma_start3A_94 = tpu.memref_slice %arg3[%add3A_91] : memref<2097152xf32, #tpu.memory_space<hbm>> -> memref<2048xf32, #tpu.memory_space<hbm>>
    %dma_start3A_95 = arith.constant 14336 : i32
    %dma_start3A_96 = tpu.memref_slice %arg9[%dma_start3A_95] : memref<65536xf32, #tpu.memory_space<vmem>> -> memref<2048xf32, #tpu.memory_space<vmem>>
    %dma_start3A_97 = tpu.memref_slice %arg3[%add3A_91] : memref<2097152xf32, #tpu.memory_space<hbm>> -> memref<2048xf32, #tpu.memory_space<hbm>>
    tpu.enqueue_dma source(%dma_start3A_97 : memref<2048xf32, #tpu.memory_space<hbm>>) target(%dma_start3A_96 : memref<2048xf32, #tpu.memory_space<vmem>>) target_semaphore(%arg24 : memref<!tpu.dma_semaphore, #tpu.memory_space<semaphore_mem>>)
    %add3A_98 = arith.constant 524288 : i32
    %add3A_99 = arith.addi %add3A_98, %mul3A_2 : i32
    %dma_start3A_100 = arith.constant 16384 : i32
    %dma_start3A_101 = tpu.memref_slice %arg9[%dma_start3A_100] : memref<65536xf32, #tpu.memory_space<vmem>> -> memref<2048xf32, #tpu.memory_space<vmem>>
    %dma_start3A_102 = tpu.memref_slice %arg3[%add3A_99] : memref<2097152xf32, #tpu.memory_space<hbm>> -> memref<2048xf32, #tpu.memory_space<hbm>>
    %dma_start3A_103 = arith.constant 16384 : i32
    %dma_start3A_104 = tpu.memref_slice %arg9[%dma_start3A_103] : memref<65536xf32, #tpu.memory_space<vmem>> -> memref<2048xf32, #tpu.memory_space<vmem>>
    %dma_start3A_105 = tpu.memref_slice %arg3[%add3A_99] : memref<2097152xf32, #tpu.memory_space<hbm>> -> memref<2048xf32, #tpu.memory_space<hbm>>
    tpu.enqueue_dma source(%dma_start3A_105 : memref<2048xf32, #tpu.memory_space<hbm>>) target(%dma_start3A_104 : memref<2048xf32, #tpu.memory_space<vmem>>) target_semaphore(%arg24 : memref<!tpu.dma_semaphore, #tpu.memory_space<semaphore_mem>>)
    %add3A_106 = arith.constant 589824 : i32
    %add3A_107 = arith.addi %add3A_106, %mul3A_2 : i32
    %dma_start3A_108 = arith.constant 18432 : i32
    %dma_start3A_109 = tpu.memref_slice %arg9[%dma_start3A_108] : memref<65536xf32, #tpu.memory_space<vmem>> -> memref<2048xf32, #tpu.memory_space<vmem>>
    %dma_start3A_110 = tpu.memref_slice %arg3[%add3A_107] : memref<2097152xf32, #tpu.memory_space<hbm>> -> memref<2048xf32, #tpu.memory_space<hbm>>
    %dma_start3A_111 = arith.constant 18432 : i32
    %dma_start3A_112 = tpu.memref_slice %arg9[%dma_start3A_111] : memref<65536xf32, #tpu.memory_space<vmem>> -> memref<2048xf32, #tpu.memory_space<vmem>>
    %dma_start3A_113 = tpu.memref_slice %arg3[%add3A_107] : memref<2097152xf32, #tpu.memory_space<hbm>> -> memref<2048xf32, #tpu.memory_space<hbm>>
    tpu.enqueue_dma source(%dma_start3A_113 : memref<2048xf32, #tpu.memory_space<hbm>>) target(%dma_start3A_112 : memref<2048xf32, #tpu.memory_space<vmem>>) target_semaphore(%arg24 : memref<!tpu.dma_semaphore, #tpu.memory_space<semaphore_mem>>)
    %add3A_114 = arith.constant 655360 : i32
    %add3A_115 = arith.addi %add3A_114, %mul3A_2 : i32
    %dma_start3A_116 = arith.constant 20480 : i32
    %dma_start3A_117 = tpu.memref_slice %arg9[%dma_start3A_116] : memref<65536xf32, #tpu.memory_space<vmem>> -> memref<2048xf32, #tpu.memory_space<vmem>>
    %dma_start3A_118 = tpu.memref_slice %arg3[%add3A_115] : memref<2097152xf32, #tpu.memory_space<hbm>> -> memref<2048xf32, #tpu.memory_space<hbm>>
    %dma_start3A_119 = arith.constant 20480 : i32
    %dma_start3A_120 = tpu.memref_slice %arg9[%dma_start3A_119] : memref<65536xf32, #tpu.memory_space<vmem>> -> memref<2048xf32, #tpu.memory_space<vmem>>
    %dma_start3A_121 = tpu.memref_slice %arg3[%add3A_115] : memref<2097152xf32, #tpu.memory_space<hbm>> -> memref<2048xf32, #tpu.memory_space<hbm>>
    tpu.enqueue_dma source(%dma_start3A_121 : memref<2048xf32, #tpu.memory_space<hbm>>) target(%dma_start3A_120 : memref<2048xf32, #tpu.memory_space<vmem>>) target_semaphore(%arg24 : memref<!tpu.dma_semaphore, #tpu.memory_space<semaphore_mem>>)
    %add3A_122 = arith.constant 720896 : i32
    %add3A_123 = arith.addi %add3A_122, %mul3A_2 : i32
    %dma_start3A_124 = arith.constant 22528 : i32
    %dma_start3A_125 = tpu.memref_slice %arg9[%dma_start3A_124] : memref<65536xf32, #tpu.memory_space<vmem>> -> memref<2048xf32, #tpu.memory_space<vmem>>
    %dma_start3A_126 = tpu.memref_slice %arg3[%add3A_123] : memref<2097152xf32, #tpu.memory_space<hbm>> -> memref<2048xf32, #tpu.memory_space<hbm>>
    %dma_start3A_127 = arith.constant 22528 : i32
    %dma_start3A_128 = tpu.memref_slice %arg9[%dma_start3A_127] : memref<65536xf32, #tpu.memory_space<vmem>> -> memref<2048xf32, #tpu.memory_space<vmem>>
    %dma_start3A_129 = tpu.memref_slice %arg3[%add3A_123] : memref<2097152xf32, #tpu.memory_space<hbm>> -> memref<2048xf32, #tpu.memory_space<hbm>>
    tpu.enqueue_dma source(%dma_start3A_129 : memref<2048xf32, #tpu.memory_space<hbm>>) target(%dma_start3A_128 : memref<2048xf32, #tpu.memory_space<vmem>>) target_semaphore(%arg24 : memref<!tpu.dma_semaphore, #tpu.memory_space<semaphore_mem>>)
    %add3A_130 = arith.constant 786432 : i32
    %add3A_131 = arith.addi %add3A_130, %mul3A_2 : i32
    %dma_start3A_132 = arith.constant 24576 : i32
    %dma_start3A_133 = tpu.memref_slice %arg9[%dma_start3A_132] : memref<65536xf32, #tpu.memory_space<vmem>> -> memref<2048xf32, #tpu.memory_space<vmem>>
    %dma_start3A_134 = tpu.memref_slice %arg3[%add3A_131] : memref<2097152xf32, #tpu.memory_space<hbm>> -> memref<2048xf32, #tpu.memory_space<hbm>>
    %dma_start3A_135 = arith.constant 24576 : i32
    %dma_start3A_136 = tpu.memref_slice %arg9[%dma_start3A_135] : memref<65536xf32, #tpu.memory_space<vmem>> -> memref<2048xf32, #tpu.memory_space<vmem>>
    %dma_start3A_137 = tpu.memref_slice %arg3[%add3A_131] : memref<2097152xf32, #tpu.memory_space<hbm>> -> memref<2048xf32, #tpu.memory_space<hbm>>
    tpu.enqueue_dma source(%dma_start3A_137 : memref<2048xf32, #tpu.memory_space<hbm>>) target(%dma_start3A_136 : memref<2048xf32, #tpu.memory_space<vmem>>) target_semaphore(%arg24 : memref<!tpu.dma_semaphore, #tpu.memory_space<semaphore_mem>>)
    %add3A_138 = arith.constant 851968 : i32
    %add3A_139 = arith.addi %add3A_138, %mul3A_2 : i32
    %dma_start3A_140 = arith.constant 26624 : i32
    %dma_start3A_141 = tpu.memref_slice %arg9[%dma_start3A_140] : memref<65536xf32, #tpu.memory_space<vmem>> -> memref<2048xf32, #tpu.memory_space<vmem>>
    %dma_start3A_142 = tpu.memref_slice %arg3[%add3A_139] : memref<2097152xf32, #tpu.memory_space<hbm>> -> memref<2048xf32, #tpu.memory_space<hbm>>
    %dma_start3A_143 = arith.constant 26624 : i32
    %dma_start3A_144 = tpu.memref_slice %arg9[%dma_start3A_143] : memref<65536xf32, #tpu.memory_space<vmem>> -> memref<2048xf32, #tpu.memory_space<vmem>>
    %dma_start3A_145 = tpu.memref_slice %arg3[%add3A_139] : memref<2097152xf32, #tpu.memory_space<hbm>> -> memref<2048xf32, #tpu.memory_space<hbm>>
    tpu.enqueue_dma source(%dma_start3A_145 : memref<2048xf32, #tpu.memory_space<hbm>>) target(%dma_start3A_144 : memref<2048xf32, #tpu.memory_space<vmem>>) target_semaphore(%arg24 : memref<!tpu.dma_semaphore, #tpu.memory_space<semaphore_mem>>)
    %add3A_146 = arith.constant 917504 : i32
    %add3A_147 = arith.addi %add3A_146, %mul3A_2 : i32
    %dma_start3A_148 = arith.constant 28672 : i32
    %dma_start3A_149 = tpu.memref_slice %arg9[%dma_start3A_148] : memref<65536xf32, #tpu.memory_space<vmem>> -> memref<2048xf32, #tpu.memory_space<vmem>>
    %dma_start3A_150 = tpu.memref_slice %arg3[%add3A_147] : memref<2097152xf32, #tpu.memory_space<hbm>> -> memref<2048xf32, #tpu.memory_space<hbm>>
    %dma_start3A_151 = arith.constant 28672 : i32
    %dma_start3A_152 = tpu.memref_slice %arg9[%dma_start3A_151] : memref<65536xf32, #tpu.memory_space<vmem>> -> memref<2048xf32, #tpu.memory_space<vmem>>
    %dma_start3A_153 = tpu.memref_slice %arg3[%add3A_147] : memref<2097152xf32, #tpu.memory_space<hbm>> -> memref<2048xf32, #tpu.memory_space<hbm>>
    tpu.enqueue_dma source(%dma_start3A_153 : memref<2048xf32, #tpu.memory_space<hbm>>) target(%dma_start3A_152 : memref<2048xf32, #tpu.memory_space<vmem>>) target_semaphore(%arg24 : memref<!tpu.dma_semaphore, #tpu.memory_space<semaphore_mem>>)
    %add3A_154 = arith.constant 983040 : i32
    %add3A_155 = arith.addi %add3A_154, %mul3A_2 : i32
    %dma_start3A_156 = arith.constant 30720 : i32
    %dma_start3A_157 = tpu.memref_slice %arg9[%dma_start3A_156] : memref<65536xf32, #tpu.memory_space<vmem>> -> memref<2048xf32, #tpu.memory_space<vmem>>
    %dma_start3A_158 = tpu.memref_slice %arg3[%add3A_155] : memref<2097152xf32, #tpu.memory_space<hbm>> -> memref<2048xf32, #tpu.memory_space<hbm>>
    %dma_start3A_159 = arith.constant 30720 : i32
    %dma_start3A_160 = tpu.memref_slice %arg9[%dma_start3A_159] : memref<65536xf32, #tpu.memory_space<vmem>> -> memref<2048xf32, #tpu.memory_space<vmem>>
    %dma_start3A_161 = tpu.memref_slice %arg3[%add3A_155] : memref<2097152xf32, #tpu.memory_space<hbm>> -> memref<2048xf32, #tpu.memory_space<hbm>>
    tpu.enqueue_dma source(%dma_start3A_161 : memref<2048xf32, #tpu.memory_space<hbm>>) target(%dma_start3A_160 : memref<2048xf32, #tpu.memory_space<vmem>>) target_semaphore(%arg24 : memref<!tpu.dma_semaphore, #tpu.memory_space<semaphore_mem>>)
    %add3A_162 = arith.constant 1048576 : i32
    %add3A_163 = arith.addi %add3A_162, %mul3A_2 : i32
    %dma_start3A_164 = arith.constant 32768 : i32
    %dma_start3A_165 = tpu.memref_slice %arg9[%dma_start3A_164] : memref<65536xf32, #tpu.memory_space<vmem>> -> memref<2048xf32, #tpu.memory_space<vmem>>
    %dma_start3A_166 = tpu.memref_slice %arg3[%add3A_163] : memref<2097152xf32, #tpu.memory_space<hbm>> -> memref<2048xf32, #tpu.memory_space<hbm>>
    %dma_start3A_167 = arith.constant 32768 : i32
    %dma_start3A_168 = tpu.memref_slice %arg9[%dma_start3A_167] : memref<65536xf32, #tpu.memory_space<vmem>> -> memref<2048xf32, #tpu.memory_space<vmem>>
    %dma_start3A_169 = tpu.memref_slice %arg3[%add3A_163] : memref<2097152xf32, #tpu.memory_space<hbm>> -> memref<2048xf32, #tpu.memory_space<hbm>>
    tpu.enqueue_dma source(%dma_start3A_169 : memref<2048xf32, #tpu.memory_space<hbm>>) target(%dma_start3A_168 : memref<2048xf32, #tpu.memory_space<vmem>>) target_semaphore(%arg24 : memref<!tpu.dma_semaphore, #tpu.memory_space<semaphore_mem>>)
    %add3A_170 = arith.constant 1114112 : i32
    %add3A_171 = arith.addi %add3A_170, %mul3A_2 : i32
    %dma_start3A_172 = arith.constant 34816 : i32
    %dma_start3A_173 = tpu.memref_slice %arg9[%dma_start3A_172] : memref<65536xf32, #tpu.memory_space<vmem>> -> memref<2048xf32, #tpu.memory_space<vmem>>
    %dma_start3A_174 = tpu.memref_slice %arg3[%add3A_171] : memref<2097152xf32, #tpu.memory_space<hbm>> -> memref<2048xf32, #tpu.memory_space<hbm>>
    %dma_start3A_175 = arith.constant 34816 : i32
    %dma_start3A_176 = tpu.memref_slice %arg9[%dma_start3A_175] : memref<65536xf32, #tpu.memory_space<vmem>> -> memref<2048xf32, #tpu.memory_space<vmem>>
    %dma_start3A_177 = tpu.memref_slice %arg3[%add3A_171] : memref<2097152xf32, #tpu.memory_space<hbm>> -> memref<2048xf32, #tpu.memory_space<hbm>>
    tpu.enqueue_dma source(%dma_start3A_177 : memref<2048xf32, #tpu.memory_space<hbm>>) target(%dma_start3A_176 : memref<2048xf32, #tpu.memory_space<vmem>>) target_semaphore(%arg24 : memref<!tpu.dma_semaphore, #tpu.memory_space<semaphore_mem>>)
    %add3A_178 = arith.constant 1179648 : i32
    %add3A_179 = arith.addi %add3A_178, %mul3A_2 : i32
    %dma_start3A_180 = arith.constant 36864 : i32
    %dma_start3A_181 = tpu.memref_slice %arg9[%dma_start3A_180] : memref<65536xf32, #tpu.memory_space<vmem>> -> memref<2048xf32, #tpu.memory_space<vmem>>
    %dma_start3A_182 = tpu.memref_slice %arg3[%add3A_179] : memref<2097152xf32, #tpu.memory_space<hbm>> -> memref<2048xf32, #tpu.memory_space<hbm>>
    %dma_start3A_183 = arith.constant 36864 : i32
    %dma_start3A_184 = tpu.memref_slice %arg9[%dma_start3A_183] : memref<65536xf32, #tpu.memory_space<vmem>> -> memref<2048xf32, #tpu.memory_space<vmem>>
    %dma_start3A_185 = tpu.memref_slice %arg3[%add3A_179] : memref<2097152xf32, #tpu.memory_space<hbm>> -> memref<2048xf32, #tpu.memory_space<hbm>>
    tpu.enqueue_dma source(%dma_start3A_185 : memref<2048xf32, #tpu.memory_space<hbm>>) target(%dma_start3A_184 : memref<2048xf32, #tpu.memory_space<vmem>>) target_semaphore(%arg24 : memref<!tpu.dma_semaphore, #tpu.memory_space<semaphore_mem>>)
    %add3A_186 = arith.constant 1245184 : i32
    %add3A_187 = arith.addi %add3A_186, %mul3A_2 : i32
    %dma_start3A_188 = arith.constant 38912 : i32
    %dma_start3A_189 = tpu.memref_slice %arg9[%dma_start3A_188] : memref<65536xf32, #tpu.memory_space<vmem>> -> memref<2048xf32, #tpu.memory_space<vmem>>
    %dma_start3A_190 = tpu.memref_slice %arg3[%add3A_187] : memref<2097152xf32, #tpu.memory_space<hbm>> -> memref<2048xf32, #tpu.memory_space<hbm>>
    %dma_start3A_191 = arith.constant 38912 : i32
    %dma_start3A_192 = tpu.memref_slice %arg9[%dma_start3A_191] : memref<65536xf32, #tpu.memory_space<vmem>> -> memref<2048xf32, #tpu.memory_space<vmem>>
    %dma_start3A_193 = tpu.memref_slice %arg3[%add3A_187] : memref<2097152xf32, #tpu.memory_space<hbm>> -> memref<2048xf32, #tpu.memory_space<hbm>>
    tpu.enqueue_dma source(%dma_start3A_193 : memref<2048xf32, #tpu.memory_space<hbm>>) target(%dma_start3A_192 : memref<2048xf32, #tpu.memory_space<vmem>>) target_semaphore(%arg24 : memref<!tpu.dma_semaphore, #tpu.memory_space<semaphore_mem>>)
    %add3A_194 = arith.constant 1310720 : i32
    %add3A_195 = arith.addi %add3A_194, %mul3A_2 : i32
    %dma_start3A_196 = arith.constant 40960 : i32
    %dma_start3A_197 = tpu.memref_slice %arg9[%dma_start3A_196] : memref<65536xf32, #tpu.memory_space<vmem>> -> memref<2048xf32, #tpu.memory_space<vmem>>
    %dma_start3A_198 = tpu.memref_slice %arg3[%add3A_195] : memref<2097152xf32, #tpu.memory_space<hbm>> -> memref<2048xf32, #tpu.memory_space<hbm>>
    %dma_start3A_199 = arith.constant 40960 : i32
    %dma_start3A_200 = tpu.memref_slice %arg9[%dma_start3A_199] : memref<65536xf32, #tpu.memory_space<vmem>> -> memref<2048xf32, #tpu.memory_space<vmem>>
    %dma_start3A_201 = tpu.memref_slice %arg3[%add3A_195] : memref<2097152xf32, #tpu.memory_space<hbm>> -> memref<2048xf32, #tpu.memory_space<hbm>>
    tpu.enqueue_dma source(%dma_start3A_201 : memref<2048xf32, #tpu.memory_space<hbm>>) target(%dma_start3A_200 : memref<2048xf32, #tpu.memory_space<vmem>>) target_semaphore(%arg24 : memref<!tpu.dma_semaphore, #tpu.memory_space<semaphore_mem>>)
    %add3A_202 = arith.constant 1376256 : i32
    %add3A_203 = arith.addi %add3A_202, %mul3A_2 : i32
    %dma_start3A_204 = arith.constant 43008 : i32
    %dma_start3A_205 = tpu.memref_slice %arg9[%dma_start3A_204] : memref<65536xf32, #tpu.memory_space<vmem>> -> memref<2048xf32, #tpu.memory_space<vmem>>
    %dma_start3A_206 = tpu.memref_slice %arg3[%add3A_203] : memref<2097152xf32, #tpu.memory_space<hbm>> -> memref<2048xf32, #tpu.memory_space<hbm>>
    %dma_start3A_207 = arith.constant 43008 : i32
    %dma_start3A_208 = tpu.memref_slice %arg9[%dma_start3A_207] : memref<65536xf32, #tpu.memory_space<vmem>> -> memref<2048xf32, #tpu.memory_space<vmem>>
    %dma_start3A_209 = tpu.memref_slice %arg3[%add3A_203] : memref<2097152xf32, #tpu.memory_space<hbm>> -> memref<2048xf32, #tpu.memory_space<hbm>>
    tpu.enqueue_dma source(%dma_start3A_209 : memref<2048xf32, #tpu.memory_space<hbm>>) target(%dma_start3A_208 : memref<2048xf32, #tpu.memory_space<vmem>>) target_semaphore(%arg24 : memref<!tpu.dma_semaphore, #tpu.memory_space<semaphore_mem>>)
    %add3A_210 = arith.constant 1441792 : i32
    %add3A_211 = arith.addi %add3A_210, %mul3A_2 : i32
    %dma_start3A_212 = arith.constant 45056 : i32
    %dma_start3A_213 = tpu.memref_slice %arg9[%dma_start3A_212] : memref<65536xf32, #tpu.memory_space<vmem>> -> memref<2048xf32, #tpu.memory_space<vmem>>
    %dma_start3A_214 = tpu.memref_slice %arg3[%add3A_211] : memref<2097152xf32, #tpu.memory_space<hbm>> -> memref<2048xf32, #tpu.memory_space<hbm>>
    %dma_start3A_215 = arith.constant 45056 : i32
    %dma_start3A_216 = tpu.memref_slice %arg9[%dma_start3A_215] : memref<65536xf32, #tpu.memory_space<vmem>> -> memref<2048xf32, #tpu.memory_space<vmem>>
    %dma_start3A_217 = tpu.memref_slice %arg3[%add3A_211] : memref<2097152xf32, #tpu.memory_space<hbm>> -> memref<2048xf32, #tpu.memory_space<hbm>>
    tpu.enqueue_dma source(%dma_start3A_217 : memref<2048xf32, #tpu.memory_space<hbm>>) target(%dma_start3A_216 : memref<2048xf32, #tpu.memory_space<vmem>>) target_semaphore(%arg24 : memref<!tpu.dma_semaphore, #tpu.memory_space<semaphore_mem>>)
    %add3A_218 = arith.constant 1507328 : i32
    %add3A_219 = arith.addi %add3A_218, %mul3A_2 : i32
    %dma_start3A_220 = arith.constant 47104 : i32
    %dma_start3A_221 = tpu.memref_slice %arg9[%dma_start3A_220] : memref<65536xf32, #tpu.memory_space<vmem>> -> memref<2048xf32, #tpu.memory_space<vmem>>
    %dma_start3A_222 = tpu.memref_slice %arg3[%add3A_219] : memref<2097152xf32, #tpu.memory_space<hbm>> -> memref<2048xf32, #tpu.memory_space<hbm>>
    %dma_start3A_223 = arith.constant 47104 : i32
    %dma_start3A_224 = tpu.memref_slice %arg9[%dma_start3A_223] : memref<65536xf32, #tpu.memory_space<vmem>> -> memref<2048xf32, #tpu.memory_space<vmem>>
    %dma_start3A_225 = tpu.memref_slice %arg3[%add3A_219] : memref<2097152xf32, #tpu.memory_space<hbm>> -> memref<2048xf32, #tpu.memory_space<hbm>>
    tpu.enqueue_dma source(%dma_start3A_225 : memref<2048xf32, #tpu.memory_space<hbm>>) target(%dma_start3A_224 : memref<2048xf32, #tpu.memory_space<vmem>>) target_semaphore(%arg24 : memref<!tpu.dma_semaphore, #tpu.memory_space<semaphore_mem>>)
    %add3A_226 = arith.constant 1572864 : i32
    %add3A_227 = arith.addi %add3A_226, %mul3A_2 : i32
    %dma_start3A_228 = arith.constant 49152 : i32
    %dma_start3A_229 = tpu.memref_slice %arg9[%dma_start3A_228] : memref<65536xf32, #tpu.memory_space<vmem>> -> memref<2048xf32, #tpu.memory_space<vmem>>
    %dma_start3A_230 = tpu.memref_slice %arg3[%add3A_227] : memref<2097152xf32, #tpu.memory_space<hbm>> -> memref<2048xf32, #tpu.memory_space<hbm>>
    %dma_start3A_231 = arith.constant 49152 : i32
    %dma_start3A_232 = tpu.memref_slice %arg9[%dma_start3A_231] : memref<65536xf32, #tpu.memory_space<vmem>> -> memref<2048xf32, #tpu.memory_space<vmem>>
    %dma_start3A_233 = tpu.memref_slice %arg3[%add3A_227] : memref<2097152xf32, #tpu.memory_space<hbm>> -> memref<2048xf32, #tpu.memory_space<hbm>>
    tpu.enqueue_dma source(%dma_start3A_233 : memref<2048xf32, #tpu.memory_space<hbm>>) target(%dma_start3A_232 : memref<2048xf32, #tpu.memory_space<vmem>>) target_semaphore(%arg24 : memref<!tpu.dma_semaphore, #tpu.memory_space<semaphore_mem>>)
    %add3A_234 = arith.constant 1638400 : i32
    %add3A_235 = arith.addi %add3A_234, %mul3A_2 : i32
    %dma_start3A_236 = arith.constant 51200 : i32
    %dma_start3A_237 = tpu.memref_slice %arg9[%dma_start3A_236] : memref<65536xf32, #tpu.memory_space<vmem>> -> memref<2048xf32, #tpu.memory_space<vmem>>
    %dma_start3A_238 = tpu.memref_slice %arg3[%add3A_235] : memref<2097152xf32, #tpu.memory_space<hbm>> -> memref<2048xf32, #tpu.memory_space<hbm>>
    %dma_start3A_239 = arith.constant 51200 : i32
    %dma_start3A_240 = tpu.memref_slice %arg9[%dma_start3A_239] : memref<65536xf32, #tpu.memory_space<vmem>> -> memref<2048xf32, #tpu.memory_space<vmem>>
    %dma_start3A_241 = tpu.memref_slice %arg3[%add3A_235] : memref<2097152xf32, #tpu.memory_space<hbm>> -> memref<2048xf32, #tpu.memory_space<hbm>>
    tpu.enqueue_dma source(%dma_start3A_241 : memref<2048xf32, #tpu.memory_space<hbm>>) target(%dma_start3A_240 : memref<2048xf32, #tpu.memory_space<vmem>>) target_semaphore(%arg24 : memref<!tpu.dma_semaphore, #tpu.memory_space<semaphore_mem>>)
    %add3A_242 = arith.constant 1703936 : i32
    %add3A_243 = arith.addi %add3A_242, %mul3A_2 : i32
    %dma_start3A_244 = arith.constant 53248 : i32
    %dma_start3A_245 = tpu.memref_slice %arg9[%dma_start3A_244] : memref<65536xf32, #tpu.memory_space<vmem>> -> memref<2048xf32, #tpu.memory_space<vmem>>
    %dma_start3A_246 = tpu.memref_slice %arg3[%add3A_243] : memref<2097152xf32, #tpu.memory_space<hbm>> -> memref<2048xf32, #tpu.memory_space<hbm>>
    %dma_start3A_247 = arith.constant 53248 : i32
    %dma_start3A_248 = tpu.memref_slice %arg9[%dma_start3A_247] : memref<65536xf32, #tpu.memory_space<vmem>> -> memref<2048xf32, #tpu.memory_space<vmem>>
    %dma_start3A_249 = tpu.memref_slice %arg3[%add3A_243] : memref<2097152xf32, #tpu.memory_space<hbm>> -> memref<2048xf32, #tpu.memory_space<hbm>>
    tpu.enqueue_dma source(%dma_start3A_249 : memref<2048xf32, #tpu.memory_space<hbm>>) target(%dma_start3A_248 : memref<2048xf32, #tpu.memory_space<vmem>>) target_semaphore(%arg24 : memref<!tpu.dma_semaphore, #tpu.memory_space<semaphore_mem>>)
    %add3A_250 = arith.constant 1769472 : i32
    %add3A_251 = arith.addi %add3A_250, %mul3A_2 : i32
    %dma_start3A_252 = arith.constant 55296 : i32
    %dma_start3A_253 = tpu.memref_slice %arg9[%dma_start3A_252] : memref<65536xf32, #tpu.memory_space<vmem>> -> memref<2048xf32, #tpu.memory_space<vmem>>
    %dma_start3A_254 = tpu.memref_slice %arg3[%add3A_251] : memref<2097152xf32, #tpu.memory_space<hbm>> -> memref<2048xf32, #tpu.memory_space<hbm>>
    %dma_start3A_255 = arith.constant 55296 : i32
    %dma_start3A_256 = tpu.memref_slice %arg9[%dma_start3A_255] : memref<65536xf32, #tpu.memory_space<vmem>> -> memref<2048xf32, #tpu.memory_space<vmem>>
    %dma_start3A_257 = tpu.memref_slice %arg3[%add3A_251] : memref<2097152xf32, #tpu.memory_space<hbm>> -> memref<2048xf32, #tpu.memory_space<hbm>>
    tpu.enqueue_dma source(%dma_start3A_257 : memref<2048xf32, #tpu.memory_space<hbm>>) target(%dma_start3A_256 : memref<2048xf32, #tpu.memory_space<vmem>>) target_semaphore(%arg24 : memref<!tpu.dma_semaphore, #tpu.memory_space<semaphore_mem>>)
    %add3A_258 = arith.constant 1835008 : i32
    %add3A_259 = arith.addi %add3A_258, %mul3A_2 : i32
    %dma_start3A_260 = arith.constant 57344 : i32
    %dma_start3A_261 = tpu.memref_slice %arg9[%dma_start3A_260] : memref<65536xf32, #tpu.memory_space<vmem>> -> memref<2048xf32, #tpu.memory_space<vmem>>
    %dma_start3A_262 = tpu.memref_slice %arg3[%add3A_259] : memref<2097152xf32, #tpu.memory_space<hbm>> -> memref<2048xf32, #tpu.memory_space<hbm>>
    %dma_start3A_263 = arith.constant 57344 : i32
    %dma_start3A_264 = tpu.memref_slice %arg9[%dma_start3A_263] : memref<65536xf32, #tpu.memory_space<vmem>> -> memref<2048xf32, #tpu.memory_space<vmem>>
    %dma_start3A_265 = tpu.memref_slice %arg3[%add3A_259] : memref<2097152xf32, #tpu.memory_space<hbm>> -> memref<2048xf32, #tpu.memory_space<hbm>>
    tpu.enqueue_dma source(%dma_start3A_265 : memref<2048xf32, #tpu.memory_space<hbm>>) target(%dma_start3A_264 : memref<2048xf32, #tpu.memory_space<vmem>>) target_semaphore(%arg24 : memref<!tpu.dma_semaphore, #tpu.memory_space<semaphore_mem>>)
    %add3A_266 = arith.constant 1900544 : i32
    %add3A_267 = arith.addi %add3A_266, %mul3A_2 : i32
    %dma_start3A_268 = arith.constant 59392 : i32
    %dma_start3A_269 = tpu.memref_slice %arg9[%dma_start3A_268] : memref<65536xf32, #tpu.memory_space<vmem>> -> memref<2048xf32, #tpu.memory_space<vmem>>
    %dma_start3A_270 = tpu.memref_slice %arg3[%add3A_267] : memref<2097152xf32, #tpu.memory_space<hbm>> -> memref<2048xf32, #tpu.memory_space<hbm>>
    %dma_start3A_271 = arith.constant 59392 : i32
    %dma_start3A_272 = tpu.memref_slice %arg9[%dma_start3A_271] : memref<65536xf32, #tpu.memory_space<vmem>> -> memref<2048xf32, #tpu.memory_space<vmem>>
    %dma_start3A_273 = tpu.memref_slice %arg3[%add3A_267] : memref<2097152xf32, #tpu.memory_space<hbm>> -> memref<2048xf32, #tpu.memory_space<hbm>>
    tpu.enqueue_dma source(%dma_start3A_273 : memref<2048xf32, #tpu.memory_space<hbm>>) target(%dma_start3A_272 : memref<2048xf32, #tpu.memory_space<vmem>>) target_semaphore(%arg24 : memref<!tpu.dma_semaphore, #tpu.memory_space<semaphore_mem>>)
    %add3A_274 = arith.constant 1966080 : i32
    %add3A_275 = arith.addi %add3A_274, %mul3A_2 : i32
    %dma_start3A_276 = arith.constant 61440 : i32
    %dma_start3A_277 = tpu.memref_slice %arg9[%dma_start3A_276] : memref<65536xf32, #tpu.memory_space<vmem>> -> memref<2048xf32, #tpu.memory_space<vmem>>
    %dma_start3A_278 = tpu.memref_slice %arg3[%add3A_275] : memref<2097152xf32, #tpu.memory_space<hbm>> -> memref<2048xf32, #tpu.memory_space<hbm>>
    %dma_start3A_279 = arith.constant 61440 : i32
    %dma_start3A_280 = tpu.memref_slice %arg9[%dma_start3A_279] : memref<65536xf32, #tpu.memory_space<vmem>> -> memref<2048xf32, #tpu.memory_space<vmem>>
    %dma_start3A_281 = tpu.memref_slice %arg3[%add3A_275] : memref<2097152xf32, #tpu.memory_space<hbm>> -> memref<2048xf32, #tpu.memory_space<hbm>>
    tpu.enqueue_dma source(%dma_start3A_281 : memref<2048xf32, #tpu.memory_space<hbm>>) target(%dma_start3A_280 : memref<2048xf32, #tpu.memory_space<vmem>>) target_semaphore(%arg24 : memref<!tpu.dma_semaphore, #tpu.memory_space<semaphore_mem>>)
    %add3A_282 = arith.constant 2031616 : i32
    %add3A_283 = arith.addi %add3A_282, %mul3A_2 : i32
    %dma_start3A_284 = arith.constant 63488 : i32
    %dma_start3A_285 = tpu.memref_slice %arg9[%dma_start3A_284] : memref<65536xf32, #tpu.memory_space<vmem>> -> memref<2048xf32, #tpu.memory_space<vmem>>
    %dma_start3A_286 = tpu.memref_slice %arg3[%add3A_283] : memref<2097152xf32, #tpu.memory_space<hbm>> -> memref<2048xf32, #tpu.memory_space<hbm>>
    %dma_start3A_287 = arith.constant 63488 : i32
    %dma_start3A_288 = tpu.memref_slice %arg9[%dma_start3A_287] : memref<65536xf32, #tpu.memory_space<vmem>> -> memref<2048xf32, #tpu.memory_space<vmem>>
    %dma_start3A_289 = tpu.memref_slice %arg3[%add3A_283] : memref<2097152xf32, #tpu.memory_space<hbm>> -> memref<2048xf32, #tpu.memory_space<hbm>>
    tpu.enqueue_dma source(%dma_start3A_289 : memref<2048xf32, #tpu.memory_space<hbm>>) target(%dma_start3A_288 : memref<2048xf32, #tpu.memory_space<vmem>>) target_semaphore(%arg24 : memref<!tpu.dma_semaphore, #tpu.memory_space<semaphore_mem>>)
    tpu.enqueue_dma source(%arg4 : memref<64xf32, #tpu.memory_space<hbm>>) target(%arg22 : memref<64xf32, #tpu.memory_space<vmem>>) target_semaphore(%arg24 : memref<!tpu.dma_semaphore, #tpu.memory_space<semaphore_mem>>)
    tpu.enqueue_dma source(%arg5 : memref<32xf32, #tpu.memory_space<hbm>>) target(%arg23 : memref<32xf32, #tpu.memory_space<vmem>>) target_semaphore(%arg24 : memref<!tpu.dma_semaphore, #tpu.memory_space<semaphore_mem>>)
    %dma_start3A_290 = arith.constant 0 : i32
    %dma_start3A_291 = tpu.memref_slice %arg6[%dma_start3A_290] : memref<8224xf32, #tpu.memory_space<hbm>> -> memref<264xf32, #tpu.memory_space<hbm>>
    %dma_start3A_292 = arith.constant 0 : i32
    %dma_start3A_293 = tpu.memref_slice %arg6[%dma_start3A_292] : memref<8224xf32, #tpu.memory_space<hbm>> -> memref<264xf32, #tpu.memory_space<hbm>>
    tpu.enqueue_dma source(%dma_start3A_293 : memref<264xf32, #tpu.memory_space<hbm>>) target(%arg11 : memref<264xf32, #tpu.memory_space<vmem>>) target_semaphore(%arg24 : memref<!tpu.dma_semaphore, #tpu.memory_space<semaphore_mem>>)
    %dma_start3A_294 = arith.constant 0 : i32
    %dma_start3A_295 = tpu.memref_slice %arg6[%dma_start3A_294] : memref<8224xf32, #tpu.memory_space<hbm>> -> memref<264xf32, #tpu.memory_space<hbm>>
    %dma_start3A_296 = arith.constant 0 : i32
    %dma_start3A_297 = tpu.memref_slice %arg6[%dma_start3A_296] : memref<8224xf32, #tpu.memory_space<hbm>> -> memref<264xf32, #tpu.memory_space<hbm>>
    tpu.enqueue_dma source(%dma_start3A_297 : memref<264xf32, #tpu.memory_space<hbm>>) target(%arg12 : memref<264xf32, #tpu.memory_space<vmem>>) target_semaphore(%arg24 : memref<!tpu.dma_semaphore, #tpu.memory_space<semaphore_mem>>)
    %dma_start3A_298 = arith.constant 0 : i32
    %dma_start3A_299 = tpu.memref_slice %arg6[%dma_start3A_298] : memref<8224xf32, #tpu.memory_space<hbm>> -> memref<264xf32, #tpu.memory_space<hbm>>
    %dma_start3A_300 = arith.constant 0 : i32
    %dma_start3A_301 = tpu.memref_slice %arg6[%dma_start3A_300] : memref<8224xf32, #tpu.memory_space<hbm>> -> memref<264xf32, #tpu.memory_space<hbm>>
    tpu.enqueue_dma source(%dma_start3A_301 : memref<264xf32, #tpu.memory_space<hbm>>) target(%arg13 : memref<264xf32, #tpu.memory_space<vmem>>) target_semaphore(%arg24 : memref<!tpu.dma_semaphore, #tpu.memory_space<semaphore_mem>>)
    %dma_start3A_302 = arith.constant 0 : i32
    %dma_start3A_303 = tpu.memref_slice %arg6[%dma_start3A_302] : memref<8224xf32, #tpu.memory_space<hbm>> -> memref<4112xf32, #tpu.memory_space<hbm>>
    %dma_start3A_304 = arith.constant 0 : i32
    %dma_start3A_305 = tpu.memref_slice %arg6[%dma_start3A_304] : memref<8224xf32, #tpu.memory_space<hbm>> -> memref<4112xf32, #tpu.memory_space<hbm>>
    tpu.enqueue_dma source(%dma_start3A_305 : memref<4112xf32, #tpu.memory_space<hbm>>) target(%arg14 : memref<4112xf32, #tpu.memory_space<vmem>>) target_semaphore(%arg24 : memref<!tpu.dma_semaphore, #tpu.memory_space<semaphore_mem>>)
    %dma_start3A_306 = arith.constant 0 : i32
    %dma_start3A_307 = tpu.memref_slice %arg6[%dma_start3A_306] : memref<8224xf32, #tpu.memory_space<hbm>> -> memref<4112xf32, #tpu.memory_space<hbm>>
    %dma_start3A_308 = arith.constant 0 : i32
    %dma_start3A_309 = tpu.memref_slice %arg6[%dma_start3A_308] : memref<8224xf32, #tpu.memory_space<hbm>> -> memref<4112xf32, #tpu.memory_space<hbm>>
    tpu.enqueue_dma source(%dma_start3A_309 : memref<4112xf32, #tpu.memory_space<hbm>>) target(%arg15 : memref<4112xf32, #tpu.memory_space<vmem>>) target_semaphore(%arg24 : memref<!tpu.dma_semaphore, #tpu.memory_space<semaphore_mem>>)
    %dma_start3A_310 = arith.constant 0 : i32
    %dma_start3A_311 = tpu.memref_slice %arg6[%dma_start3A_310] : memref<8224xf32, #tpu.memory_space<hbm>> -> memref<4112xf32, #tpu.memory_space<hbm>>
    %dma_start3A_312 = arith.constant 0 : i32
    %dma_start3A_313 = tpu.memref_slice %arg6[%dma_start3A_312] : memref<8224xf32, #tpu.memory_space<hbm>> -> memref<4112xf32, #tpu.memory_space<hbm>>
    tpu.enqueue_dma source(%dma_start3A_313 : memref<4112xf32, #tpu.memory_space<hbm>>) target(%arg16 : memref<4112xf32, #tpu.memory_space<vmem>>) target_semaphore(%arg24 : memref<!tpu.dma_semaphore, #tpu.memory_space<semaphore_mem>>)
    %dma_start3A_314 = arith.constant 0 : i32
    %dma_start3A_315 = tpu.memref_slice %arg6[%dma_start3A_314] : memref<8224xf32, #tpu.memory_space<hbm>> -> memref<4112xf32, #tpu.memory_space<hbm>>
    %dma_start3A_316 = arith.constant 0 : i32
    %dma_start3A_317 = tpu.memref_slice %arg6[%dma_start3A_316] : memref<8224xf32, #tpu.memory_space<hbm>> -> memref<4112xf32, #tpu.memory_space<hbm>>
    tpu.enqueue_dma source(%dma_start3A_317 : memref<4112xf32, #tpu.memory_space<hbm>>) target(%arg17 : memref<4112xf32, #tpu.memory_space<vmem>>) target_semaphore(%arg24 : memref<!tpu.dma_semaphore, #tpu.memory_space<semaphore_mem>>)
    %dma_wait3A = arith.constant 0 : i32
    %dma_wait3A_318 = tpu.memref_slice %arg8[%dma_wait3A] : memref<8192xf32, #tpu.memory_space<vmem>> -> memref<2048xf32, #tpu.memory_space<vmem>>
    %dma_wait3A_319 = tpu.memref_slice %arg2[%add3A_4] : memref<262144xf32, #tpu.memory_space<hbm>> -> memref<2048xf32, #tpu.memory_space<hbm>>
    %dma_wait3A_320 = arith.constant 0 : i32
    %dma_wait3A_321 = tpu.memref_slice %arg8[%dma_wait3A_320] : memref<8192xf32, #tpu.memory_space<vmem>> -> memref<2048xf32, #tpu.memory_space<vmem>>
    %dma_wait3A_322 = tpu.memref_slice %arg2[%add3A_4] : memref<262144xf32, #tpu.memory_space<hbm>> -> memref<2048xf32, #tpu.memory_space<hbm>>
    tpu.wait_dma2 semaphore(%arg24 : memref<!tpu.dma_semaphore, #tpu.memory_space<semaphore_mem>>) src(%dma_wait3A_322 : memref<2048xf32, #tpu.memory_space<hbm>>) dst(%dma_wait3A_321 : memref<2048xf32, #tpu.memory_space<vmem>>)
    %dma_wait3A_323 = arith.constant 2048 : i32
    %dma_wait3A_324 = tpu.memref_slice %arg8[%dma_wait3A_323] : memref<8192xf32, #tpu.memory_space<vmem>> -> memref<2048xf32, #tpu.memory_space<vmem>>
    %dma_wait3A_325 = tpu.memref_slice %arg2[%add3A_11] : memref<262144xf32, #tpu.memory_space<hbm>> -> memref<2048xf32, #tpu.memory_space<hbm>>
    %dma_wait3A_326 = arith.constant 2048 : i32
    %dma_wait3A_327 = tpu.memref_slice %arg8[%dma_wait3A_326] : memref<8192xf32, #tpu.memory_space<vmem>> -> memref<2048xf32, #tpu.memory_space<vmem>>
    %dma_wait3A_328 = tpu.memref_slice %arg2[%add3A_11] : memref<262144xf32, #tpu.memory_space<hbm>> -> memref<2048xf32, #tpu.memory_space<hbm>>
    tpu.wait_dma2 semaphore(%arg24 : memref<!tpu.dma_semaphore, #tpu.memory_space<semaphore_mem>>) src(%dma_wait3A_328 : memref<2048xf32, #tpu.memory_space<hbm>>) dst(%dma_wait3A_327 : memref<2048xf32, #tpu.memory_space<vmem>>)
    %dma_wait3A_329 = arith.constant 4096 : i32
    %dma_wait3A_330 = tpu.memref_slice %arg8[%dma_wait3A_329] : memref<8192xf32, #tpu.memory_space<vmem>> -> memref<2048xf32, #tpu.memory_space<vmem>>
    %dma_wait3A_331 = tpu.memref_slice %arg2[%add3A_19] : memref<262144xf32, #tpu.memory_space<hbm>> -> memref<2048xf32, #tpu.memory_space<hbm>>
    %dma_wait3A_332 = arith.constant 4096 : i32
    %dma_wait3A_333 = tpu.memref_slice %arg8[%dma_wait3A_332] : memref<8192xf32, #tpu.memory_space<vmem>> -> memref<2048xf32, #tpu.memory_space<vmem>>
    %dma_wait3A_334 = tpu.memref_slice %arg2[%add3A_19] : memref<262144xf32, #tpu.memory_space<hbm>> -> memref<2048xf32, #tpu.memory_space<hbm>>
    tpu.wait_dma2 semaphore(%arg24 : memref<!tpu.dma_semaphore, #tpu.memory_space<semaphore_mem>>) src(%dma_wait3A_334 : memref<2048xf32, #tpu.memory_space<hbm>>) dst(%dma_wait3A_333 : memref<2048xf32, #tpu.memory_space<vmem>>)
    %dma_wait3A_335 = arith.constant 6144 : i32
    %dma_wait3A_336 = tpu.memref_slice %arg8[%dma_wait3A_335] : memref<8192xf32, #tpu.memory_space<vmem>> -> memref<2048xf32, #tpu.memory_space<vmem>>
    %dma_wait3A_337 = tpu.memref_slice %arg2[%add3A_27] : memref<262144xf32, #tpu.memory_space<hbm>> -> memref<2048xf32, #tpu.memory_space<hbm>>
    %dma_wait3A_338 = arith.constant 6144 : i32
    %dma_wait3A_339 = tpu.memref_slice %arg8[%dma_wait3A_338] : memref<8192xf32, #tpu.memory_space<vmem>> -> memref<2048xf32, #tpu.memory_space<vmem>>
    %dma_wait3A_340 = tpu.memref_slice %arg2[%add3A_27] : memref<262144xf32, #tpu.memory_space<hbm>> -> memref<2048xf32, #tpu.memory_space<hbm>>
    tpu.wait_dma2 semaphore(%arg24 : memref<!tpu.dma_semaphore, #tpu.memory_space<semaphore_mem>>) src(%dma_wait3A_340 : memref<2048xf32, #tpu.memory_space<hbm>>) dst(%dma_wait3A_339 : memref<2048xf32, #tpu.memory_space<vmem>>)
    %dma_wait3A_341 = arith.constant 0 : i32
    %dma_wait3A_342 = tpu.memref_slice %arg9[%dma_wait3A_341] : memref<65536xf32, #tpu.memory_space<vmem>> -> memref<2048xf32, #tpu.memory_space<vmem>>
    %dma_wait3A_343 = tpu.memref_slice %arg3[%add3A_35] : memref<2097152xf32, #tpu.memory_space<hbm>> -> memref<2048xf32, #tpu.memory_space<hbm>>
    %dma_wait3A_344 = arith.constant 0 : i32
    %dma_wait3A_345 = tpu.memref_slice %arg9[%dma_wait3A_344] : memref<65536xf32, #tpu.memory_space<vmem>> -> memref<2048xf32, #tpu.memory_space<vmem>>
    %dma_wait3A_346 = tpu.memref_slice %arg3[%add3A_35] : memref<2097152xf32, #tpu.memory_space<hbm>> -> memref<2048xf32, #tpu.memory_space<hbm>>
    tpu.wait_dma2 semaphore(%arg24 : memref<!tpu.dma_semaphore, #tpu.memory_space<semaphore_mem>>) src(%dma_wait3A_346 : memref<2048xf32, #tpu.memory_space<hbm>>) dst(%dma_wait3A_345 : memref<2048xf32, #tpu.memory_space<vmem>>)
    %dma_wait3A_347 = arith.constant 2048 : i32
    %dma_wait3A_348 = tpu.memref_slice %arg9[%dma_wait3A_347] : memref<65536xf32, #tpu.memory_space<vmem>> -> memref<2048xf32, #tpu.memory_space<vmem>>
    %dma_wait3A_349 = tpu.memref_slice %arg3[%add3A_43] : memref<2097152xf32, #tpu.memory_space<hbm>> -> memref<2048xf32, #tpu.memory_space<hbm>>
    %dma_wait3A_350 = arith.constant 2048 : i32
    %dma_wait3A_351 = tpu.memref_slice %arg9[%dma_wait3A_350] : memref<65536xf32, #tpu.memory_space<vmem>> -> memref<2048xf32, #tpu.memory_space<vmem>>
    %dma_wait3A_352 = tpu.memref_slice %arg3[%add3A_43] : memref<2097152xf32, #tpu.memory_space<hbm>> -> memref<2048xf32, #tpu.memory_space<hbm>>
    tpu.wait_dma2 semaphore(%arg24 : memref<!tpu.dma_semaphore, #tpu.memory_space<semaphore_mem>>) src(%dma_wait3A_352 : memref<2048xf32, #tpu.memory_space<hbm>>) dst(%dma_wait3A_351 : memref<2048xf32, #tpu.memory_space<vmem>>)
    %dma_wait3A_353 = arith.constant 4096 : i32
    %dma_wait3A_354 = tpu.memref_slice %arg9[%dma_wait3A_353] : memref<65536xf32, #tpu.memory_space<vmem>> -> memref<2048xf32, #tpu.memory_space<vmem>>
    %dma_wait3A_355 = tpu.memref_slice %arg3[%add3A_51] : memref<2097152xf32, #tpu.memory_space<hbm>> -> memref<2048xf32, #tpu.memory_space<hbm>>
    %dma_wait3A_356 = arith.constant 4096 : i32
    %dma_wait3A_357 = tpu.memref_slice %arg9[%dma_wait3A_356] : memref<65536xf32, #tpu.memory_space<vmem>> -> memref<2048xf32, #tpu.memory_space<vmem>>
    %dma_wait3A_358 = tpu.memref_slice %arg3[%add3A_51] : memref<2097152xf32, #tpu.memory_space<hbm>> -> memref<2048xf32, #tpu.memory_space<hbm>>
    tpu.wait_dma2 semaphore(%arg24 : memref<!tpu.dma_semaphore, #tpu.memory_space<semaphore_mem>>) src(%dma_wait3A_358 : memref<2048xf32, #tpu.memory_space<hbm>>) dst(%dma_wait3A_357 : memref<2048xf32, #tpu.memory_space<vmem>>)
    %dma_wait3A_359 = arith.constant 6144 : i32
    %dma_wait3A_360 = tpu.memref_slice %arg9[%dma_wait3A_359] : memref<65536xf32, #tpu.memory_space<vmem>> -> memref<2048xf32, #tpu.memory_space<vmem>>
    %dma_wait3A_361 = tpu.memref_slice %arg3[%add3A_59] : memref<2097152xf32, #tpu.memory_space<hbm>> -> memref<2048xf32, #tpu.memory_space<hbm>>
    %dma_wait3A_362 = arith.constant 6144 : i32
    %dma_wait3A_363 = tpu.memref_slice %arg9[%dma_wait3A_362] : memref<65536xf32, #tpu.memory_space<vmem>> -> memref<2048xf32, #tpu.memory_space<vmem>>
    %dma_wait3A_364 = tpu.memref_slice %arg3[%add3A_59] : memref<2097152xf32, #tpu.memory_space<hbm>> -> memref<2048xf32, #tpu.memory_space<hbm>>
    tpu.wait_dma2 semaphore(%arg24 : memref<!tpu.dma_semaphore, #tpu.memory_space<semaphore_mem>>) src(%dma_wait3A_364 : memref<2048xf32, #tpu.memory_space<hbm>>) dst(%dma_wait3A_363 : memref<2048xf32, #tpu.memory_space<vmem>>)
    %dma_wait3A_365 = arith.constant 8192 : i32
    %dma_wait3A_366 = tpu.memref_slice %arg9[%dma_wait3A_365] : memref<65536xf32, #tpu.memory_space<vmem>> -> memref<2048xf32, #tpu.memory_space<vmem>>
    %dma_wait3A_367 = tpu.memref_slice %arg3[%add3A_67] : memref<2097152xf32, #tpu.memory_space<hbm>> -> memref<2048xf32, #tpu.memory_space<hbm>>
    %dma_wait3A_368 = arith.constant 8192 : i32
    %dma_wait3A_369 = tpu.memref_slice %arg9[%dma_wait3A_368] : memref<65536xf32, #tpu.memory_space<vmem>> -> memref<2048xf32, #tpu.memory_space<vmem>>
    %dma_wait3A_370 = tpu.memref_slice %arg3[%add3A_67] : memref<2097152xf32, #tpu.memory_space<hbm>> -> memref<2048xf32, #tpu.memory_space<hbm>>
    tpu.wait_dma2 semaphore(%arg24 : memref<!tpu.dma_semaphore, #tpu.memory_space<semaphore_mem>>) src(%dma_wait3A_370 : memref<2048xf32, #tpu.memory_space<hbm>>) dst(%dma_wait3A_369 : memref<2048xf32, #tpu.memory_space<vmem>>)
    %dma_wait3A_371 = arith.constant 10240 : i32
    %dma_wait3A_372 = tpu.memref_slice %arg9[%dma_wait3A_371] : memref<65536xf32, #tpu.memory_space<vmem>> -> memref<2048xf32, #tpu.memory_space<vmem>>
    %dma_wait3A_373 = tpu.memref_slice %arg3[%add3A_75] : memref<2097152xf32, #tpu.memory_space<hbm>> -> memref<2048xf32, #tpu.memory_space<hbm>>
    %dma_wait3A_374 = arith.constant 10240 : i32
    %dma_wait3A_375 = tpu.memref_slice %arg9[%dma_wait3A_374] : memref<65536xf32, #tpu.memory_space<vmem>> -> memref<2048xf32, #tpu.memory_space<vmem>>
    %dma_wait3A_376 = tpu.memref_slice %arg3[%add3A_75] : memref<2097152xf32, #tpu.memory_space<hbm>> -> memref<2048xf32, #tpu.memory_space<hbm>>
    tpu.wait_dma2 semaphore(%arg24 : memref<!tpu.dma_semaphore, #tpu.memory_space<semaphore_mem>>) src(%dma_wait3A_376 : memref<2048xf32, #tpu.memory_space<hbm>>) dst(%dma_wait3A_375 : memref<2048xf32, #tpu.memory_space<vmem>>)
    %dma_wait3A_377 = arith.constant 12288 : i32
    %dma_wait3A_378 = tpu.memref_slice %arg9[%dma_wait3A_377] : memref<65536xf32, #tpu.memory_space<vmem>> -> memref<2048xf32, #tpu.memory_space<vmem>>
    %dma_wait3A_379 = tpu.memref_slice %arg3[%add3A_83] : memref<2097152xf32, #tpu.memory_space<hbm>> -> memref<2048xf32, #tpu.memory_space<hbm>>
    %dma_wait3A_380 = arith.constant 12288 : i32
    %dma_wait3A_381 = tpu.memref_slice %arg9[%dma_wait3A_380] : memref<65536xf32, #tpu.memory_space<vmem>> -> memref<2048xf32, #tpu.memory_space<vmem>>
    %dma_wait3A_382 = tpu.memref_slice %arg3[%add3A_83] : memref<2097152xf32, #tpu.memory_space<hbm>> -> memref<2048xf32, #tpu.memory_space<hbm>>
    tpu.wait_dma2 semaphore(%arg24 : memref<!tpu.dma_semaphore, #tpu.memory_space<semaphore_mem>>) src(%dma_wait3A_382 : memref<2048xf32, #tpu.memory_space<hbm>>) dst(%dma_wait3A_381 : memref<2048xf32, #tpu.memory_space<vmem>>)
    %dma_wait3A_383 = arith.constant 14336 : i32
    %dma_wait3A_384 = tpu.memref_slice %arg9[%dma_wait3A_383] : memref<65536xf32, #tpu.memory_space<vmem>> -> memref<2048xf32, #tpu.memory_space<vmem>>
    %dma_wait3A_385 = tpu.memref_slice %arg3[%add3A_91] : memref<2097152xf32, #tpu.memory_space<hbm>> -> memref<2048xf32, #tpu.memory_space<hbm>>
    %dma_wait3A_386 = arith.constant 14336 : i32
    %dma_wait3A_387 = tpu.memref_slice %arg9[%dma_wait3A_386] : memref<65536xf32, #tpu.memory_space<vmem>> -> memref<2048xf32, #tpu.memory_space<vmem>>
    %dma_wait3A_388 = tpu.memref_slice %arg3[%add3A_91] : memref<2097152xf32, #tpu.memory_space<hbm>> -> memref<2048xf32, #tpu.memory_space<hbm>>
    tpu.wait_dma2 semaphore(%arg24 : memref<!tpu.dma_semaphore, #tpu.memory_space<semaphore_mem>>) src(%dma_wait3A_388 : memref<2048xf32, #tpu.memory_space<hbm>>) dst(%dma_wait3A_387 : memref<2048xf32, #tpu.memory_space<vmem>>)
    %dma_wait3A_389 = arith.constant 16384 : i32
    %dma_wait3A_390 = tpu.memref_slice %arg9[%dma_wait3A_389] : memref<65536xf32, #tpu.memory_space<vmem>> -> memref<2048xf32, #tpu.memory_space<vmem>>
    %dma_wait3A_391 = tpu.memref_slice %arg3[%add3A_99] : memref<2097152xf32, #tpu.memory_space<hbm>> -> memref<2048xf32, #tpu.memory_space<hbm>>
    %dma_wait3A_392 = arith.constant 16384 : i32
    %dma_wait3A_393 = tpu.memref_slice %arg9[%dma_wait3A_392] : memref<65536xf32, #tpu.memory_space<vmem>> -> memref<2048xf32, #tpu.memory_space<vmem>>
    %dma_wait3A_394 = tpu.memref_slice %arg3[%add3A_99] : memref<2097152xf32, #tpu.memory_space<hbm>> -> memref<2048xf32, #tpu.memory_space<hbm>>
    tpu.wait_dma2 semaphore(%arg24 : memref<!tpu.dma_semaphore, #tpu.memory_space<semaphore_mem>>) src(%dma_wait3A_394 : memref<2048xf32, #tpu.memory_space<hbm>>) dst(%dma_wait3A_393 : memref<2048xf32, #tpu.memory_space<vmem>>)
    %dma_wait3A_395 = arith.constant 18432 : i32
    %dma_wait3A_396 = tpu.memref_slice %arg9[%dma_wait3A_395] : memref<65536xf32, #tpu.memory_space<vmem>> -> memref<2048xf32, #tpu.memory_space<vmem>>
    %dma_wait3A_397 = tpu.memref_slice %arg3[%add3A_107] : memref<2097152xf32, #tpu.memory_space<hbm>> -> memref<2048xf32, #tpu.memory_space<hbm>>
    %dma_wait3A_398 = arith.constant 18432 : i32
    %dma_wait3A_399 = tpu.memref_slice %arg9[%dma_wait3A_398] : memref<65536xf32, #tpu.memory_space<vmem>> -> memref<2048xf32, #tpu.memory_space<vmem>>
    %dma_wait3A_400 = tpu.memref_slice %arg3[%add3A_107] : memref<2097152xf32, #tpu.memory_space<hbm>> -> memref<2048xf32, #tpu.memory_space<hbm>>
    tpu.wait_dma2 semaphore(%arg24 : memref<!tpu.dma_semaphore, #tpu.memory_space<semaphore_mem>>) src(%dma_wait3A_400 : memref<2048xf32, #tpu.memory_space<hbm>>) dst(%dma_wait3A_399 : memref<2048xf32, #tpu.memory_space<vmem>>)
    %dma_wait3A_401 = arith.constant 20480 : i32
    %dma_wait3A_402 = tpu.memref_slice %arg9[%dma_wait3A_401] : memref<65536xf32, #tpu.memory_space<vmem>> -> memref<2048xf32, #tpu.memory_space<vmem>>
    %dma_wait3A_403 = tpu.memref_slice %arg3[%add3A_115] : memref<2097152xf32, #tpu.memory_space<hbm>> -> memref<2048xf32, #tpu.memory_space<hbm>>
    %dma_wait3A_404 = arith.constant 20480 : i32
    %dma_wait3A_405 = tpu.memref_slice %arg9[%dma_wait3A_404] : memref<65536xf32, #tpu.memory_space<vmem>> -> memref<2048xf32, #tpu.memory_space<vmem>>
    %dma_wait3A_406 = tpu.memref_slice %arg3[%add3A_115] : memref<2097152xf32, #tpu.memory_space<hbm>> -> memref<2048xf32, #tpu.memory_space<hbm>>
    tpu.wait_dma2 semaphore(%arg24 : memref<!tpu.dma_semaphore, #tpu.memory_space<semaphore_mem>>) src(%dma_wait3A_406 : memref<2048xf32, #tpu.memory_space<hbm>>) dst(%dma_wait3A_405 : memref<2048xf32, #tpu.memory_space<vmem>>)
    %dma_wait3A_407 = arith.constant 22528 : i32
    %dma_wait3A_408 = tpu.memref_slice %arg9[%dma_wait3A_407] : memref<65536xf32, #tpu.memory_space<vmem>> -> memref<2048xf32, #tpu.memory_space<vmem>>
    %dma_wait3A_409 = tpu.memref_slice %arg3[%add3A_123] : memref<2097152xf32, #tpu.memory_space<hbm>> -> memref<2048xf32, #tpu.memory_space<hbm>>
    %dma_wait3A_410 = arith.constant 22528 : i32
    %dma_wait3A_411 = tpu.memref_slice %arg9[%dma_wait3A_410] : memref<65536xf32, #tpu.memory_space<vmem>> -> memref<2048xf32, #tpu.memory_space<vmem>>
    %dma_wait3A_412 = tpu.memref_slice %arg3[%add3A_123] : memref<2097152xf32, #tpu.memory_space<hbm>> -> memref<2048xf32, #tpu.memory_space<hbm>>
    tpu.wait_dma2 semaphore(%arg24 : memref<!tpu.dma_semaphore, #tpu.memory_space<semaphore_mem>>) src(%dma_wait3A_412 : memref<2048xf32, #tpu.memory_space<hbm>>) dst(%dma_wait3A_411 : memref<2048xf32, #tpu.memory_space<vmem>>)
    %dma_wait3A_413 = arith.constant 24576 : i32
    %dma_wait3A_414 = tpu.memref_slice %arg9[%dma_wait3A_413] : memref<65536xf32, #tpu.memory_space<vmem>> -> memref<2048xf32, #tpu.memory_space<vmem>>
    %dma_wait3A_415 = tpu.memref_slice %arg3[%add3A_131] : memref<2097152xf32, #tpu.memory_space<hbm>> -> memref<2048xf32, #tpu.memory_space<hbm>>
    %dma_wait3A_416 = arith.constant 24576 : i32
    %dma_wait3A_417 = tpu.memref_slice %arg9[%dma_wait3A_416] : memref<65536xf32, #tpu.memory_space<vmem>> -> memref<2048xf32, #tpu.memory_space<vmem>>
    %dma_wait3A_418 = tpu.memref_slice %arg3[%add3A_131] : memref<2097152xf32, #tpu.memory_space<hbm>> -> memref<2048xf32, #tpu.memory_space<hbm>>
    tpu.wait_dma2 semaphore(%arg24 : memref<!tpu.dma_semaphore, #tpu.memory_space<semaphore_mem>>) src(%dma_wait3A_418 : memref<2048xf32, #tpu.memory_space<hbm>>) dst(%dma_wait3A_417 : memref<2048xf32, #tpu.memory_space<vmem>>)
    %dma_wait3A_419 = arith.constant 26624 : i32
    %dma_wait3A_420 = tpu.memref_slice %arg9[%dma_wait3A_419] : memref<65536xf32, #tpu.memory_space<vmem>> -> memref<2048xf32, #tpu.memory_space<vmem>>
    %dma_wait3A_421 = tpu.memref_slice %arg3[%add3A_139] : memref<2097152xf32, #tpu.memory_space<hbm>> -> memref<2048xf32, #tpu.memory_space<hbm>>
    %dma_wait3A_422 = arith.constant 26624 : i32
    %dma_wait3A_423 = tpu.memref_slice %arg9[%dma_wait3A_422] : memref<65536xf32, #tpu.memory_space<vmem>> -> memref<2048xf32, #tpu.memory_space<vmem>>
    %dma_wait3A_424 = tpu.memref_slice %arg3[%add3A_139] : memref<2097152xf32, #tpu.memory_space<hbm>> -> memref<2048xf32, #tpu.memory_space<hbm>>
    tpu.wait_dma2 semaphore(%arg24 : memref<!tpu.dma_semaphore, #tpu.memory_space<semaphore_mem>>) src(%dma_wait3A_424 : memref<2048xf32, #tpu.memory_space<hbm>>) dst(%dma_wait3A_423 : memref<2048xf32, #tpu.memory_space<vmem>>)
    %dma_wait3A_425 = arith.constant 28672 : i32
    %dma_wait3A_426 = tpu.memref_slice %arg9[%dma_wait3A_425] : memref<65536xf32, #tpu.memory_space<vmem>> -> memref<2048xf32, #tpu.memory_space<vmem>>
    %dma_wait3A_427 = tpu.memref_slice %arg3[%add3A_147] : memref<2097152xf32, #tpu.memory_space<hbm>> -> memref<2048xf32, #tpu.memory_space<hbm>>
    %dma_wait3A_428 = arith.constant 28672 : i32
    %dma_wait3A_429 = tpu.memref_slice %arg9[%dma_wait3A_428] : memref<65536xf32, #tpu.memory_space<vmem>> -> memref<2048xf32, #tpu.memory_space<vmem>>
    %dma_wait3A_430 = tpu.memref_slice %arg3[%add3A_147] : memref<2097152xf32, #tpu.memory_space<hbm>> -> memref<2048xf32, #tpu.memory_space<hbm>>
    tpu.wait_dma2 semaphore(%arg24 : memref<!tpu.dma_semaphore, #tpu.memory_space<semaphore_mem>>) src(%dma_wait3A_430 : memref<2048xf32, #tpu.memory_space<hbm>>) dst(%dma_wait3A_429 : memref<2048xf32, #tpu.memory_space<vmem>>)
    %dma_wait3A_431 = arith.constant 30720 : i32
    %dma_wait3A_432 = tpu.memref_slice %arg9[%dma_wait3A_431] : memref<65536xf32, #tpu.memory_space<vmem>> -> memref<2048xf32, #tpu.memory_space<vmem>>
    %dma_wait3A_433 = tpu.memref_slice %arg3[%add3A_155] : memref<2097152xf32, #tpu.memory_space<hbm>> -> memref<2048xf32, #tpu.memory_space<hbm>>
    %dma_wait3A_434 = arith.constant 30720 : i32
    %dma_wait3A_435 = tpu.memref_slice %arg9[%dma_wait3A_434] : memref<65536xf32, #tpu.memory_space<vmem>> -> memref<2048xf32, #tpu.memory_space<vmem>>
    %dma_wait3A_436 = tpu.memref_slice %arg3[%add3A_155] : memref<2097152xf32, #tpu.memory_space<hbm>> -> memref<2048xf32, #tpu.memory_space<hbm>>
    tpu.wait_dma2 semaphore(%arg24 : memref<!tpu.dma_semaphore, #tpu.memory_space<semaphore_mem>>) src(%dma_wait3A_436 : memref<2048xf32, #tpu.memory_space<hbm>>) dst(%dma_wait3A_435 : memref<2048xf32, #tpu.memory_space<vmem>>)
    %dma_wait3A_437 = arith.constant 32768 : i32
    %dma_wait3A_438 = tpu.memref_slice %arg9[%dma_wait3A_437] : memref<65536xf32, #tpu.memory_space<vmem>> -> memref<2048xf32, #tpu.memory_space<vmem>>
    %dma_wait3A_439 = tpu.memref_slice %arg3[%add3A_163] : memref<2097152xf32, #tpu.memory_space<hbm>> -> memref<2048xf32, #tpu.memory_space<hbm>>
    %dma_wait3A_440 = arith.constant 32768 : i32
    %dma_wait3A_441 = tpu.memref_slice %arg9[%dma_wait3A_440] : memref<65536xf32, #tpu.memory_space<vmem>> -> memref<2048xf32, #tpu.memory_space<vmem>>
    %dma_wait3A_442 = tpu.memref_slice %arg3[%add3A_163] : memref<2097152xf32, #tpu.memory_space<hbm>> -> memref<2048xf32, #tpu.memory_space<hbm>>
    tpu.wait_dma2 semaphore(%arg24 : memref<!tpu.dma_semaphore, #tpu.memory_space<semaphore_mem>>) src(%dma_wait3A_442 : memref<2048xf32, #tpu.memory_space<hbm>>) dst(%dma_wait3A_441 : memref<2048xf32, #tpu.memory_space<vmem>>)
    %dma_wait3A_443 = arith.constant 34816 : i32
    %dma_wait3A_444 = tpu.memref_slice %arg9[%dma_wait3A_443] : memref<65536xf32, #tpu.memory_space<vmem>> -> memref<2048xf32, #tpu.memory_space<vmem>>
    %dma_wait3A_445 = tpu.memref_slice %arg3[%add3A_171] : memref<2097152xf32, #tpu.memory_space<hbm>> -> memref<2048xf32, #tpu.memory_space<hbm>>
    %dma_wait3A_446 = arith.constant 34816 : i32
    %dma_wait3A_447 = tpu.memref_slice %arg9[%dma_wait3A_446] : memref<65536xf32, #tpu.memory_space<vmem>> -> memref<2048xf32, #tpu.memory_space<vmem>>
    %dma_wait3A_448 = tpu.memref_slice %arg3[%add3A_171] : memref<2097152xf32, #tpu.memory_space<hbm>> -> memref<2048xf32, #tpu.memory_space<hbm>>
    tpu.wait_dma2 semaphore(%arg24 : memref<!tpu.dma_semaphore, #tpu.memory_space<semaphore_mem>>) src(%dma_wait3A_448 : memref<2048xf32, #tpu.memory_space<hbm>>) dst(%dma_wait3A_447 : memref<2048xf32, #tpu.memory_space<vmem>>)
    %dma_wait3A_449 = arith.constant 36864 : i32
    %dma_wait3A_450 = tpu.memref_slice %arg9[%dma_wait3A_449] : memref<65536xf32, #tpu.memory_space<vmem>> -> memref<2048xf32, #tpu.memory_space<vmem>>
    %dma_wait3A_451 = tpu.memref_slice %arg3[%add3A_179] : memref<2097152xf32, #tpu.memory_space<hbm>> -> memref<2048xf32, #tpu.memory_space<hbm>>
    %dma_wait3A_452 = arith.constant 36864 : i32
    %dma_wait3A_453 = tpu.memref_slice %arg9[%dma_wait3A_452] : memref<65536xf32, #tpu.memory_space<vmem>> -> memref<2048xf32, #tpu.memory_space<vmem>>
    %dma_wait3A_454 = tpu.memref_slice %arg3[%add3A_179] : memref<2097152xf32, #tpu.memory_space<hbm>> -> memref<2048xf32, #tpu.memory_space<hbm>>
    tpu.wait_dma2 semaphore(%arg24 : memref<!tpu.dma_semaphore, #tpu.memory_space<semaphore_mem>>) src(%dma_wait3A_454 : memref<2048xf32, #tpu.memory_space<hbm>>) dst(%dma_wait3A_453 : memref<2048xf32, #tpu.memory_space<vmem>>)
    %dma_wait3A_455 = arith.constant 38912 : i32
    %dma_wait3A_456 = tpu.memref_slice %arg9[%dma_wait3A_455] : memref<65536xf32, #tpu.memory_space<vmem>> -> memref<2048xf32, #tpu.memory_space<vmem>>
    %dma_wait3A_457 = tpu.memref_slice %arg3[%add3A_187] : memref<2097152xf32, #tpu.memory_space<hbm>> -> memref<2048xf32, #tpu.memory_space<hbm>>
    %dma_wait3A_458 = arith.constant 38912 : i32
    %dma_wait3A_459 = tpu.memref_slice %arg9[%dma_wait3A_458] : memref<65536xf32, #tpu.memory_space<vmem>> -> memref<2048xf32, #tpu.memory_space<vmem>>
    %dma_wait3A_460 = tpu.memref_slice %arg3[%add3A_187] : memref<2097152xf32, #tpu.memory_space<hbm>> -> memref<2048xf32, #tpu.memory_space<hbm>>
    tpu.wait_dma2 semaphore(%arg24 : memref<!tpu.dma_semaphore, #tpu.memory_space<semaphore_mem>>) src(%dma_wait3A_460 : memref<2048xf32, #tpu.memory_space<hbm>>) dst(%dma_wait3A_459 : memref<2048xf32, #tpu.memory_space<vmem>>)
    %dma_wait3A_461 = arith.constant 40960 : i32
    %dma_wait3A_462 = tpu.memref_slice %arg9[%dma_wait3A_461] : memref<65536xf32, #tpu.memory_space<vmem>> -> memref<2048xf32, #tpu.memory_space<vmem>>
    %dma_wait3A_463 = tpu.memref_slice %arg3[%add3A_195] : memref<2097152xf32, #tpu.memory_space<hbm>> -> memref<2048xf32, #tpu.memory_space<hbm>>
    %dma_wait3A_464 = arith.constant 40960 : i32
    %dma_wait3A_465 = tpu.memref_slice %arg9[%dma_wait3A_464] : memref<65536xf32, #tpu.memory_space<vmem>> -> memref<2048xf32, #tpu.memory_space<vmem>>
    %dma_wait3A_466 = tpu.memref_slice %arg3[%add3A_195] : memref<2097152xf32, #tpu.memory_space<hbm>> -> memref<2048xf32, #tpu.memory_space<hbm>>
    tpu.wait_dma2 semaphore(%arg24 : memref<!tpu.dma_semaphore, #tpu.memory_space<semaphore_mem>>) src(%dma_wait3A_466 : memref<2048xf32, #tpu.memory_space<hbm>>) dst(%dma_wait3A_465 : memref<2048xf32, #tpu.memory_space<vmem>>)
    %dma_wait3A_467 = arith.constant 43008 : i32
    %dma_wait3A_468 = tpu.memref_slice %arg9[%dma_wait3A_467] : memref<65536xf32, #tpu.memory_space<vmem>> -> memref<2048xf32, #tpu.memory_space<vmem>>
    %dma_wait3A_469 = tpu.memref_slice %arg3[%add3A_203] : memref<2097152xf32, #tpu.memory_space<hbm>> -> memref<2048xf32, #tpu.memory_space<hbm>>
    %dma_wait3A_470 = arith.constant 43008 : i32
    %dma_wait3A_471 = tpu.memref_slice %arg9[%dma_wait3A_470] : memref<65536xf32, #tpu.memory_space<vmem>> -> memref<2048xf32, #tpu.memory_space<vmem>>
    %dma_wait3A_472 = tpu.memref_slice %arg3[%add3A_203] : memref<2097152xf32, #tpu.memory_space<hbm>> -> memref<2048xf32, #tpu.memory_space<hbm>>
    tpu.wait_dma2 semaphore(%arg24 : memref<!tpu.dma_semaphore, #tpu.memory_space<semaphore_mem>>) src(%dma_wait3A_472 : memref<2048xf32, #tpu.memory_space<hbm>>) dst(%dma_wait3A_471 : memref<2048xf32, #tpu.memory_space<vmem>>)
    %dma_wait3A_473 = arith.constant 45056 : i32
    %dma_wait3A_474 = tpu.memref_slice %arg9[%dma_wait3A_473] : memref<65536xf32, #tpu.memory_space<vmem>> -> memref<2048xf32, #tpu.memory_space<vmem>>
    %dma_wait3A_475 = tpu.memref_slice %arg3[%add3A_211] : memref<2097152xf32, #tpu.memory_space<hbm>> -> memref<2048xf32, #tpu.memory_space<hbm>>
    %dma_wait3A_476 = arith.constant 45056 : i32
    %dma_wait3A_477 = tpu.memref_slice %arg9[%dma_wait3A_476] : memref<65536xf32, #tpu.memory_space<vmem>> -> memref<2048xf32, #tpu.memory_space<vmem>>
    %dma_wait3A_478 = tpu.memref_slice %arg3[%add3A_211] : memref<2097152xf32, #tpu.memory_space<hbm>> -> memref<2048xf32, #tpu.memory_space<hbm>>
    tpu.wait_dma2 semaphore(%arg24 : memref<!tpu.dma_semaphore, #tpu.memory_space<semaphore_mem>>) src(%dma_wait3A_478 : memref<2048xf32, #tpu.memory_space<hbm>>) dst(%dma_wait3A_477 : memref<2048xf32, #tpu.memory_space<vmem>>)
    %dma_wait3A_479 = arith.constant 47104 : i32
    %dma_wait3A_480 = tpu.memref_slice %arg9[%dma_wait3A_479] : memref<65536xf32, #tpu.memory_space<vmem>> -> memref<2048xf32, #tpu.memory_space<vmem>>
    %dma_wait3A_481 = tpu.memref_slice %arg3[%add3A_219] : memref<2097152xf32, #tpu.memory_space<hbm>> -> memref<2048xf32, #tpu.memory_space<hbm>>
    %dma_wait3A_482 = arith.constant 47104 : i32
    %dma_wait3A_483 = tpu.memref_slice %arg9[%dma_wait3A_482] : memref<65536xf32, #tpu.memory_space<vmem>> -> memref<2048xf32, #tpu.memory_space<vmem>>
    %dma_wait3A_484 = tpu.memref_slice %arg3[%add3A_219] : memref<2097152xf32, #tpu.memory_space<hbm>> -> memref<2048xf32, #tpu.memory_space<hbm>>
    tpu.wait_dma2 semaphore(%arg24 : memref<!tpu.dma_semaphore, #tpu.memory_space<semaphore_mem>>) src(%dma_wait3A_484 : memref<2048xf32, #tpu.memory_space<hbm>>) dst(%dma_wait3A_483 : memref<2048xf32, #tpu.memory_space<vmem>>)
    %dma_wait3A_485 = arith.constant 49152 : i32
    %dma_wait3A_486 = tpu.memref_slice %arg9[%dma_wait3A_485] : memref<65536xf32, #tpu.memory_space<vmem>> -> memref<2048xf32, #tpu.memory_space<vmem>>
    %dma_wait3A_487 = tpu.memref_slice %arg3[%add3A_227] : memref<2097152xf32, #tpu.memory_space<hbm>> -> memref<2048xf32, #tpu.memory_space<hbm>>
    %dma_wait3A_488 = arith.constant 49152 : i32
    %dma_wait3A_489 = tpu.memref_slice %arg9[%dma_wait3A_488] : memref<65536xf32, #tpu.memory_space<vmem>> -> memref<2048xf32, #tpu.memory_space<vmem>>
    %dma_wait3A_490 = tpu.memref_slice %arg3[%add3A_227] : memref<2097152xf32, #tpu.memory_space<hbm>> -> memref<2048xf32, #tpu.memory_space<hbm>>
    tpu.wait_dma2 semaphore(%arg24 : memref<!tpu.dma_semaphore, #tpu.memory_space<semaphore_mem>>) src(%dma_wait3A_490 : memref<2048xf32, #tpu.memory_space<hbm>>) dst(%dma_wait3A_489 : memref<2048xf32, #tpu.memory_space<vmem>>)
    %dma_wait3A_491 = arith.constant 51200 : i32
    %dma_wait3A_492 = tpu.memref_slice %arg9[%dma_wait3A_491] : memref<65536xf32, #tpu.memory_space<vmem>> -> memref<2048xf32, #tpu.memory_space<vmem>>
    %dma_wait3A_493 = tpu.memref_slice %arg3[%add3A_235] : memref<2097152xf32, #tpu.memory_space<hbm>> -> memref<2048xf32, #tpu.memory_space<hbm>>
    %dma_wait3A_494 = arith.constant 51200 : i32
    %dma_wait3A_495 = tpu.memref_slice %arg9[%dma_wait3A_494] : memref<65536xf32, #tpu.memory_space<vmem>> -> memref<2048xf32, #tpu.memory_space<vmem>>
    %dma_wait3A_496 = tpu.memref_slice %arg3[%add3A_235] : memref<2097152xf32, #tpu.memory_space<hbm>> -> memref<2048xf32, #tpu.memory_space<hbm>>
    tpu.wait_dma2 semaphore(%arg24 : memref<!tpu.dma_semaphore, #tpu.memory_space<semaphore_mem>>) src(%dma_wait3A_496 : memref<2048xf32, #tpu.memory_space<hbm>>) dst(%dma_wait3A_495 : memref<2048xf32, #tpu.memory_space<vmem>>)
    %dma_wait3A_497 = arith.constant 53248 : i32
    %dma_wait3A_498 = tpu.memref_slice %arg9[%dma_wait3A_497] : memref<65536xf32, #tpu.memory_space<vmem>> -> memref<2048xf32, #tpu.memory_space<vmem>>
    %dma_wait3A_499 = tpu.memref_slice %arg3[%add3A_243] : memref<2097152xf32, #tpu.memory_space<hbm>> -> memref<2048xf32, #tpu.memory_space<hbm>>
    %dma_wait3A_500 = arith.constant 53248 : i32
    %dma_wait3A_501 = tpu.memref_slice %arg9[%dma_wait3A_500] : memref<65536xf32, #tpu.memory_space<vmem>> -> memref<2048xf32, #tpu.memory_space<vmem>>
    %dma_wait3A_502 = tpu.memref_slice %arg3[%add3A_243] : memref<2097152xf32, #tpu.memory_space<hbm>> -> memref<2048xf32, #tpu.memory_space<hbm>>
    tpu.wait_dma2 semaphore(%arg24 : memref<!tpu.dma_semaphore, #tpu.memory_space<semaphore_mem>>) src(%dma_wait3A_502 : memref<2048xf32, #tpu.memory_space<hbm>>) dst(%dma_wait3A_501 : memref<2048xf32, #tpu.memory_space<vmem>>)
    %dma_wait3A_503 = arith.constant 55296 : i32
    %dma_wait3A_504 = tpu.memref_slice %arg9[%dma_wait3A_503] : memref<65536xf32, #tpu.memory_space<vmem>> -> memref<2048xf32, #tpu.memory_space<vmem>>
    %dma_wait3A_505 = tpu.memref_slice %arg3[%add3A_251] : memref<2097152xf32, #tpu.memory_space<hbm>> -> memref<2048xf32, #tpu.memory_space<hbm>>
    %dma_wait3A_506 = arith.constant 55296 : i32
    %dma_wait3A_507 = tpu.memref_slice %arg9[%dma_wait3A_506] : memref<65536xf32, #tpu.memory_space<vmem>> -> memref<2048xf32, #tpu.memory_space<vmem>>
    %dma_wait3A_508 = tpu.memref_slice %arg3[%add3A_251] : memref<2097152xf32, #tpu.memory_space<hbm>> -> memref<2048xf32, #tpu.memory_space<hbm>>
    tpu.wait_dma2 semaphore(%arg24 : memref<!tpu.dma_semaphore, #tpu.memory_space<semaphore_mem>>) src(%dma_wait3A_508 : memref<2048xf32, #tpu.memory_space<hbm>>) dst(%dma_wait3A_507 : memref<2048xf32, #tpu.memory_space<vmem>>)
    %dma_wait3A_509 = arith.constant 57344 : i32
    %dma_wait3A_510 = tpu.memref_slice %arg9[%dma_wait3A_509] : memref<65536xf32, #tpu.memory_space<vmem>> -> memref<2048xf32, #tpu.memory_space<vmem>>
    %dma_wait3A_511 = tpu.memref_slice %arg3[%add3A_259] : memref<2097152xf32, #tpu.memory_space<hbm>> -> memref<2048xf32, #tpu.memory_space<hbm>>
    %dma_wait3A_512 = arith.constant 57344 : i32
    %dma_wait3A_513 = tpu.memref_slice %arg9[%dma_wait3A_512] : memref<65536xf32, #tpu.memory_space<vmem>> -> memref<2048xf32, #tpu.memory_space<vmem>>
    %dma_wait3A_514 = tpu.memref_slice %arg3[%add3A_259] : memref<2097152xf32, #tpu.memory_space<hbm>> -> memref<2048xf32, #tpu.memory_space<hbm>>
    tpu.wait_dma2 semaphore(%arg24 : memref<!tpu.dma_semaphore, #tpu.memory_space<semaphore_mem>>) src(%dma_wait3A_514 : memref<2048xf32, #tpu.memory_space<hbm>>) dst(%dma_wait3A_513 : memref<2048xf32, #tpu.memory_space<vmem>>)
    %dma_wait3A_515 = arith.constant 59392 : i32
    %dma_wait3A_516 = tpu.memref_slice %arg9[%dma_wait3A_515] : memref<65536xf32, #tpu.memory_space<vmem>> -> memref<2048xf32, #tpu.memory_space<vmem>>
    %dma_wait3A_517 = tpu.memref_slice %arg3[%add3A_267] : memref<2097152xf32, #tpu.memory_space<hbm>> -> memref<2048xf32, #tpu.memory_space<hbm>>
    %dma_wait3A_518 = arith.constant 59392 : i32
    %dma_wait3A_519 = tpu.memref_slice %arg9[%dma_wait3A_518] : memref<65536xf32, #tpu.memory_space<vmem>> -> memref<2048xf32, #tpu.memory_space<vmem>>
    %dma_wait3A_520 = tpu.memref_slice %arg3[%add3A_267] : memref<2097152xf32, #tpu.memory_space<hbm>> -> memref<2048xf32, #tpu.memory_space<hbm>>
    tpu.wait_dma2 semaphore(%arg24 : memref<!tpu.dma_semaphore, #tpu.memory_space<semaphore_mem>>) src(%dma_wait3A_520 : memref<2048xf32, #tpu.memory_space<hbm>>) dst(%dma_wait3A_519 : memref<2048xf32, #tpu.memory_space<vmem>>)
    %dma_wait3A_521 = arith.constant 61440 : i32
    %dma_wait3A_522 = tpu.memref_slice %arg9[%dma_wait3A_521] : memref<65536xf32, #tpu.memory_space<vmem>> -> memref<2048xf32, #tpu.memory_space<vmem>>
    %dma_wait3A_523 = tpu.memref_slice %arg3[%add3A_275] : memref<2097152xf32, #tpu.memory_space<hbm>> -> memref<2048xf32, #tpu.memory_space<hbm>>
    %dma_wait3A_524 = arith.constant 61440 : i32
    %dma_wait3A_525 = tpu.memref_slice %arg9[%dma_wait3A_524] : memref<65536xf32, #tpu.memory_space<vmem>> -> memref<2048xf32, #tpu.memory_space<vmem>>
    %dma_wait3A_526 = tpu.memref_slice %arg3[%add3A_275] : memref<2097152xf32, #tpu.memory_space<hbm>> -> memref<2048xf32, #tpu.memory_space<hbm>>
    tpu.wait_dma2 semaphore(%arg24 : memref<!tpu.dma_semaphore, #tpu.memory_space<semaphore_mem>>) src(%dma_wait3A_526 : memref<2048xf32, #tpu.memory_space<hbm>>) dst(%dma_wait3A_525 : memref<2048xf32, #tpu.memory_space<vmem>>)
    %dma_wait3A_527 = arith.constant 63488 : i32
    %dma_wait3A_528 = tpu.memref_slice %arg9[%dma_wait3A_527] : memref<65536xf32, #tpu.memory_space<vmem>> -> memref<2048xf32, #tpu.memory_space<vmem>>
    %dma_wait3A_529 = tpu.memref_slice %arg3[%add3A_283] : memref<2097152xf32, #tpu.memory_space<hbm>> -> memref<2048xf32, #tpu.memory_space<hbm>>
    %dma_wait3A_530 = arith.constant 63488 : i32
    %dma_wait3A_531 = tpu.memref_slice %arg9[%dma_wait3A_530] : memref<65536xf32, #tpu.memory_space<vmem>> -> memref<2048xf32, #tpu.memory_space<vmem>>
    %dma_wait3A_532 = tpu.memref_slice %arg3[%add3A_283] : memref<2097152xf32, #tpu.memory_space<hbm>> -> memref<2048xf32, #tpu.memory_space<hbm>>
    tpu.wait_dma2 semaphore(%arg24 : memref<!tpu.dma_semaphore, #tpu.memory_space<semaphore_mem>>) src(%dma_wait3A_532 : memref<2048xf32, #tpu.memory_space<hbm>>) dst(%dma_wait3A_531 : memref<2048xf32, #tpu.memory_space<vmem>>)
    tpu.wait_dma2 semaphore(%arg24 : memref<!tpu.dma_semaphore, #tpu.memory_space<semaphore_mem>>) src(%arg4 : memref<64xf32, #tpu.memory_space<hbm>>) dst(%arg22 : memref<64xf32, #tpu.memory_space<vmem>>)
    tpu.wait_dma2 semaphore(%arg24 : memref<!tpu.dma_semaphore, #tpu.memory_space<semaphore_mem>>) src(%arg5 : memref<32xf32, #tpu.memory_space<hbm>>) dst(%arg23 : memref<32xf32, #tpu.memory_space<vmem>>)
    %dma_wait3A_533 = arith.constant 0 : i32
    %dma_wait3A_534 = tpu.memref_slice %arg6[%dma_wait3A_533] : memref<8224xf32, #tpu.memory_space<hbm>> -> memref<264xf32, #tpu.memory_space<hbm>>
    %dma_wait3A_535 = arith.constant 0 : i32
    %dma_wait3A_536 = tpu.memref_slice %arg6[%dma_wait3A_535] : memref<8224xf32, #tpu.memory_space<hbm>> -> memref<264xf32, #tpu.memory_space<hbm>>
    tpu.wait_dma2 semaphore(%arg24 : memref<!tpu.dma_semaphore, #tpu.memory_space<semaphore_mem>>) src(%dma_wait3A_536 : memref<264xf32, #tpu.memory_space<hbm>>) dst(%arg11 : memref<264xf32, #tpu.memory_space<vmem>>)
    %dma_wait3A_537 = arith.constant 0 : i32
    %dma_wait3A_538 = tpu.memref_slice %arg6[%dma_wait3A_537] : memref<8224xf32, #tpu.memory_space<hbm>> -> memref<264xf32, #tpu.memory_space<hbm>>
    %dma_wait3A_539 = arith.constant 0 : i32
    %dma_wait3A_540 = tpu.memref_slice %arg6[%dma_wait3A_539] : memref<8224xf32, #tpu.memory_space<hbm>> -> memref<264xf32, #tpu.memory_space<hbm>>
    tpu.wait_dma2 semaphore(%arg24 : memref<!tpu.dma_semaphore, #tpu.memory_space<semaphore_mem>>) src(%dma_wait3A_540 : memref<264xf32, #tpu.memory_space<hbm>>) dst(%arg12 : memref<264xf32, #tpu.memory_space<vmem>>)
    %dma_wait3A_541 = arith.constant 0 : i32
    %dma_wait3A_542 = tpu.memref_slice %arg6[%dma_wait3A_541] : memref<8224xf32, #tpu.memory_space<hbm>> -> memref<264xf32, #tpu.memory_space<hbm>>
    %dma_wait3A_543 = arith.constant 0 : i32
    %dma_wait3A_544 = tpu.memref_slice %arg6[%dma_wait3A_543] : memref<8224xf32, #tpu.memory_space<hbm>> -> memref<264xf32, #tpu.memory_space<hbm>>
    tpu.wait_dma2 semaphore(%arg24 : memref<!tpu.dma_semaphore, #tpu.memory_space<semaphore_mem>>) src(%dma_wait3A_544 : memref<264xf32, #tpu.memory_space<hbm>>) dst(%arg13 : memref<264xf32, #tpu.memory_space<vmem>>)
    %dma_wait3A_545 = arith.constant 0 : i32
    %dma_wait3A_546 = tpu.memref_slice %arg6[%dma_wait3A_545] : memref<8224xf32, #tpu.memory_space<hbm>> -> memref<4112xf32, #tpu.memory_space<hbm>>
    %dma_wait3A_547 = arith.constant 0 : i32
    %dma_wait3A_548 = tpu.memref_slice %arg6[%dma_wait3A_547] : memref<8224xf32, #tpu.memory_space<hbm>> -> memref<4112xf32, #tpu.memory_space<hbm>>
    tpu.wait_dma2 semaphore(%arg24 : memref<!tpu.dma_semaphore, #tpu.memory_space<semaphore_mem>>) src(%dma_wait3A_548 : memref<4112xf32, #tpu.memory_space<hbm>>) dst(%arg14 : memref<4112xf32, #tpu.memory_space<vmem>>)
    %dma_wait3A_549 = arith.constant 0 : i32
    %dma_wait3A_550 = tpu.memref_slice %arg6[%dma_wait3A_549] : memref<8224xf32, #tpu.memory_space<hbm>> -> memref<4112xf32, #tpu.memory_space<hbm>>
    %dma_wait3A_551 = arith.constant 0 : i32
    %dma_wait3A_552 = tpu.memref_slice %arg6[%dma_wait3A_551] : memref<8224xf32, #tpu.memory_space<hbm>> -> memref<4112xf32, #tpu.memory_space<hbm>>
    tpu.wait_dma2 semaphore(%arg24 : memref<!tpu.dma_semaphore, #tpu.memory_space<semaphore_mem>>) src(%dma_wait3A_552 : memref<4112xf32, #tpu.memory_space<hbm>>) dst(%arg15 : memref<4112xf32, #tpu.memory_space<vmem>>)
    %dma_wait3A_553 = arith.constant 0 : i32
    %dma_wait3A_554 = tpu.memref_slice %arg6[%dma_wait3A_553] : memref<8224xf32, #tpu.memory_space<hbm>> -> memref<4112xf32, #tpu.memory_space<hbm>>
    %dma_wait3A_555 = arith.constant 0 : i32
    %dma_wait3A_556 = tpu.memref_slice %arg6[%dma_wait3A_555] : memref<8224xf32, #tpu.memory_space<hbm>> -> memref<4112xf32, #tpu.memory_space<hbm>>
    tpu.wait_dma2 semaphore(%arg24 : memref<!tpu.dma_semaphore, #tpu.memory_space<semaphore_mem>>) src(%dma_wait3A_556 : memref<4112xf32, #tpu.memory_space<hbm>>) dst(%arg16 : memref<4112xf32, #tpu.memory_space<vmem>>)
    %dma_wait3A_557 = arith.constant 0 : i32
    %dma_wait3A_558 = tpu.memref_slice %arg6[%dma_wait3A_557] : memref<8224xf32, #tpu.memory_space<hbm>> -> memref<4112xf32, #tpu.memory_space<hbm>>
    %dma_wait3A_559 = arith.constant 0 : i32
    %dma_wait3A_560 = tpu.memref_slice %arg6[%dma_wait3A_559] : memref<8224xf32, #tpu.memory_space<hbm>> -> memref<4112xf32, #tpu.memory_space<hbm>>
    tpu.wait_dma2 semaphore(%arg24 : memref<!tpu.dma_semaphore, #tpu.memory_space<semaphore_mem>>) src(%dma_wait3A_560 : memref<4112xf32, #tpu.memory_space<hbm>>) dst(%arg17 : memref<4112xf32, #tpu.memory_space<vmem>>)
    %iota3A = tpu.iota {dimensions = array<i32: 0>} : vector<16xi32>
    %broadcast_in_dim3A = arith.constant 0.000000e+00 : f32
    %broadcast_in_dim3A_561 = vector.broadcast %broadcast_in_dim3A : f32 to vector<16xf32>
    %broadcast_in_dim3A_562 = arith.constant 1.000000e+00 : f32
    %broadcast_in_dim3A_563 = vector.broadcast %broadcast_in_dim3A_562 : f32 to vector<16xf32>
    %parallel_loop3A = arith.constant 0 : i32
    %parallel_loop3A_564 = arith.constant 128 : i32
    %parallel_loop3A_565 = arith.constant 1 : i32
    "tpu.trace_start"() <{level = 10 : i32, message = "sc_loop_a"}> : () -> ()
    scf.for %parallel_loop3A_592 = %parallel_loop3A to %parallel_loop3A_564 step %parallel_loop3A_565  : i32 {
      %parallel_loop3A_593 = arith.constant 16 : i32
      %parallel_loop3A_594 = arith.muli %parallel_loop3A_592, %parallel_loop3A_593 : i32
      %parallel_loop3A_595 = arith.index_cast %parallel_loop3A_594 : i32 to index
      %parallel_loop3A_596 = tpu.vector_load %arg8[%parallel_loop3A_595] {strides = array<i32>} : memref<8192xf32, #tpu.memory_space<vmem>>, vector<16xf32>,
      %parallel_loop3A_597 = arith.constant 2048 : i32
      %parallel_loop3A_598 = arith.addi %parallel_loop3A_597, %parallel_loop3A_594 : i32
      %parallel_loop3A_599 = arith.index_cast %parallel_loop3A_598 : i32 to index
      %parallel_loop3A_600 = tpu.vector_load %arg8[%parallel_loop3A_599] {strides = array<i32>} : memref<8192xf32, #tpu.memory_space<vmem>>, vector<16xf32>,
      %parallel_loop3A_601 = arith.constant 4096 : i32
      %parallel_loop3A_602 = arith.addi %parallel_loop3A_601, %parallel_loop3A_594 : i32
      %parallel_loop3A_603 = arith.index_cast %parallel_loop3A_602 : i32 to index
      %parallel_loop3A_604 = tpu.vector_load %arg8[%parallel_loop3A_603] {strides = array<i32>} : memref<8192xf32, #tpu.memory_space<vmem>>, vector<16xf32>,
      %parallel_loop3A_605 = arith.constant 6144 : i32
      %parallel_loop3A_606 = arith.addi %parallel_loop3A_605, %parallel_loop3A_594 : i32
      %parallel_loop3A_607 = arith.index_cast %parallel_loop3A_606 : i32 to index
      %parallel_loop3A_608 = tpu.vector_load %arg8[%parallel_loop3A_607] {strides = array<i32>} : memref<8192xf32, #tpu.memory_space<vmem>>, vector<16xf32>,
      %parallel_loop3A_609 = math.absf %parallel_loop3A_608 : vector<16xf32>
      %parallel_loop3A_610 = math.absf %parallel_loop3A_604 : vector<16xf32>
      %parallel_loop3A_611 = arith.maximumf %parallel_loop3A_609, %parallel_loop3A_610 : vector<16xf32>
      %parallel_loop3A_612 = arith.minimumf %parallel_loop3A_609, %parallel_loop3A_610 : vector<16xf32>
      %parallel_loop3A_613 = arith.constant 0.000000e+00 : f32
      %parallel_loop3A_614 = vector.broadcast %parallel_loop3A_613 : f32 to vector<16xf32>
      %parallel_loop3A_615 = arith.cmpf ogt, %parallel_loop3A_611, %parallel_loop3A_614 : vector<16xf32>
      %parallel_loop3A_616 = arith.divf %parallel_loop3A_612, %parallel_loop3A_611 : vector<16xf32>
      %parallel_loop3A_617 = arith.select %parallel_loop3A_615, %parallel_loop3A_616, %broadcast_in_dim3A_561 : vector<16xi1>, vector<16xf32>
      %parallel_loop3A_618 = arith.mulf %parallel_loop3A_617, %parallel_loop3A_617 : vector<16xf32>
      %parallel_loop3A_619 = arith.constant -0.00405405788 : f32
      %parallel_loop3A_620 = vector.broadcast %parallel_loop3A_619 : f32 to vector<16xf32>
      %parallel_loop3A_621 = arith.mulf %parallel_loop3A_620, %parallel_loop3A_618 : vector<16xf32>
      %parallel_loop3A_622 = arith.constant 0.0218612291 : f32
      %parallel_loop3A_623 = vector.broadcast %parallel_loop3A_622 : f32 to vector<16xf32>
      %parallel_loop3A_624 = arith.addf %parallel_loop3A_621, %parallel_loop3A_623 : vector<16xf32>
      %parallel_loop3A_625 = arith.mulf %parallel_loop3A_624, %parallel_loop3A_618 : vector<16xf32>
      %parallel_loop3A_626 = arith.constant -0.055909887 : f32
      %parallel_loop3A_627 = vector.broadcast %parallel_loop3A_626 : f32 to vector<16xf32>
      %parallel_loop3A_628 = arith.addf %parallel_loop3A_625, %parallel_loop3A_627 : vector<16xf32>
      %parallel_loop3A_629 = arith.mulf %parallel_loop3A_628, %parallel_loop3A_618 : vector<16xf32>
      %parallel_loop3A_630 = arith.constant 0.0964200422 : f32
      %parallel_loop3A_631 = vector.broadcast %parallel_loop3A_630 : f32 to vector<16xf32>
      %parallel_loop3A_632 = arith.addf %parallel_loop3A_629, %parallel_loop3A_631 : vector<16xf32>
      %parallel_loop3A_633 = arith.mulf %parallel_loop3A_632, %parallel_loop3A_618 : vector<16xf32>
      %parallel_loop3A_634 = arith.constant -0.139085338 : f32
      %parallel_loop3A_635 = vector.broadcast %parallel_loop3A_634 : f32 to vector<16xf32>
      %parallel_loop3A_636 = arith.addf %parallel_loop3A_633, %parallel_loop3A_635 : vector<16xf32>
      %parallel_loop3A_637 = arith.mulf %parallel_loop3A_636, %parallel_loop3A_618 : vector<16xf32>
      %parallel_loop3A_638 = arith.constant 0.199465364 : f32
      %parallel_loop3A_639 = vector.broadcast %parallel_loop3A_638 : f32 to vector<16xf32>
      %parallel_loop3A_640 = arith.addf %parallel_loop3A_637, %parallel_loop3A_639 : vector<16xf32>
      %parallel_loop3A_641 = arith.mulf %parallel_loop3A_640, %parallel_loop3A_618 : vector<16xf32>
      %parallel_loop3A_642 = arith.constant -0.333298564 : f32
      %parallel_loop3A_643 = vector.broadcast %parallel_loop3A_642 : f32 to vector<16xf32>
      %parallel_loop3A_644 = arith.addf %parallel_loop3A_641, %parallel_loop3A_643 : vector<16xf32>
      %parallel_loop3A_645 = arith.mulf %parallel_loop3A_644, %parallel_loop3A_618 : vector<16xf32>
      %parallel_loop3A_646 = arith.constant 0.999999344 : f32
      %parallel_loop3A_647 = vector.broadcast %parallel_loop3A_646 : f32 to vector<16xf32>
      %parallel_loop3A_648 = arith.addf %parallel_loop3A_645, %parallel_loop3A_647 : vector<16xf32>
      %parallel_loop3A_649 = arith.mulf %parallel_loop3A_648, %parallel_loop3A_617 : vector<16xf32>
      %parallel_loop3A_650 = arith.cmpf ogt, %parallel_loop3A_610, %parallel_loop3A_609 : vector<16xf32>
      %parallel_loop3A_651 = arith.constant 1.57079637 : f32
      %parallel_loop3A_652 = vector.broadcast %parallel_loop3A_651 : f32 to vector<16xf32>
      %parallel_loop3A_653 = arith.subf %parallel_loop3A_652, %parallel_loop3A_649 : vector<16xf32>
      %parallel_loop3A_654 = arith.select %parallel_loop3A_650, %parallel_loop3A_653, %parallel_loop3A_649 : vector<16xi1>, vector<16xf32>
      %parallel_loop3A_655 = arith.constant 0.000000e+00 : f32
      %parallel_loop3A_656 = vector.broadcast %parallel_loop3A_655 : f32 to vector<16xf32>
      %parallel_loop3A_657 = arith.cmpf olt, %parallel_loop3A_608, %parallel_loop3A_656 : vector<16xf32>
      %parallel_loop3A_658 = arith.constant 3.14159274 : f32
      %parallel_loop3A_659 = vector.broadcast %parallel_loop3A_658 : f32 to vector<16xf32>
      %parallel_loop3A_660 = arith.subf %parallel_loop3A_659, %parallel_loop3A_654 : vector<16xf32>
      %parallel_loop3A_661 = arith.select %parallel_loop3A_657, %parallel_loop3A_660, %parallel_loop3A_654 : vector<16xi1>, vector<16xf32>
      %parallel_loop3A_662 = arith.constant 0.000000e+00 : f32
      %parallel_loop3A_663 = vector.broadcast %parallel_loop3A_662 : f32 to vector<16xf32>
      %parallel_loop3A_664 = arith.cmpf olt, %parallel_loop3A_604, %parallel_loop3A_663 : vector<16xf32>
      %parallel_loop3A_665 = arith.constant 0.000000e+00 : f32
      %parallel_loop3A_666 = vector.broadcast %parallel_loop3A_665 : f32 to vector<16xf32>
      %parallel_loop3A_667 = arith.subf %parallel_loop3A_666, %parallel_loop3A_661 : vector<16xf32>
      %parallel_loop3A_668 = arith.select %parallel_loop3A_664, %parallel_loop3A_667, %parallel_loop3A_661 : vector<16xi1>, vector<16xf32>
      %parallel_loop3A_669 = arith.constant 0.000000e+00 : f32
      %parallel_loop3A_670 = vector.broadcast %parallel_loop3A_669 : f32 to vector<16xf32>
      %parallel_loop3A_671 = arith.cmpf olt, %parallel_loop3A_668, %parallel_loop3A_670 : vector<16xf32>
      %parallel_loop3A_672 = arith.constant 6.28318548 : f32
      %parallel_loop3A_673 = vector.broadcast %parallel_loop3A_672 : f32 to vector<16xf32>
      %parallel_loop3A_674 = arith.addf %parallel_loop3A_668, %parallel_loop3A_673 : vector<16xf32>
      %parallel_loop3A_675 = arith.select %parallel_loop3A_671, %parallel_loop3A_674, %parallel_loop3A_668 : vector<16xi1>, vector<16xf32>
      %parallel_loop3A_676 = arith.constant 1.27323949 : f32
      %parallel_loop3A_677 = vector.broadcast %parallel_loop3A_676 : f32 to vector<16xf32>
      %parallel_loop3A_678 = arith.mulf %parallel_loop3A_675, %parallel_loop3A_677 : vector<16xf32>
      %parallel_loop3A_679 = arith.fptosi %parallel_loop3A_678 : vector<16xf32> to vector<16xi32>
      %parallel_loop3A_680 = vector.broadcast %parallel_loop3A_594 : i32 to vector<16xi32>
      %parallel_loop3A_681 = arith.addi %parallel_loop3A_680, %iota3A : vector<16xi32>
      %parallel_loop3A_682 = arith.constant 64 : i32
      %parallel_loop3A_683 = vector.broadcast %parallel_loop3A_682 : i32 to vector<16xi32>
      %parallel_loop3A_684 = arith.divsi %parallel_loop3A_681, %parallel_loop3A_683 : vector<16xi32>
      %parallel_loop3A_685 = arith.constant 0 : i32
      %parallel_loop3A_686 = vector.broadcast %parallel_loop3A_685 : i32 to vector<16xi32>
      %parallel_loop3A_687 = arith.cmpi sgt, %parallel_loop3A_681, %parallel_loop3A_686 : vector<16xi32>
      %parallel_loop3A_688 = arith.extui %parallel_loop3A_687 : vector<16xi1> to vector<16xi32>
      %parallel_loop3A_689 = arith.constant 0 : i32
      %parallel_loop3A_690 = vector.broadcast %parallel_loop3A_689 : i32 to vector<16xi32>
      %parallel_loop3A_691 = arith.cmpi slt, %parallel_loop3A_681, %parallel_loop3A_690 : vector<16xi32>
      %parallel_loop3A_692 = arith.extui %parallel_loop3A_691 : vector<16xi1> to vector<16xi32>
      %parallel_loop3A_693 = arith.subi %parallel_loop3A_688, %parallel_loop3A_692 : vector<16xi32>
      %parallel_loop3A_694 = arith.constant 0 : i32
      %parallel_loop3A_695 = arith.cmpi sgt, %parallel_loop3A_682, %parallel_loop3A_694 : i32
      %parallel_loop3A_696 = arith.extui %parallel_loop3A_695 : i1 to i32
      %parallel_loop3A_697 = arith.constant 0 : i32
      %parallel_loop3A_698 = arith.cmpi slt, %parallel_loop3A_682, %parallel_loop3A_697 : i32
      %parallel_loop3A_699 = arith.extui %parallel_loop3A_698 : i1 to i32
      %parallel_loop3A_700 = arith.subi %parallel_loop3A_696, %parallel_loop3A_699 : i32
      %parallel_loop3A_701 = vector.broadcast %parallel_loop3A_700 : i32 to vector<16xi32>
      %parallel_loop3A_702 = arith.cmpi ne, %parallel_loop3A_693, %parallel_loop3A_701 : vector<16xi32>
      %parallel_loop3A_703 = vector.broadcast %parallel_loop3A_682 : i32 to vector<16xi32>
      %parallel_loop3A_704 = arith.remsi %parallel_loop3A_681, %parallel_loop3A_703 : vector<16xi32>
      %parallel_loop3A_705 = arith.constant 0 : i32
      %parallel_loop3A_706 = vector.broadcast %parallel_loop3A_705 : i32 to vector<16xi32>
      %parallel_loop3A_707 = arith.cmpi ne, %parallel_loop3A_704, %parallel_loop3A_706 : vector<16xi32>
      %parallel_loop3A_708 = arith.andi %parallel_loop3A_702, %parallel_loop3A_707 : vector<16xi1>
      %parallel_loop3A_709 = arith.constant 1 : i32
      %parallel_loop3A_710 = vector.broadcast %parallel_loop3A_709 : i32 to vector<16xi32>
      %parallel_loop3A_711 = arith.subi %parallel_loop3A_684, %parallel_loop3A_710 : vector<16xi32>
      %parallel_loop3A_712 = arith.select %parallel_loop3A_708, %parallel_loop3A_711, %parallel_loop3A_684 : vector<16xi1>, vector<16xi32>
      %parallel_loop3A_713 = arith.constant 0.000000e+00 : f32
      %parallel_loop3A_714 = vector.broadcast %parallel_loop3A_713 : f32 to vector<16xf32>
      %parallel_loop3A_715 = arith.cmpf ogt, %parallel_loop3A_596, %parallel_loop3A_714 : vector<16xf32>
      %parallel_loop3A_716 = arith.constant 7 : i32
      %parallel_loop3A_717 = vector.broadcast %parallel_loop3A_716 : i32 to vector<16xi32>
      %parallel_loop3A_718 = arith.cmpi sle, %parallel_loop3A_679, %parallel_loop3A_717 : vector<16xi32>
      %parallel_loop3A_719 = arith.andi %parallel_loop3A_715, %parallel_loop3A_718 : vector<16xi1>
      %parallel_loop3A_720 = arith.constant 8 : i32
      %parallel_loop3A_721 = vector.broadcast %parallel_loop3A_720 : i32 to vector<16xi32>
      %parallel_loop3A_722 = arith.muli %parallel_loop3A_712, %parallel_loop3A_721 : vector<16xi32>
      %parallel_loop3A_723 = arith.addi %parallel_loop3A_722, %parallel_loop3A_679 : vector<16xi32>
      %parallel_loop3A_724 = arith.constant 256 : i32
      %parallel_loop3A_725 = vector.broadcast %parallel_loop3A_724 : i32 to vector<16xi32>
      %parallel_loop3A_726 = arith.select %parallel_loop3A_719, %parallel_loop3A_723, %parallel_loop3A_725 : vector<16xi1>, vector<16xi32>
      tpu.vector_store_idx %arg11[%parallel_loop3A_726], %parallel_loop3A_600 {add = true} : memref<264xf32, #tpu.memory_space<vmem>>[vector<16xi32>], vector<16xf32>,
      tpu.vector_store_idx %arg12[%parallel_loop3A_726], %parallel_loop3A_675 {add = true} : memref<264xf32, #tpu.memory_space<vmem>>[vector<16xi32>], vector<16xf32>,
      tpu.vector_store_idx %arg13[%parallel_loop3A_726], %broadcast_in_dim3A_563 {add = true} : memref<264xf32, #tpu.memory_space<vmem>>[vector<16xi32>], vector<16xf32>,
      %parallel_loop3A_727 = arith.index_cast %parallel_loop3A_594 : i32 to index
      %parallel_loop3A_728 = tpu.vector_load %arg10[%parallel_loop3A_727] {strides = array<i32>} : memref<2048xi32, #tpu.memory_space<vmem>>, vector<16xi32>,
      tpu.vector_store %arg10[%parallel_loop3A_727], %parallel_loop3A_726 {strides = array<i32>} : memref<2048xi32, #tpu.memory_space<vmem>>, vector<16xi32>,
    } {sc.loop_unroll_factor = 2 : i64, sc.parallel_access}
    %parallel_loop3A_566 = arith.constant 0 : i32
    %parallel_loop3A_567 = arith.constant 2048 : i32
    %parallel_loop3A_568 = arith.constant 2 : i32
    "tpu.trace_stop"() : () -> ()
    "tpu.trace_start"() <{level = 10 : i32, message = "sc_loop_fre"}> : () -> ()
    scf.for %parallel_loop3A_592 = %parallel_loop3A_566 to %parallel_loop3A_567 step %parallel_loop3A_568  : i32 {
      %parallel_loop3A_593 = arith.constant 32 : i32
      %parallel_loop3A_594 = arith.constant 0 : i32
      %parallel_loop3A_595 = arith.cmpi eq, %parallel_loop3A_593, %parallel_loop3A_594 : i32
      %parallel_loop3A_596 = arith.constant 1 : i32
      %parallel_loop3A_597 = arith.select %parallel_loop3A_595, %parallel_loop3A_596, %parallel_loop3A_593 : i32
      %parallel_loop3A_598 = arith.remsi %parallel_loop3A_592, %parallel_loop3A_597 : i32
      %parallel_loop3A_599 = arith.constant 0 : i32
      %parallel_loop3A_600 = arith.cmpi ne, %parallel_loop3A_598, %parallel_loop3A_599 : i32
      %parallel_loop3A_601 = arith.constant 0 : i32
      %parallel_loop3A_602 = arith.cmpi slt, %parallel_loop3A_598, %parallel_loop3A_601 : i32
      %parallel_loop3A_603 = arith.constant 0 : i32
      %parallel_loop3A_604 = arith.cmpi slt, %parallel_loop3A_597, %parallel_loop3A_603 : i32
      %parallel_loop3A_605 = arith.xori %parallel_loop3A_602, %parallel_loop3A_604 : i1
      %parallel_loop3A_606 = arith.andi %parallel_loop3A_605, %parallel_loop3A_600 : i1
      %parallel_loop3A_607 = arith.addi %parallel_loop3A_598, %parallel_loop3A_597 : i32
      %parallel_loop3A_608 = arith.select %parallel_loop3A_606, %parallel_loop3A_607, %parallel_loop3A_598 : i32
      %parallel_loop3A_609 = arith.constant 64 : i32
      %parallel_loop3A_610 = arith.muli %parallel_loop3A_608, %parallel_loop3A_609 : i32
      %parallel_loop3A_611 = arith.constant 32 : i32
      %parallel_loop3A_612 = arith.divsi %parallel_loop3A_592, %parallel_loop3A_611 : i32
      %parallel_loop3A_613 = arith.constant 0 : i32
      %parallel_loop3A_614 = arith.cmpi sgt, %parallel_loop3A_592, %parallel_loop3A_613 : i32
      %parallel_loop3A_615 = arith.extui %parallel_loop3A_614 : i1 to i32
      %parallel_loop3A_616 = arith.constant 0 : i32
      %parallel_loop3A_617 = arith.cmpi slt, %parallel_loop3A_592, %parallel_loop3A_616 : i32
      %parallel_loop3A_618 = arith.extui %parallel_loop3A_617 : i1 to i32
      %parallel_loop3A_619 = arith.subi %parallel_loop3A_615, %parallel_loop3A_618 : i32
      %parallel_loop3A_620 = arith.constant 0 : i32
      %parallel_loop3A_621 = arith.cmpi sgt, %parallel_loop3A_611, %parallel_loop3A_620 : i32
      %parallel_loop3A_622 = arith.extui %parallel_loop3A_621 : i1 to i32
      %parallel_loop3A_623 = arith.constant 0 : i32
      %parallel_loop3A_624 = arith.cmpi slt, %parallel_loop3A_611, %parallel_loop3A_623 : i32
      %parallel_loop3A_625 = arith.extui %parallel_loop3A_624 : i1 to i32
      %parallel_loop3A_626 = arith.subi %parallel_loop3A_622, %parallel_loop3A_625 : i32
      %parallel_loop3A_627 = arith.cmpi ne, %parallel_loop3A_619, %parallel_loop3A_626 : i32
      %parallel_loop3A_628 = arith.remsi %parallel_loop3A_592, %parallel_loop3A_611 : i32
      %parallel_loop3A_629 = arith.constant 0 : i32
      %parallel_loop3A_630 = arith.cmpi ne, %parallel_loop3A_628, %parallel_loop3A_629 : i32
      %parallel_loop3A_631 = arith.andi %parallel_loop3A_627, %parallel_loop3A_630 : i1
      %parallel_loop3A_632 = arith.constant 1 : i32
      %parallel_loop3A_633 = arith.subi %parallel_loop3A_612, %parallel_loop3A_632 : i32
      %parallel_loop3A_634 = arith.select %parallel_loop3A_631, %parallel_loop3A_633, %parallel_loop3A_612 : i32
      %parallel_loop3A_635 = arith.addi %parallel_loop3A_610, %parallel_loop3A_634 : i32
      %parallel_loop3A_636 = arith.constant 1 : i32
      %parallel_loop3A_637 = arith.addi %parallel_loop3A_592, %parallel_loop3A_636 : i32
      %parallel_loop3A_638 = arith.constant 32 : i32
      %parallel_loop3A_639 = arith.constant 0 : i32
      %parallel_loop3A_640 = arith.cmpi eq, %parallel_loop3A_638, %parallel_loop3A_639 : i32
      %parallel_loop3A_641 = arith.constant 1 : i32
      %parallel_loop3A_642 = arith.select %parallel_loop3A_640, %parallel_loop3A_641, %parallel_loop3A_638 : i32
      %parallel_loop3A_643 = arith.remsi %parallel_loop3A_637, %parallel_loop3A_642 : i32
      %parallel_loop3A_644 = arith.constant 0 : i32
      %parallel_loop3A_645 = arith.cmpi ne, %parallel_loop3A_643, %parallel_loop3A_644 : i32
      %parallel_loop3A_646 = arith.constant 0 : i32
      %parallel_loop3A_647 = arith.cmpi slt, %parallel_loop3A_643, %parallel_loop3A_646 : i32
      %parallel_loop3A_648 = arith.constant 0 : i32
      %parallel_loop3A_649 = arith.cmpi slt, %parallel_loop3A_642, %parallel_loop3A_648 : i32
      %parallel_loop3A_650 = arith.xori %parallel_loop3A_647, %parallel_loop3A_649 : i1
      %parallel_loop3A_651 = arith.andi %parallel_loop3A_650, %parallel_loop3A_645 : i1
      %parallel_loop3A_652 = arith.addi %parallel_loop3A_643, %parallel_loop3A_642 : i32
      %parallel_loop3A_653 = arith.select %parallel_loop3A_651, %parallel_loop3A_652, %parallel_loop3A_643 : i32
      %parallel_loop3A_654 = arith.constant 64 : i32
      %parallel_loop3A_655 = arith.muli %parallel_loop3A_653, %parallel_loop3A_654 : i32
      %parallel_loop3A_656 = arith.constant 32 : i32
      %parallel_loop3A_657 = arith.divsi %parallel_loop3A_637, %parallel_loop3A_656 : i32
      %parallel_loop3A_658 = arith.constant 0 : i32
      %parallel_loop3A_659 = arith.cmpi sgt, %parallel_loop3A_637, %parallel_loop3A_658 : i32
      %parallel_loop3A_660 = arith.extui %parallel_loop3A_659 : i1 to i32
      %parallel_loop3A_661 = arith.constant 0 : i32
      %parallel_loop3A_662 = arith.cmpi slt, %parallel_loop3A_637, %parallel_loop3A_661 : i32
      %parallel_loop3A_663 = arith.extui %parallel_loop3A_662 : i1 to i32
      %parallel_loop3A_664 = arith.subi %parallel_loop3A_660, %parallel_loop3A_663 : i32
      %parallel_loop3A_665 = arith.constant 0 : i32
      %parallel_loop3A_666 = arith.cmpi sgt, %parallel_loop3A_656, %parallel_loop3A_665 : i32
      %parallel_loop3A_667 = arith.extui %parallel_loop3A_666 : i1 to i32
      %parallel_loop3A_668 = arith.constant 0 : i32
      %parallel_loop3A_669 = arith.cmpi slt, %parallel_loop3A_656, %parallel_loop3A_668 : i32
      %parallel_loop3A_670 = arith.extui %parallel_loop3A_669 : i1 to i32
      %parallel_loop3A_671 = arith.subi %parallel_loop3A_667, %parallel_loop3A_670 : i32
      %parallel_loop3A_672 = arith.cmpi ne, %parallel_loop3A_664, %parallel_loop3A_671 : i32
      %parallel_loop3A_673 = arith.remsi %parallel_loop3A_637, %parallel_loop3A_656 : i32
      %parallel_loop3A_674 = arith.constant 0 : i32
      %parallel_loop3A_675 = arith.cmpi ne, %parallel_loop3A_673, %parallel_loop3A_674 : i32
      %parallel_loop3A_676 = arith.andi %parallel_loop3A_672, %parallel_loop3A_675 : i1
      %parallel_loop3A_677 = arith.constant 1 : i32
      %parallel_loop3A_678 = arith.subi %parallel_loop3A_657, %parallel_loop3A_677 : i32
      %parallel_loop3A_679 = arith.select %parallel_loop3A_676, %parallel_loop3A_678, %parallel_loop3A_657 : i32
      %parallel_loop3A_680 = arith.addi %parallel_loop3A_655, %parallel_loop3A_679 : i32
      %parallel_loop3A_681 = arith.constant 0 : i32
      %parallel_loop3A_682 = vector.broadcast %parallel_loop3A_681 : i32 to vector<16xi32>
      %parallel_loop3A_683 = arith.muli %iota3A, %parallel_loop3A_682 : vector<16xi32>
      %parallel_loop3A_684 = vector.broadcast %parallel_loop3A_635 : i32 to vector<16xi32>
      %parallel_loop3A_685 = arith.addi %parallel_loop3A_683, %parallel_loop3A_684 : vector<16xi32>
      %parallel_loop3A_686 = tpu.vector_load_idx %arg10[%parallel_loop3A_685] : memref<2048xi32, #tpu.memory_space<vmem>>[vector<16xi32>], vector<16xi32>,
      %parallel_loop3A_687 = arith.constant 0 : i32
      %parallel_loop3A_688 = vector.broadcast %parallel_loop3A_687 : i32 to vector<16xi32>
      %parallel_loop3A_689 = arith.muli %iota3A, %parallel_loop3A_688 : vector<16xi32>
      %parallel_loop3A_690 = vector.broadcast %parallel_loop3A_680 : i32 to vector<16xi32>
      %parallel_loop3A_691 = arith.addi %parallel_loop3A_689, %parallel_loop3A_690 : vector<16xi32>
      %parallel_loop3A_692 = tpu.vector_load_idx %arg10[%parallel_loop3A_691] : memref<2048xi32, #tpu.memory_space<vmem>>[vector<16xi32>], vector<16xi32>,
      %parallel_loop3A_693 = arith.constant 16 : i32
      %parallel_loop3A_694 = vector.broadcast %parallel_loop3A_693 : i32 to vector<16xi32>
      %parallel_loop3A_695 = arith.muli %parallel_loop3A_686, %parallel_loop3A_694 : vector<16xi32>
      %parallel_loop3A_696 = arith.addi %parallel_loop3A_695, %iota3A : vector<16xi32>
      %parallel_loop3A_697 = arith.constant 16 : i32
      %parallel_loop3A_698 = vector.broadcast %parallel_loop3A_697 : i32 to vector<16xi32>
      %parallel_loop3A_699 = arith.muli %parallel_loop3A_692, %parallel_loop3A_698 : vector<16xi32>
      %parallel_loop3A_700 = arith.addi %parallel_loop3A_699, %iota3A : vector<16xi32>
      %parallel_loop3A_701 = arith.constant 2048 : i32
      %parallel_loop3A_702 = vector.broadcast %parallel_loop3A_701 : i32 to vector<16xi32>
      %parallel_loop3A_703 = arith.muli %iota3A, %parallel_loop3A_702 : vector<16xi32>
      %parallel_loop3A_704 = vector.broadcast %parallel_loop3A_635 : i32 to vector<16xi32>
      %parallel_loop3A_705 = arith.addi %parallel_loop3A_703, %parallel_loop3A_704 : vector<16xi32>
      %parallel_loop3A_706 = arith.constant 2048 : i32
      %parallel_loop3A_707 = vector.broadcast %parallel_loop3A_706 : i32 to vector<16xi32>
      %parallel_loop3A_708 = arith.muli %iota3A, %parallel_loop3A_707 : vector<16xi32>
      %parallel_loop3A_709 = vector.broadcast %parallel_loop3A_680 : i32 to vector<16xi32>
      %parallel_loop3A_710 = arith.addi %parallel_loop3A_708, %parallel_loop3A_709 : vector<16xi32>
      %parallel_loop3A_711 = tpu.vector_load_idx %arg9[%parallel_loop3A_705] : memref<65536xf32, #tpu.memory_space<vmem>>[vector<16xi32>], vector<16xf32>,
      tpu.vector_store_idx %arg14[%parallel_loop3A_696], %parallel_loop3A_711 {add = true} : memref<4112xf32, #tpu.memory_space<vmem>>[vector<16xi32>], vector<16xf32>,
      %parallel_loop3A_712 = tpu.vector_load_idx %arg9[%parallel_loop3A_710] : memref<65536xf32, #tpu.memory_space<vmem>>[vector<16xi32>], vector<16xf32>,
      tpu.vector_store_idx %arg16[%parallel_loop3A_700], %parallel_loop3A_712 {add = true} : memref<4112xf32, #tpu.memory_space<vmem>>[vector<16xi32>], vector<16xf32>,
      %parallel_loop3A_713 = arith.constant 32768 : i32
      %parallel_loop3A_714 = vector.broadcast %parallel_loop3A_713 : i32 to vector<16xi32>
      %parallel_loop3A_715 = arith.addi %parallel_loop3A_705, %parallel_loop3A_714 : vector<16xi32>
      %parallel_loop3A_716 = tpu.vector_load_idx %arg9[%parallel_loop3A_715] : memref<65536xf32, #tpu.memory_space<vmem>>[vector<16xi32>], vector<16xf32>,
      tpu.vector_store_idx %arg15[%parallel_loop3A_696], %parallel_loop3A_716 {add = true} : memref<4112xf32, #tpu.memory_space<vmem>>[vector<16xi32>], vector<16xf32>,
      %parallel_loop3A_717 = arith.constant 32768 : i32
      %parallel_loop3A_718 = vector.broadcast %parallel_loop3A_717 : i32 to vector<16xi32>
      %parallel_loop3A_719 = arith.addi %parallel_loop3A_710, %parallel_loop3A_718 : vector<16xi32>
      %parallel_loop3A_720 = tpu.vector_load_idx %arg9[%parallel_loop3A_719] : memref<65536xf32, #tpu.memory_space<vmem>>[vector<16xi32>], vector<16xf32>,
      tpu.vector_store_idx %arg17[%parallel_loop3A_700], %parallel_loop3A_720 {add = true} : memref<4112xf32, #tpu.memory_space<vmem>>[vector<16xi32>], vector<16xf32>,
    } {sc.loop_unroll_factor = 2 : i64, sc.parallel_access}
    "tpu.trace_stop"() : () -> ()
    "tpu.trace_start"() <{level = 10 : i32, message = "sc_loop_bc"}> : () -> ()
    %scan3A = arith.constant 0 : i32
    %scan3A_569 = arith.constant 0 : i32
    %scan3A_570 = arith.constant 16 : i32
    %scan3A_571 = arith.addi %scan3A_569, %scan3A_570 : i32
    %scan3A_572 = arith.constant 1 : i32
    scf.for %scan3A_592 = %scan3A_569 to %scan3A_571 step %scan3A_572  : i32 {
      %mul3A_593 = arith.constant 16 : i32
      %mul3A_594 = arith.muli %scan3A_592, %mul3A_593 : i32
      %get3A_595 = arith.index_cast %mul3A_594 : i32 to index
      %get3A_596 = tpu.vector_load %arg13[%get3A_595] {strides = array<i32>} : memref<264xf32, #tpu.memory_space<vmem>>, vector<16xf32>,
      %add3A_597 = arith.constant 9.99999974E-5 : f32
      %add3A_598 = vector.broadcast %add3A_597 : f32 to vector<16xf32>
      %add3A_599 = arith.addf %get3A_596, %add3A_598 : vector<16xf32>
      %div3A = arith.constant 1.000000e+00 : f32
      %div3A_600 = vector.broadcast %div3A : f32 to vector<16xf32>
      %div3A_601 = arith.divf %div3A_600, %add3A_599 : vector<16xf32>
      %get3A_602 = arith.index_cast %mul3A_594 : i32 to index
      %get3A_603 = tpu.vector_load %arg11[%get3A_602] {strides = array<i32>} : memref<264xf32, #tpu.memory_space<vmem>>, vector<16xf32>,
      %mul3A_604 = arith.mulf %get3A_603, %div3A_601 : vector<16xf32>
      %swap3A = arith.index_cast %mul3A_594 : i32 to index
      %swap3A_605 = tpu.vector_load %arg18[%swap3A] {strides = array<i32>} : memref<256xf32, #tpu.memory_space<vmem>>, vector<16xf32>,
      tpu.vector_store %arg18[%swap3A], %mul3A_604 {strides = array<i32>} : memref<256xf32, #tpu.memory_space<vmem>>, vector<16xf32>,
      %get3A_606 = arith.index_cast %mul3A_594 : i32 to index
      %get3A_607 = tpu.vector_load %arg12[%get3A_606] {strides = array<i32>} : memref<264xf32, #tpu.memory_space<vmem>>, vector<16xf32>,
      %mul3A_608 = arith.mulf %get3A_607, %div3A_601 : vector<16xf32>
      %swap3A_609 = arith.index_cast %mul3A_594 : i32 to index
      %swap3A_610 = tpu.vector_load %arg19[%swap3A_609] {strides = array<i32>} : memref<256xf32, #tpu.memory_space<vmem>>, vector<16xf32>,
      tpu.vector_store %arg19[%swap3A_609], %mul3A_608 {strides = array<i32>} : memref<256xf32, #tpu.memory_space<vmem>>, vector<16xf32>,
      %swap3A_611 = arith.index_cast %mul3A_594 : i32 to index
      %swap3A_612 = tpu.vector_load %arg20[%swap3A_611] {strides = array<i32>} : memref<256xf32, #tpu.memory_space<vmem>>, vector<16xf32>,
      tpu.vector_store %arg20[%swap3A_611], %div3A_601 {strides = array<i32>} : memref<256xf32, #tpu.memory_space<vmem>>, vector<16xf32>,
    }
    %scan3A_573 = arith.constant 16 : i32
    %get3A = arith.constant 0 : index
    %get3A_574 = tpu.vector_load %arg22[%get3A] {strides = array<i32>} : memref<64xf32, #tpu.memory_space<vmem>>, vector<16xf32>,
    %get3A_575 = arith.constant 16 : index
    %get3A_576 = tpu.vector_load %arg22[%get3A_575] {strides = array<i32>} : memref<64xf32, #tpu.memory_space<vmem>>, vector<16xf32>,
    %get3A_577 = arith.constant 32 : index
    %get3A_578 = tpu.vector_load %arg22[%get3A_577] {strides = array<i32>} : memref<64xf32, #tpu.memory_space<vmem>>, vector<16xf32>,
    %get3A_579 = arith.constant 48 : index
    %get3A_580 = tpu.vector_load %arg22[%get3A_579] {strides = array<i32>} : memref<64xf32, #tpu.memory_space<vmem>>, vector<16xf32>,
    %get3A_581 = arith.constant 0 : index
    %get3A_582 = tpu.vector_load %arg23[%get3A_581] {strides = array<i32>} : memref<32xf32, #tpu.memory_space<vmem>>, vector<16xf32>,
    %get3A_583 = arith.constant 16 : index
    %get3A_584 = tpu.vector_load %arg23[%get3A_583] {strides = array<i32>} : memref<32xf32, #tpu.memory_space<vmem>>, vector<16xf32>,
    %parallel_loop3A_585 = arith.constant 0 : i32
    %parallel_loop3A_586 = arith.constant 256 : i32
    %parallel_loop3A_587 = arith.constant 1 : i32
    scf.for %parallel_loop3A_592 = %parallel_loop3A_585 to %parallel_loop3A_586 step %parallel_loop3A_587  : i32 {
      %parallel_loop3A_593 = arith.constant 0 : i32
      %parallel_loop3A_594 = vector.broadcast %parallel_loop3A_593 : i32 to vector<16xi32>
      %parallel_loop3A_595 = arith.muli %iota3A, %parallel_loop3A_594 : vector<16xi32>
      %parallel_loop3A_596 = vector.broadcast %parallel_loop3A_592 : i32 to vector<16xi32>
      %parallel_loop3A_597 = arith.addi %parallel_loop3A_595, %parallel_loop3A_596 : vector<16xi32>
      %parallel_loop3A_598 = tpu.vector_load_idx %arg20[%parallel_loop3A_597] : memref<256xf32, #tpu.memory_space<vmem>>[vector<16xi32>], vector<16xf32>,
      %parallel_loop3A_599 = tpu.vector_load_idx %arg18[%parallel_loop3A_597] : memref<256xf32, #tpu.memory_space<vmem>>[vector<16xi32>], vector<16xf32>,
      %parallel_loop3A_600 = tpu.vector_load_idx %arg19[%parallel_loop3A_597] : memref<256xf32, #tpu.memory_space<vmem>>[vector<16xi32>], vector<16xf32>,
      %parallel_loop3A_601 = arith.constant 16 : i32
      %parallel_loop3A_602 = arith.muli %parallel_loop3A_592, %parallel_loop3A_601 : i32
      %parallel_loop3A_603 = arith.index_cast %parallel_loop3A_602 : i32 to index
      %parallel_loop3A_604 = tpu.vector_load %arg14[%parallel_loop3A_603] {strides = array<i32>} : memref<4112xf32, #tpu.memory_space<vmem>>, vector<16xf32>,
      %parallel_loop3A_605 = arith.constant 16 : i32
      %parallel_loop3A_606 = arith.muli %parallel_loop3A_592, %parallel_loop3A_605 : i32
      %parallel_loop3A_607 = arith.index_cast %parallel_loop3A_606 : i32 to index
      %parallel_loop3A_608 = tpu.vector_load %arg16[%parallel_loop3A_607] {strides = array<i32>} : memref<4112xf32, #tpu.memory_space<vmem>>, vector<16xf32>,
      %parallel_loop3A_609 = arith.addf %parallel_loop3A_604, %parallel_loop3A_608 : vector<16xf32>
      %parallel_loop3A_610 = arith.constant 16 : i32
      %parallel_loop3A_611 = arith.muli %parallel_loop3A_592, %parallel_loop3A_610 : i32
      %parallel_loop3A_612 = arith.index_cast %parallel_loop3A_611 : i32 to index
      %parallel_loop3A_613 = tpu.vector_load %arg15[%parallel_loop3A_612] {strides = array<i32>} : memref<4112xf32, #tpu.memory_space<vmem>>, vector<16xf32>,
      %parallel_loop3A_614 = arith.constant 16 : i32
      %parallel_loop3A_615 = arith.muli %parallel_loop3A_592, %parallel_loop3A_614 : i32
      %parallel_loop3A_616 = arith.index_cast %parallel_loop3A_615 : i32 to index
      %parallel_loop3A_617 = tpu.vector_load %arg17[%parallel_loop3A_616] {strides = array<i32>} : memref<4112xf32, #tpu.memory_space<vmem>>, vector<16xf32>,
      %parallel_loop3A_618 = arith.addf %parallel_loop3A_613, %parallel_loop3A_617 : vector<16xf32>
      %parallel_loop3A_619 = arith.mulf %parallel_loop3A_609, %parallel_loop3A_598 : vector<16xf32>
      %parallel_loop3A_620 = arith.constant 64 : i32
      %parallel_loop3A_621 = arith.muli %parallel_loop3A_592, %parallel_loop3A_620 : i32
      %parallel_loop3A_622 = arith.index_cast %parallel_loop3A_621 : i32 to index
      %parallel_loop3A_623 = tpu.vector_load %arg21[%parallel_loop3A_622] {strides = array<i32>} : memref<16384xf32, #tpu.memory_space<vmem>>, vector<16xf32>,
      tpu.vector_store %arg21[%parallel_loop3A_622], %parallel_loop3A_619 {strides = array<i32>} : memref<16384xf32, #tpu.memory_space<vmem>>, vector<16xf32>,
      %parallel_loop3A_624 = arith.mulf %parallel_loop3A_618, %parallel_loop3A_598 : vector<16xf32>
      %parallel_loop3A_625 = arith.constant 64 : i32
      %parallel_loop3A_626 = arith.muli %parallel_loop3A_592, %parallel_loop3A_625 : i32
      %parallel_loop3A_627 = arith.constant 16 : i32
      %parallel_loop3A_628 = arith.addi %parallel_loop3A_626, %parallel_loop3A_627 : i32
      %parallel_loop3A_629 = arith.index_cast %parallel_loop3A_628 : i32 to index
      %parallel_loop3A_630 = tpu.vector_load %arg21[%parallel_loop3A_629] {strides = array<i32>} : memref<16384xf32, #tpu.memory_space<vmem>>, vector<16xf32>,
      tpu.vector_store %arg21[%parallel_loop3A_629], %parallel_loop3A_624 {strides = array<i32>} : memref<16384xf32, #tpu.memory_space<vmem>>, vector<16xf32>,
      %parallel_loop3A_631 = arith.mulf %parallel_loop3A_599, %get3A_574 : vector<16xf32>
      %parallel_loop3A_632 = arith.mulf %parallel_loop3A_600, %get3A_578 : vector<16xf32>
      %parallel_loop3A_633 = arith.addf %parallel_loop3A_631, %parallel_loop3A_632 : vector<16xf32>
      %parallel_loop3A_634 = arith.addf %parallel_loop3A_633, %get3A_582 : vector<16xf32>
      %parallel_loop3A_635 = arith.constant 0.000000e+00 : f32
      %parallel_loop3A_636 = vector.broadcast %parallel_loop3A_635 : f32 to vector<16xf32>
      %parallel_loop3A_637 = arith.maximumf %parallel_loop3A_634, %parallel_loop3A_636 : vector<16xf32>
      %parallel_loop3A_638 = arith.constant 64 : i32
      %parallel_loop3A_639 = arith.muli %parallel_loop3A_592, %parallel_loop3A_638 : i32
      %parallel_loop3A_640 = arith.constant 32 : i32
      %parallel_loop3A_641 = arith.addi %parallel_loop3A_639, %parallel_loop3A_640 : i32
      %parallel_loop3A_642 = arith.index_cast %parallel_loop3A_641 : i32 to index
      %parallel_loop3A_643 = tpu.vector_load %arg21[%parallel_loop3A_642] {strides = array<i32>} : memref<16384xf32, #tpu.memory_space<vmem>>, vector<16xf32>,
      tpu.vector_store %arg21[%parallel_loop3A_642], %parallel_loop3A_637 {strides = array<i32>} : memref<16384xf32, #tpu.memory_space<vmem>>, vector<16xf32>,
      %parallel_loop3A_644 = arith.mulf %parallel_loop3A_599, %get3A_576 : vector<16xf32>
      %parallel_loop3A_645 = arith.mulf %parallel_loop3A_600, %get3A_580 : vector<16xf32>
      %parallel_loop3A_646 = arith.addf %parallel_loop3A_644, %parallel_loop3A_645 : vector<16xf32>
      %parallel_loop3A_647 = arith.addf %parallel_loop3A_646, %get3A_584 : vector<16xf32>
      %parallel_loop3A_648 = arith.constant 0.000000e+00 : f32
      %parallel_loop3A_649 = vector.broadcast %parallel_loop3A_648 : f32 to vector<16xf32>
      %parallel_loop3A_650 = arith.maximumf %parallel_loop3A_647, %parallel_loop3A_649 : vector<16xf32>
      %parallel_loop3A_651 = arith.constant 64 : i32
      %parallel_loop3A_652 = arith.muli %parallel_loop3A_592, %parallel_loop3A_651 : i32
      %parallel_loop3A_653 = arith.constant 48 : i32
      %parallel_loop3A_654 = arith.addi %parallel_loop3A_652, %parallel_loop3A_653 : i32
      %parallel_loop3A_655 = arith.index_cast %parallel_loop3A_654 : i32 to index
      %parallel_loop3A_656 = tpu.vector_load %arg21[%parallel_loop3A_655] {strides = array<i32>} : memref<16384xf32, #tpu.memory_space<vmem>>, vector<16xf32>,
      tpu.vector_store %arg21[%parallel_loop3A_655], %parallel_loop3A_650 {strides = array<i32>} : memref<16384xf32, #tpu.memory_space<vmem>>, vector<16xf32>,
    } {sc.loop_unroll_factor = 2 : i64, sc.parallel_access}
    "tpu.trace_stop"() : () -> ()
    %mul3A_588 = arith.constant 256 : i32
    %mul3A_589 = arith.muli %add3A, %mul3A_588 : i32
    %mul3A_590 = arith.constant 64 : i32
    %mul3A_591 = arith.muli %mul3A_589, %mul3A_590 : i32
    "tpu.region"() ({
      %run_scoped3A = tpu.sem_alloc : memref<!tpu.dma_semaphore, #tpu.memory_space<semaphore_mem>>
      %dma_start3A_592 = tpu.memref_slice %arg7[%mul3A_591] : memref<524288xf32, #tpu.memory_space<hbm>> -> memref<16384xf32, #tpu.memory_space<hbm>>
      %dma_start3A_593 = tpu.memref_slice %arg7[%mul3A_591] : memref<524288xf32, #tpu.memory_space<hbm>> -> memref<16384xf32, #tpu.memory_space<hbm>>
      tpu.enqueue_dma source(%arg21 : memref<16384xf32, #tpu.memory_space<vmem>>) target(%dma_start3A_593 : memref<16384xf32, #tpu.memory_space<hbm>>) target_semaphore(%run_scoped3A : memref<!tpu.dma_semaphore, #tpu.memory_space<semaphore_mem>>)
      %dma_wait3A_594 = tpu.memref_slice %arg7[%mul3A_591] : memref<524288xf32, #tpu.memory_space<hbm>> -> memref<16384xf32, #tpu.memory_space<hbm>>
      %dma_wait3A_595 = tpu.memref_slice %arg7[%mul3A_591] : memref<524288xf32, #tpu.memory_space<hbm>> -> memref<16384xf32, #tpu.memory_space<hbm>>
      tpu.wait_dma2 semaphore(%run_scoped3A : memref<!tpu.dma_semaphore, #tpu.memory_space<semaphore_mem>>) src(%arg21 : memref<16384xf32, #tpu.memory_space<vmem>>) dst(%dma_wait3A_595 : memref<16384xf32, #tpu.memory_space<hbm>>)
      tpu.yield
    }) : () -> ()
    return
  }
}

module attributes {stable_mosaic.version = 14 : i64} {
  func.func @_tc_body(%arg0: i32, %arg1: memref<16x128xf32, #tpu.memory_space<vmem>>, %arg2: memref<16x8192xf32, #tpu.memory_space<vmem>>, %arg3: memref<256x16xf32, #tpu.memory_space<vmem>>, %arg4: memref<256x1xf32, #tpu.memory_space<vmem>>, %arg5: memref<32x256xf32, #tpu.memory_space<vmem>>, %arg6: memref<32x1xf32, #tpu.memory_space<vmem>>, %arg7: memref<32x32xf32, #tpu.memory_space<vmem>>, %arg8: memref<32x1xf32, #tpu.memory_space<vmem>>, %arg9: memref<32x32xf32, #tpu.memory_space<vmem>>, %arg10: memref<32x1xf32, #tpu.memory_space<vmem>>, %arg11: memref<128x8192xbf16, #tpu.memory_space<vmem>>, %arg12: memref<32x8192xf32, #tpu.memory_space<vmem>>, %arg13: memref<8192x32xf32, #tpu.memory_space<vmem>>, %arg14: memref<4x8192xf32, #tpu.memory_space<vmem>>) attributes {dimension_semantics = [#tpu.dimension_semantics<arbitrary>], iteration_bounds = array<i64: 8>, scalar_prefetch = 0 : i64, scratch_operands = 0 : i64, tpu.core_type = #tpu.core_type<tc>, window_params = [{transform_indices = @transform_0, window_bounds = array<i64: 16, 128>}, {transform_indices = @transform_1, window_bounds = array<i64: 16, 8192>}, {pipeline_mode = #tpu.pipeline_mode<synchronous>, transform_indices = @transform_2, window_bounds = array<i64: 256, 16>}, {pipeline_mode = #tpu.pipeline_mode<synchronous>, transform_indices = @transform_3, window_bounds = array<i64: 256, 1>}, {pipeline_mode = #tpu.pipeline_mode<synchronous>, transform_indices = @transform_4, window_bounds = array<i64: 32, 256>}, {pipeline_mode = #tpu.pipeline_mode<synchronous>, transform_indices = @transform_5, window_bounds = array<i64: 32, 1>}, {pipeline_mode = #tpu.pipeline_mode<synchronous>, transform_indices = @transform_6, window_bounds = array<i64: 32, 32>}, {pipeline_mode = #tpu.pipeline_mode<synchronous>, transform_indices = @transform_7, window_bounds = array<i64: 32, 1>}, {pipeline_mode = #tpu.pipeline_mode<synchronous>, transform_indices = @transform_8, window_bounds = array<i64: 32, 32>}, {pipeline_mode = #tpu.pipeline_mode<synchronous>, transform_indices = @transform_9, window_bounds = array<i64: 32, 1>}, {pipeline_mode = #tpu.pipeline_mode<synchronous>, transform_indices = @transform_10, window_bounds = array<i64: 128, 8192>}, {transform_indices = @transform_11, window_bounds = array<i64: 32, 8192>}, {transform_indices = @transform_12, window_bounds = array<i64: 8192, 32>}, {transform_indices = @transform_13, window_bounds = array<i64: 4, 8192>}]} {
    %get3A = arith.constant 0 : index
    %get3A_0 = arith.constant 0 : index
    %get3A_1 = vector.load %arg1[%get3A, %get3A_0] : memref<16x128xf32, #tpu.memory_space<vmem>>, vector<16x128xf32>
    %get3A_2 = arith.constant 0 : index
    %get3A_3 = arith.constant 0 : index
    %get3A_4 = vector.load %arg2[%get3A_2, %get3A_3] : memref<16x8192xf32, #tpu.memory_space<vmem>>, vector<16x8192xf32>
    %get3A_5 = arith.constant 0 : index
    %get3A_6 = arith.constant 0 : index
    %get3A_7 = vector.load %arg3[%get3A_5, %get3A_6] : memref<256x16xf32, #tpu.memory_space<vmem>>, vector<256x16xf32>
    %get3A_8 = arith.constant 0 : index
    %get3A_9 = arith.constant 0 : index
    %get3A_10 = vector.load %arg4[%get3A_8, %get3A_9] : memref<256x1xf32, #tpu.memory_space<vmem>>, vector<256x1xf32>
    %dot_general3A = arith.constant dense<0.000000e+00> : vector<256x128xf32>
    %dot_general3A_11 = tpu.matmul %get3A_7, %get3A_1, %dot_general3A {dimension_numbers = #tpu.dot_dimension_numbers<[1], [0], [0], [1], [0, 0, 1, 1], [], []>, transpose_lhs_hint = false} : vector<256x16xf32>, vector<16x128xf32>, vector<256x128xf32> -> vector<256x128xf32>
    %add3A = vector.broadcast %get3A_10 : vector<256x1xf32> to vector<256x128xf32>
    %add3A_12 = arith.addf %dot_general3A_11, %add3A : vector<256x128xf32>
    %max3A = arith.constant 0.000000e+00 : f32
    %max3A_13 = vector.broadcast %max3A : f32 to vector<256x128xf32>
    %max3A_14 = arith.maximumf %add3A_12, %max3A_13 : vector<256x128xf32>
    %dot_general3A_15 = arith.constant dense<0.000000e+00> : vector<256x8192xf32>
    %dot_general3A_16 = tpu.matmul %get3A_7, %get3A_4, %dot_general3A_15 {dimension_numbers = #tpu.dot_dimension_numbers<[1], [0], [0], [1], [0, 0, 1, 1], [], []>, transpose_lhs_hint = false} : vector<256x16xf32>, vector<16x8192xf32>, vector<256x8192xf32> -> vector<256x8192xf32>
    %add3A_17 = vector.broadcast %get3A_10 : vector<256x1xf32> to vector<256x8192xf32>
    %add3A_18 = arith.addf %dot_general3A_16, %add3A_17 : vector<256x8192xf32>
    %max3A_19 = arith.constant 0.000000e+00 : f32
    %max3A_20 = vector.broadcast %max3A_19 : f32 to vector<256x8192xf32>
    %max3A_21 = arith.maximumf %add3A_18, %max3A_20 : vector<256x8192xf32>
    %get3A_22 = arith.constant 0 : index
    %get3A_23 = arith.constant 0 : index
    %get3A_24 = vector.load %arg11[%get3A_22, %get3A_23] : memref<128x8192xbf16, #tpu.memory_space<vmem>>, vector<128x8192xbf16>
    %convert_element_type3A = arith.truncf %max3A_14 : vector<256x128xf32> to vector<256x128xbf16>
    %convert_element_type3A_25 = arith.extf %convert_element_type3A : vector<256x128xbf16> to vector<256x128xf32>
    %sub3A = arith.subf %max3A_14, %convert_element_type3A_25 : vector<256x128xf32>
    %convert_element_type3A_26 = arith.truncf %sub3A : vector<256x128xf32> to vector<256x128xbf16>
    %dot_general3A_27 = arith.constant dense<0.000000e+00> : vector<256x8192xf32>
    %dot_general3A_28 = tpu.matmul %convert_element_type3A, %get3A_24, %dot_general3A_27 {dimension_numbers = #tpu.dot_dimension_numbers<[1], [0], [0], [1], [0, 0, 1, 1], [], []>, transpose_lhs_hint = false} : vector<256x128xbf16>, vector<128x8192xbf16>, vector<256x8192xf32> -> vector<256x8192xf32>
    %dot_general3A_29 = arith.constant dense<0.000000e+00> : vector<256x8192xf32>
    %dot_general3A_30 = tpu.matmul %convert_element_type3A_26, %get3A_24, %dot_general3A_29 {dimension_numbers = #tpu.dot_dimension_numbers<[1], [0], [0], [1], [0, 0, 1, 1], [], []>, transpose_lhs_hint = false} : vector<256x128xbf16>, vector<128x8192xbf16>, vector<256x8192xf32> -> vector<256x8192xf32>
    %add3A_31 = arith.addf %dot_general3A_28, %dot_general3A_30 : vector<256x8192xf32>
    %mul3A = arith.mulf %add3A_31, %max3A_21 : vector<256x8192xf32>
    %get3A_32 = arith.constant 0 : index
    %get3A_33 = arith.constant 0 : index
    %get3A_34 = vector.load %arg5[%get3A_32, %get3A_33] : memref<32x256xf32, #tpu.memory_space<vmem>>, vector<32x256xf32>
    %dot_general3A_35 = arith.constant dense<0.000000e+00> : vector<32x8192xf32>
    %dot_general3A_36 = tpu.matmul %get3A_34, %mul3A, %dot_general3A_35 {dimension_numbers = #tpu.dot_dimension_numbers<[1], [0], [0], [1], [0, 0, 1, 1], [], []>, transpose_lhs_hint = false} : vector<32x256xf32>, vector<256x8192xf32>, vector<32x8192xf32> -> vector<32x8192xf32>
    %get3A_37 = arith.constant 0 : index
    %get3A_38 = arith.constant 0 : index
    %get3A_39 = vector.load %arg6[%get3A_37, %get3A_38] : memref<32x1xf32, #tpu.memory_space<vmem>>, vector<32x1xf32>
    %add3A_40 = vector.broadcast %get3A_39 : vector<32x1xf32> to vector<32x8192xf32>
    %add3A_41 = arith.addf %dot_general3A_36, %add3A_40 : vector<32x8192xf32>
    %max3A_42 = arith.constant 0.000000e+00 : f32
    %max3A_43 = vector.broadcast %max3A_42 : f32 to vector<32x8192xf32>
    %max3A_44 = arith.maximumf %add3A_41, %max3A_43 : vector<32x8192xf32>
    %get3A_45 = arith.constant 0 : index
    %get3A_46 = arith.constant 0 : index
    %get3A_47 = vector.load %arg7[%get3A_45, %get3A_46] : memref<32x32xf32, #tpu.memory_space<vmem>>, vector<32x32xf32>
    %dot_general3A_48 = arith.constant dense<0.000000e+00> : vector<32x8192xf32>
    %dot_general3A_49 = tpu.matmul %get3A_47, %max3A_44, %dot_general3A_48 {dimension_numbers = #tpu.dot_dimension_numbers<[1], [0], [0], [1], [0, 0, 1, 1], [], []>, transpose_lhs_hint = false} : vector<32x32xf32>, vector<32x8192xf32>, vector<32x8192xf32> -> vector<32x8192xf32>
    %get3A_50 = arith.constant 0 : index
    %get3A_51 = arith.constant 0 : index
    %get3A_52 = vector.load %arg8[%get3A_50, %get3A_51] : memref<32x1xf32, #tpu.memory_space<vmem>>, vector<32x1xf32>
    %add3A_53 = vector.broadcast %get3A_52 : vector<32x1xf32> to vector<32x8192xf32>
    %add3A_54 = arith.addf %dot_general3A_49, %add3A_53 : vector<32x8192xf32>
    %max3A_55 = arith.constant 0.000000e+00 : f32
    %max3A_56 = vector.broadcast %max3A_55 : f32 to vector<32x8192xf32>
    %max3A_57 = arith.maximumf %add3A_54, %max3A_56 : vector<32x8192xf32>
    %get3A_58 = arith.constant 0 : index
    %get3A_59 = arith.constant 0 : index
    %get3A_60 = vector.load %arg9[%get3A_58, %get3A_59] : memref<32x32xf32, #tpu.memory_space<vmem>>, vector<32x32xf32>
    %dot_general3A_61 = arith.constant dense<0.000000e+00> : vector<32x8192xf32>
    %dot_general3A_62 = tpu.matmul %get3A_60, %max3A_57, %dot_general3A_61 {dimension_numbers = #tpu.dot_dimension_numbers<[1], [0], [0], [1], [0, 0, 1, 1], [], []>, transpose_lhs_hint = false} : vector<32x32xf32>, vector<32x8192xf32>, vector<32x8192xf32> -> vector<32x8192xf32>
    %get3A_63 = arith.constant 0 : index
    %get3A_64 = arith.constant 0 : index
    %get3A_65 = vector.load %arg10[%get3A_63, %get3A_64] : memref<32x1xf32, #tpu.memory_space<vmem>>, vector<32x1xf32>
    %add3A_66 = vector.broadcast %get3A_65 : vector<32x1xf32> to vector<32x8192xf32>
    %add3A_67 = arith.addf %dot_general3A_62, %add3A_66 : vector<32x8192xf32>
    %max3A_68 = arith.constant 0.000000e+00 : f32
    %max3A_69 = vector.broadcast %max3A_68 : f32 to vector<32x8192xf32>
    %max3A_70 = arith.maximumf %add3A_67, %max3A_69 : vector<32x8192xf32>
    %swap3A = arith.constant 0 : index
    %swap3A_71 = arith.constant 0 : index
    %swap3A_72 = vector.load %arg12[%swap3A, %swap3A_71] : memref<32x8192xf32, #tpu.memory_space<vmem>>, vector<32x8192xf32>
    tpu.vector_store %arg12[%swap3A, %swap3A_71], %max3A_70 {strides = array<i32>} : memref<32x8192xf32, #tpu.memory_space<vmem>>, vector<32x8192xf32>,
    %transpose3A = tpu.transpose %max3A_70, [1, 0] : vector<32x8192xf32> -> vector<8192x32xf32>
    %swap3A_73 = arith.constant 0 : index
    %swap3A_74 = arith.constant 0 : index
    %swap3A_75 = vector.load %arg13[%swap3A_73, %swap3A_74] : memref<8192x32xf32, #tpu.memory_space<vmem>>, vector<8192x32xf32>
    tpu.vector_store %arg13[%swap3A_73, %swap3A_74], %transpose3A {strides = array<i32>} : memref<8192x32xf32, #tpu.memory_space<vmem>>, vector<8192x32xf32>,
    %reduce_sum3A = arith.constant dense<0.000000e+00> : vector<8192xf32>
    %reduce_sum3A_76 = vector.multi_reduction <add>, %get3A_4, %reduce_sum3A [0] : vector<16x8192xf32> to vector<8192xf32>
    %broadcast_in_dim3A = vector.shape_cast %reduce_sum3A_76 : vector<8192xf32> to vector<1x8192xf32>
    %ne3A = arith.constant 0.000000e+00 : f32
    %ne3A_77 = vector.broadcast %ne3A : f32 to vector<1x8192xf32>
    %ne3A_78 = arith.cmpf one, %broadcast_in_dim3A, %ne3A_77 : vector<1x8192xf32>
    %convert_element_type3A_79 = arith.extui %ne3A_78 : vector<1x8192xi1> to vector<1x8192xi32>
    %convert_element_type3A_80 = arith.sitofp %convert_element_type3A_79 : vector<1x8192xi32> to vector<1x8192xf32>
    %slice3A = vector.extract_strided_slice %get3A_4 {offsets = [14, 0], sizes = [1, 8192], strides = [1, 1]} : vector<16x8192xf32> to vector<1x8192xf32>
    %slice3A_81 = vector.extract_strided_slice %get3A_4 {offsets = [15, 0], sizes = [1, 8192], strides = [1, 1]} : vector<16x8192xf32> to vector<1x8192xf32>
    %mul3A_82 = arith.mulf %slice3A, %slice3A : vector<1x8192xf32>
    %mul3A_83 = arith.mulf %slice3A_81, %slice3A_81 : vector<1x8192xf32>
    %add3A_84 = arith.addf %mul3A_82, %mul3A_83 : vector<1x8192xf32>
    %sqrt3A = math.sqrt %add3A_84 : vector<1x8192xf32>
    %concatenate3A = tpu.concatenate %convert_element_type3A_80, %sqrt3A, %slice3A, %slice3A_81 in 0 : vector<1x8192xf32>, vector<1x8192xf32>, vector<1x8192xf32>, vector<1x8192xf32> -> vector<4x8192xf32>
    %swap3A_85 = arith.constant 0 : index
    %swap3A_86 = arith.constant 0 : index
    %swap3A_87 = vector.load %arg14[%swap3A_85, %swap3A_86] : memref<4x8192xf32, #tpu.memory_space<vmem>>, vector<4x8192xf32>
    tpu.vector_store %arg14[%swap3A_85, %swap3A_86], %concatenate3A {strides = array<i32>} : memref<4x8192xf32, #tpu.memory_space<vmem>>, vector<4x8192xf32>,
    return
  }
  func.func @transform_0(%arg0: i32) -> (i32, i32) {
    %c0_i32 = arith.constant 0 : i32
    %c0_i32_0 = arith.constant 0 : i32
    return %c0_i32, %arg0 : i32, i32
  }
  func.func @transform_1(%arg0: i32) -> (i32, i32) {
    %c0_i32 = arith.constant 0 : i32
    %c0_i32_0 = arith.constant 0 : i32
    return %c0_i32, %arg0 : i32, i32
  }
  func.func @transform_2(%arg0: i32) -> (i32, i32) {
    %c0_i32 = arith.constant 0 : i32
    %c0_i32_0 = arith.constant 0 : i32
    %c0_i32_1 = arith.constant 0 : i32
    return %c0_i32, %c0_i32_0 : i32, i32
  }
  func.func @transform_3(%arg0: i32) -> (i32, i32) {
    %c0_i32 = arith.constant 0 : i32
    %c0_i32_0 = arith.constant 0 : i32
    %c0_i32_1 = arith.constant 0 : i32
    return %c0_i32, %c0_i32_0 : i32, i32
  }
  func.func @transform_4(%arg0: i32) -> (i32, i32) {
    %c0_i32 = arith.constant 0 : i32
    %c0_i32_0 = arith.constant 0 : i32
    %c0_i32_1 = arith.constant 0 : i32
    return %c0_i32, %c0_i32_0 : i32, i32
  }
  func.func @transform_5(%arg0: i32) -> (i32, i32) {
    %c0_i32 = arith.constant 0 : i32
    %c0_i32_0 = arith.constant 0 : i32
    %c0_i32_1 = arith.constant 0 : i32
    return %c0_i32, %c0_i32_0 : i32, i32
  }
  func.func @transform_6(%arg0: i32) -> (i32, i32) {
    %c0_i32 = arith.constant 0 : i32
    %c0_i32_0 = arith.constant 0 : i32
    %c0_i32_1 = arith.constant 0 : i32
    return %c0_i32, %c0_i32_0 : i32, i32
  }
  func.func @transform_7(%arg0: i32) -> (i32, i32) {
    %c0_i32 = arith.constant 0 : i32
    %c0_i32_0 = arith.constant 0 : i32
    %c0_i32_1 = arith.constant 0 : i32
    return %c0_i32, %c0_i32_0 : i32, i32
  }
  func.func @transform_8(%arg0: i32) -> (i32, i32) {
    %c0_i32 = arith.constant 0 : i32
    %c0_i32_0 = arith.constant 0 : i32
    %c0_i32_1 = arith.constant 0 : i32
    return %c0_i32, %c0_i32_0 : i32, i32
  }
  func.func @transform_9(%arg0: i32) -> (i32, i32) {
    %c0_i32 = arith.constant 0 : i32
    %c0_i32_0 = arith.constant 0 : i32
    %c0_i32_1 = arith.constant 0 : i32
    return %c0_i32, %c0_i32_0 : i32, i32
  }
  func.func @transform_10(%arg0: i32) -> (i32, i32) {
    %c0_i32 = arith.constant 0 : i32
    %c0_i32_0 = arith.constant 0 : i32
    %c0_i32_1 = arith.constant 0 : i32
    return %c0_i32, %c0_i32_0 : i32, i32
  }
  func.func @transform_11(%arg0: i32) -> (i32, i32) {
    %c0_i32 = arith.constant 0 : i32
    %c0_i32_0 = arith.constant 0 : i32
    return %c0_i32, %arg0 : i32, i32
  }
  func.func @transform_12(%arg0: i32) -> (i32, i32) {
    %c0_i32 = arith.constant 0 : i32
    %c0_i32_0 = arith.constant 0 : i32
    return %arg0, %c0_i32 : i32, i32
  }
  func.func @transform_13(%arg0: i32) -> (i32, i32) {
    %c0_i32 = arith.constant 0 : i32
    %c0_i32_0 = arith.constant 0 : i32
    return %c0_i32, %arg0 : i32, i32
  }
}

</mosaic_0001>

<sc_bundles>
// kernel: kernel.4.cloned.1.call-start
scs
__scs_entry_jumppad:
0x0: {  	(pc) =	sbr.rel $0x88, $3  }
0x1: {  	(tag) =	ssettag $0x0;
	lr =	simm.s32 $0x1  }
0x2: {  	[smem:$0x3F95] =	sst lr;
	_ =	strace $0xD0000000  }
0x3: {  	_ = 	snop  }
0x4: {  	_ = 	snop  }
0x5: {  	_ = 	snop  }
0x6: {  	_ = 	snop  }
0x7: {  	_ = 	snop  }
__scs_overlays_trampoline_lowered:
0x8: {  	[smem:$0x3FA4] =	sst s0  }
0x9: {  	[smem:$0x3FA5] =	sst s1  }
0xa: {  	[smem:$0x3FA6] =	sst s2  }
0xb: {  	[smem:$0x3FA7] =	sst s3  }
0xc: {  	[smem:$0x3FA8] =	sst s4  }
0xd: {  	[smem:$0x3FA9] =	sst s5  }
0xe: {  	[smem:$0x3FAA] =	sst s6  }
0xf: {  	[smem:$0x3FAB] =	sst s7  }
0x10: {  	[smem:$0x3FAC] =	sst s8  }
0x11: {  	[smem:$0x3FAD] =	sst s9;
	s0 =	simm.s32 @!p0 $0x0  }
0x12: {  	s1 =	sld [smem:$0x3F93];
	s0 =	simm.s32 @p0 $0x1  }
0x13: {  	[smem:$0x3FAE] =	sst s0;
	s0 =	simm.s32 @!p1 $0x0  }
0x14: {  	s2 =	sld [smem:$0x3F92];
	s0 =	simm.s32 @p1 $0x1  }
0x15: {  	[smem:$0x3FAF] =	sst s0;
	s0 =	simm.s32 @!p2 $0x0  }
0x16: {  	s3 =	sld [smem:$0x3FDB];
	s0 =	simm.s32 @p2 $0x1  }
0x17: {  	s4 =	simm.s32 $0x1BF5;
	[smem:$0x3FB1] =	sst s0  }
0x18: {  	s0 =	sld [smem:$0x3F94];
	_ =	swait.ge [sflag:s4], $0x0  }
0x19: {  	s7 =	sld [smem:$0x3F95]  }
0x1a: {  	s8 =	sadd.s32 $0xFFFFE003, lr  }
0x1b: {  	s9 =	sadd.s32 $0xFFFFFEF7, lr;
	s5 =	simm.s32 $0xFFFFFFFF;
	p2 =	slt.u32 s8, $0xFFFFF086  }
0x1c: {  	p1 =	slt.u32 s9, $0xF7A;
	s5 =	simm.s32 @!p2 $0x0  }
0x1d: {  	s5 =	simm.s32 @p1 $0x1;
	p0 =	seq.s32 s7, s2  }
0x1e: {  	s7 =	smul.u32 @!p0 $0xF7A, s2;
	p2 =	seq.s32 @!p0 s5, $0x0  }
0x1f: {  	s9 =	smul.u32 $0xF7A, s1;
	s8 =	simm.s32 @!p0 $0x1BF5;
	p2 =	por !p2, p0  }
0x20: {  	[sflag:s8] =	ssyncset.s32 @!p0 $0xFFFFF086;
	s6 =	sadd.s32 @!p0 s3, s7;
	s7 =	simm.s32 @!p0 $0x108  }
0x21: {  	s3 =	sadd.s32 s3, s9;
	s6 =	sadd.s32 @!p0 $0x88, s6;
	s7 =	simm.s32 @p2 $0x1082  }
0x22: {  	[simem:s7], [sflag:s8] =	dma.local @!p0 [hbm:s6], $0xF7A  }
0x23: {  	s9 =	sor.u32 $0xD0000000, s2;
	s6 =	simm.s32 $0x108;
	_ =	swait.ge @!p0 [sflag:s8], $0x0  }
0x24: {  	s3 =	sadd.s32 $0x88, s3;
	s6 =	simm.s32 @!p1 $0x1082;
	[sflag:s4] =	ssyncset.s32 $0xFFFFF086  }
0x25: {  	[simem:s6], [sflag:s4] =	dma.local [hbm:s3], $0xF7A  }
0x26: {  	[smem:$0x3F95] =	sst s1;
	(tag) =	ssettag s2;
	_ =	strace s9  }
0x27: {  	s1 =	sld [smem:$0x3FA5]  }
0x28: {  	s2 =	sld [smem:$0x3FA6]  }
0x29: {  	s4 =	sld [smem:$0x3FA8]  }
0x2a: {  	p0 =	seq.s32 s5, $0x0;
	s5 =	sld [smem:$0x3FA9]  }
0x2b: {  	s6 =	sld [smem:$0x3FAA]  }
0x2c: {  	s7 =	sld [smem:$0x3FAB]  }
0x2d: {  	s3 =	simm.s32 $0x108;
	s8 =	sld [smem:$0x3FAC]  }
0x2e: {  	s3 =	simm.s32 @!p0 $0x1082;
	s9 =	sld [smem:$0x3FAD]  }
0x2f: {  	lr =	sadd.s32 s0, s3;
	s0 =	sld [smem:$0x3FA4]  }
0x30: {  	s3 =	sld [smem:$0x3FA7]  }
0x31: {  	[smem:$0x3FB0] =	sst s10  }
0x32: {  	s10 =	sld [smem:$0x3FAE];
	_ =	sdelay $0x3  }
0x33: {  	p0 =	seq.s32 s10, $0x1;
	s10 =	sld [smem:$0x3FB0];
	_ =	sdelay $0x3  }
0x34: {  	[smem:$0x3FB0] =	sst s10  }
0x35: {  	s10 =	sld [smem:$0x3FAF];
	_ =	sdelay $0x3  }
0x36: {  	p1 =	seq.s32 s10, $0x1;
	s10 =	sld [smem:$0x3FB0];
	_ =	sdelay $0x3  }
0x37: {  	[smem:$0x3FB0] =	sst s10  }
0x38: {  	s10 =	sld [smem:$0x3FB1]  }
0x39: {  	_ = 	snop;
	(pc) =	sbr.ind lr, $3  }
0x3a: {  	_ = 	snop  }
0x3b: {  	_ = 	snop  }
0x3c: {  	p2 =	seq.s32 s10, $0x1;
	s10 =	sld [smem:$0x3FB0]  }
0x3d: {  	_ =	shalt  }
0x3e: {  	_ =	shalt  }
0x3f: {  	_ =	shalt  }
0x40: {  	_ =	shalt  }
0x41: {  	_ =	shalt  }
0x42: {  	_ =	shalt  }
0x43: {  	_ =	shalt  }
0x44: {  	_ =	shalt  }
0x45: {  	_ =	shalt  }
0x46: {  	_ =	shalt  }
0x47: {  	_ =	shalt  }
0x48: {  	_ =	shalt  }
0x49: {  	_ =	shalt  }
0x4a: {  	_ =	shalt  }
0x4b: {  	_ =	shalt  }
0x4c: {  	_ =	shalt  }
0x4d: {  	_ =	shalt  }
0x4e: {  	_ =	shalt  }
0x4f: {  	_ =	shalt  }
0x50: {  	_ =	shalt  }
0x51: {  	_ =	shalt  }
0x52: {  	_ =	shalt  }
0x53: {  	_ =	shalt  }
0x54: {  	_ =	shalt  }
0x55: {  	_ =	shalt  }
0x56: {  	_ =	shalt  }
0x57: {  	_ =	shalt  }
0x58: {  	_ =	shalt  }
0x59: {  	_ =	shalt  }
0x5a: {  	_ =	shalt  }
0x5b: {  	_ =	shalt  }
0x5c: {  	_ =	shalt  }
0x5d: {  	_ =	shalt  }
0x5e: {  	_ =	shalt  }
0x5f: {  	_ =	shalt  }
0x60: {  	_ =	shalt  }
0x61: {  	_ =	shalt  }
0x62: {  	_ =	shalt  }
0x63: {  	_ =	shalt  }
0x64: {  	_ =	shalt  }
0x65: {  	_ =	shalt  }
0x66: {  	_ =	shalt  }
0x67: {  	_ =	shalt  }
0x68: {  	_ =	shalt  }
0x69: {  	_ =	shalt  }
0x6a: {  	_ =	shalt  }
0x6b: {  	_ =	shalt  }
0x6c: {  	_ =	shalt  }
0x6d: {  	_ =	shalt  }
0x6e: {  	_ =	shalt  }
0x6f: {  	_ =	shalt  }
0x70: {  	_ =	shalt  }
0x71: {  	_ =	shalt  }
0x72: {  	_ =	shalt  }
0x73: {  	_ =	shalt  }
0x74: {  	_ =	shalt  }
0x75: {  	_ =	shalt  }
0x76: {  	_ =	shalt  }
0x77: {  	_ =	shalt  }
0x78: {  	_ =	shalt  }
0x79: {  	_ =	shalt  }
0x7a: {  	_ =	shalt  }
0x7b: {  	_ =	shalt  }
0x7c: {  	_ =	shalt  }
0x7d: {  	_ =	shalt  }
0x7e: {  	_ =	shalt  }
0x7f: {  	_ =	shalt  }
0x80: {  	_ =	shalt  }
0x81: {  	_ =	shalt  }
0x82: {  	_ =	shalt  }
0x83: {  	_ =	shalt  }
0x84: {  	_ =	shalt  }
0x85: {  	_ =	shalt  }
0x86: {  	_ =	shalt  }
0x87: {  	_ =	shalt  }
.Lfunc_end0:
.L_simem_size_0:
called_computation_lowered:
.L_overlay_start_0:
0x88: {  	s2 =	sld [smem:$0x3FD9]  }
0x89: {  	s3 =	sld [smem:$0x3FFE];
	_ =	sdelay $0x1  }
0x8a: {  	s1 =	srdreg.scid  }
0x8b: {  	s0 =	sand.u32 $0x1, s1  }
0x8c: {  	s14 =	sshll.u32 s0, $0xA;
	s2 =	sadd.s32 s3, s2  }
0x8d: {  	s2 =	sadd.s32 s2, s14  }
0x8e: {  	[smem:$0x3FBC] =	sst s2  }
0x8f: {  	_ = 	snop  }
0x90: {  	s2 =	sld [smem:$0x3FD0];
	_ =	sdelay $0x2  }
0x91: {  	s4 =	simm.s32 $0xA;
	s5 =	simm.s32 $0x10;
	s15 =	sld [smem:$0x3FBE]  }
0x92: {  	[smem:s5], [sflag:s4] =	dma.local [hbm:s2], $0x1  }
0x93: {  	_ =	swait.eq [sflag:s4], $0x1  }
0x94: {  	[sflag:s4] =	ssyncset.done $0x0  }
0x95: {  	[sflag:s4] =	ssyncadd.s32 $0xFFFFFFFF  }
0x96: {  	s16 =	sld [smem:$0x10];
	(tm) =	ssettm $0x1  }
0x97: {  	s17 =	sld [smem:$0x3FFB];
	_ =	sdelay $0x3  }
0x98: {  	_ =	strace s17  }
0x99: {  	s4 =	sld [smem:$0x3FFC];
	_ =	sdelay $0x3  }
0x9a: {  	_ =	strace s4  }
0x9b: {  	s4 =	sld [smem:$0x3FFD];
	_ =	sdelay $0x3  }
0x9c: {  	_ =	strace s4  }
0x9d: {  	_ =	strace $0x8FFFFFFF  }
0x9e: {  	s18 =	sld [smem:$0x3FDB];
	_ =	sdelay $0x1  }
0x9f: {  	s19 =	simm.s32 $_scs_section_size  }
0xa0: {  	s6 =	simm.s32 $_size__tile_overlayer_lowered;
	s7 =	simm.s32 $_tile_overlayer_lowered  }
0xa1: {  	s22 =	simm.s32 $0x1BFF;
	s21 =	sshll.u32 s7, $0x1;
	s4 =	sadd.s32 s19, s18  }
0xa2: {  	s8 =	simm.s32 $0x0;
	s20 =	sshll.u32 s6, $0x1;
	s6 =	sadd.s32 s21, s4  }
0xa3: {  	[timem:s8], [sflag:s22] =	dma.local [hbm:s6], s20  }
0xa4: {  	_ =	swait.ge [sflag:s22], s20  }
0xa5: {  	s5 =	ssub.s32 $0x0, s20;
	[sflag:s22] =	ssyncset.done $0x0  }
0xa6: {  	[sflag:s22] =	ssyncadd.s32 s5;
	_ =	sdelay $0x1  }
0xa7: {  	s23 =	simm.s32 $0x1B8B  }
0xa8: {  	_ =	swait.ge [sflag:s23], $0x1  }
0xa9: {  	[sflag:s23] =	ssyncset.done $0x0  }
0xaa: {  	s25 =	simm.s32 $0x1B8E;
	s24 =	sld [smem:$0x3FFE];
	[sflag:s23] =	ssyncadd.s32 $0xFFFFFFFF  }
0xab: {  	s26 =	simm.s32 $execute0_lowered;
	[smem:$0x3FD2] =	sst s25  }
0xac: {  	s6 =	sshll.u32 s26, $0x1;
	_ =	strace $0x80000046;
	[dreg:$0x1] =	wrdreg $0xFFFFFFFF  }
0xad: {  	s28 =	simm.s32 $_size_execute0_lowered;
	s4 =	sadd.s32 s4, s6;
	[dreg:$0x0] =	wrdreg $0x0  }
0xae: {  	s6 =	sshll.u32 s28, $0x1;
	[dreg:$0x2] =	wrdreg s4  }
0xaf: {  	[dreg:$0x3] =	wrdreg s6  }
0xb0: {  	[dreg:$0x4] =	wrdreg $0xC0  }
0xb1: {  	_ =	task [dreg:s8], $0x5FFFF  }
0xb2: {  	[dreg:$0x1] =	wrdreg $0xFFFFFFFF  }
0xb3: {  	[dreg:$0x0] =	wrdreg $0x60  }
0xb4: {  	[dreg:$0x2] =	wrdreg s24  }
0xb5: {  	[dreg:$0x3] =	wrdreg s15  }
0xb6: {  	[dreg:$0x4] =	wrdreg s16  }
0xb7: {  	[dreg:$0x5] =	wrdreg $0x9  }
0xb8: {  	_ =	task.clear_ibuf [dreg:s8], $0x6FFFF;
	_ =	strace $0x90000046  }
0xb9: {  	s29 =	simm.s32 $0x9;
	_ =	strace $0x8000004B  }
0xba: {  	_ =	swait.ge [sflag:s29], $0x1  }
0xbb: {  	[sflag:s29] =	ssyncadd.s32 $0xFFFFFFFF  }
0xbc: {  	_ =	strace $0x9000004B  }
0xbd: {  	_ =	sfence  }
0xbe: {  	s30 =	sld [smem:$0x0];
	_ =	sdelay $0x2  }
0xbf: {  	s31 =	sshll.u32 s1, $0xD;
	s1 =	sshrl.u32 s1, $0x2  }
0xc0: {  	s3 =	sand.u32 $0x4000, s31;
	s1 =	sadd.s32 s1, s30  }
0xc1: {  	s0 =	sor.u32 s3, s0;
	s1 =	sshll.u32 s1, $0x11  }
0xc2: {  	s0 =	sor.u32 s1, s0  }
0xc3: {  	s0 =	sadd.s32 $0x8F2B, s0  }
0xc4: {  	[sflag:s0] =	ssyncadd.remote.s32 $0x1  }
0xc5: {  	_ =	sfence.sel $0xFFFF  }
0xc6: {  	[dreg:$0x0] =	wrdreg $0xFFFFFFFF;
	(pc) =	sbr.abs _section_cstart, $3  }
0xc7: {  	[dreg:$0x1] =	wrdreg $0xFFFFFFFF  }
0xc8: {  	_ =	task.clear_ibuf [dreg:s8], $0x2FFFF;
	_ =	strace $0x9FFFFFFF  }
0xc9: {  	(tm) =	ssettm $0x7FFFFFFF  }
tec
execute0_lowered:
.L_overlay_start_1:
0x0: {  	(tag) =	ssettag $0x1  }
0x1: {  	s0 =	rddreg [dreg:$0x0]  }
0x2: {  	s1 =	rddreg [dreg:$0x2]  }
0x3: {  	s2 =	simm.s32 $0x0;
	s4 =	srdreg.scid;
	s5 =	stileid.u32  }
0x4: {  	[smem:$0x7FF] =	sst s2;
	s4 =	sand.u32 $0x1, s4;
	s8 =	sshll.u32 s5, $0x1  }
0x5: {  	s3 =	sadd.s32 $0x142000, s0;
	s12 =	ssub.s32 $0x2, s4;
	s4 =	sor.u32 s4, s8  }
0x6: {  	s7 =	sadd.s32 $0x14A000, s0;
	s14 =	sshll.u32 s4, $0xB;
	s4 =	sshll.u32 s4, $0x8  }
0x7: {  	_ =	strace $0x80000047;
	[dreg:$0x4] =	wrdreg s7;
	s15 =	sadd.s32 s3, s4  }
0x8: {  	s16 =	sor.u32 $0x2000, s4;
	s1 =	sadd.s32 s1, s14;
	[dreg:$0x5] =	wrdreg s15  }
0x9: {  	s9 =	sor.u32 $0x4000, s4;
	s10 =	sadd.s32 s3, s16;
	[dreg:$0x15] =	wrdreg s1  }
0xa: {  	s11 =	sor.u32 $0x6000, s4;
	s17 =	sadd.s32 s3, s9;
	[dreg:$0x6] =	wrdreg s10  }
0xb: {  	s6 =	sadd.s32 $0x102000, s0;
	s3 =	sadd.s32 s3, s11;
	[dreg:$0x7] =	wrdreg s17  }
0xc: {  	s5 =	sadd.s32 $0x14A200, s0;
	s18 =	sadd.s32 s6, s16;
	[dreg:$0x8] =	wrdreg s3  }
0xd: {  	s13 =	sshrl.u32 s12, $0x1;
	s19 =	sadd.s32 s6, s9;
	[dreg:$0x9] =	wrdreg s18  }
0xe: {  	s0 =	ssub.s32 s12, s13;
	s20 =	sadd.s32 s6, s11;
	[dreg:$0xa] =	wrdreg s19  }
0xf: {  	s0 =	smax.u32 s0, $0x1;
	s10 =	sadd.s32 s6, s4;
	[dreg:$0xb] =	wrdreg s20  }
0x10: {  	[dreg:$0x17] =	wrdreg s0;
	s21 =	sadd.s32 $0x8000, s10  }
0x11: {  	s22 =	sadd.s32 $0xA000, s10;
	[dreg:$0xc] =	wrdreg s21  }
0x12: {  	s23 =	sadd.s32 $0xC000, s10;
	[dreg:$0xd] =	wrdreg s22  }
0x13: {  	s24 =	sadd.s32 $0xE000, s10;
	[dreg:$0xe] =	wrdreg s23  }
0x14: {  	s25 =	sadd.s32 $0x10000, s10;
	[dreg:$0xf] =	wrdreg s24  }
0x15: {  	s26 =	sadd.s32 $0x12000, s10;
	[dreg:$0x10] =	wrdreg s25  }
0x16: {  	s4 =	sadd.s32 $0x14000, s10;
	[dreg:$0x11] =	wrdreg s26  }
0x17: {  	s6 =	sadd.s32 $0x16000, s10;
	[dreg:$0x12] =	wrdreg s4  }
0x18: {  	s8 =	sadd.s32 $0x18000, s10;
	[dreg:$0x13] =	wrdreg s6  }
0x19: {  	s9 =	sadd.s32 $0x1A000, s10;
	[dreg:$0x14] =	wrdreg s8  }
0x1a: {  	s11 =	sadd.s32 $0x1C000, s10;
	[dreg:$0x16] =	wrdreg s9  }
0x1b: {  	s12 =	sadd.s32 $0x1E000, s10;
	[dreg:$0x18] =	wrdreg s11  }
0x1c: {  	s13 =	sadd.s32 $0x20000, s10;
	[dreg:$0x19] =	wrdreg s12  }
0x1d: {  	s14 =	sadd.s32 $0x22000, s10;
	[dreg:$0x1a] =	wrdreg s13  }
0x1e: {  	s15 =	sadd.s32 $0x24000, s10;
	[dreg:$0x1b] =	wrdreg s14  }
0x1f: {  	s16 =	sadd.s32 $0x26000, s10;
	[dreg:$0x1c] =	wrdreg s15  }
0x20: {  	s17 =	sadd.s32 $0x28000, s10;
	[dreg:$0x1d] =	wrdreg s16  }
0x21: {  	s28 =	simm.s32 $0x16E80;
	s18 =	sadd.s32 $0x2A000, s10;
	[dreg:$0x1e] =	wrdreg s17  }
0x22: {  	s29 =	simm.s32 $0x16F80;
	s19 =	sadd.s32 $0x2C000, s10;
	[dreg:$0x1f] =	wrdreg s18  }
0x23: {  	s30 =	simm.s32 $0x2;
	s20 =	sadd.s32 $0x2E000, s10;
	[smem:$0x7F6] =	sst s19  }
0x24: {  	s31 =	simm.s32 $0x0;
	[smem:$0x7F7] =	sst s20;
	s21 =	sadd.s32 $0x30000, s10  }
0x25: {  	s22 =	sadd.s32 $0x32000, s10;
	s23 =	sadd.s32 $0x34000, s10;
	[smem:$0x7F8] =	sst s21  }
0x26: {  	s24 =	sadd.s32 $0x36000, s10;
	s25 =	sadd.s32 $0x38000, s10;
	[smem:$0x7F9] =	sst s22  }
0x27: {  	s26 =	sadd.s32 $0x3A000, s10;
	s14 =	sadd.s32 $0x3C000, s10;
	[smem:$0x7FA] =	sst s23  }
0x28: {  	s15 =	sadd.s32 $0x3E000, s10;
	s16 =	simm.s32 $0x2000;
	[smem:$0x7FB] =	sst s24  }
0x29: {  	v0 =	vlaneseq.u32;
	s17 =	simm.s32 $0x12800;
	s18 =	simm.s32 $0x12980;
	[smem:$0x7FC] =	sst s25  }
0x2a: {  	v1 =	vmul.u32 $0x800, v0;
	s19 =	simm.s32 $0x12B00;
	s20 =	simm.s32 $0x12C80;
	[smem:$0x7FD] =	sst s26  }
0x2b: {  	s21 =	simm.s32 $0x13D00;
	s22 =	simm.s32 $0x14D80;
	s23 =	simm.s32 $0x15E00  }
0x2c: {  	v2 =	vimm.s32 $0x0;
	v3 =	vimm.f32 $1.000000000e+00;
	v4 =	vor.u32 $0x8000, v1;
	s24 =	simm.s32 $0x1;
	s25 =	simm.s32 $0x12000;
	s26 =	simm.s32 $0x17080  }
.LBB2_1:
0x2d: {  	s0 =	rddreg [dreg:$0x5]  }
0x2e: {  	[tilespmem:s2], [sflag:$0x1] =	stream.linear.gather [hbm4b:s0+s2], $0x800, $0x38;
	[tilespmem:$0x1B280] =	vst v63  }
0x2f: {  	s11 =	rddreg [dreg:$0x6];
	s1 =	simm.s32 $0x800  }
0x30: {  	[tilespmem:s1], [sflag:$0x1] =	stream.linear.gather [hbm4b:s11+s2], $0x800, $0x38;
	[tilespmem:$0x1B280] =	vst v63  }
0x31: {  	s12 =	rddreg [dreg:$0x7];
	s13 =	simm.s32 $0x1000  }
0x32: {  	[tilespmem:s13], [sflag:$0x1] =	stream.linear.gather [hbm4b:s12+s2], $0x800, $0x38;
	[tilespmem:$0x1B280] =	vst v63  }
0x33: {  	s3 =	simm.s32 $0x1800;
	s1 =	rddreg [dreg:$0x8]  }
0x34: {  	[tilespmem:s3], [sflag:$0x1] =	stream.linear.gather [hbm4b:s1+s2], $0x800, $0x38;
	[tilespmem:$0x1B280] =	vst v63  }
0x35: {  	s4 =	rddreg [dreg:$0x9]  }
0x36: {  	[tilespmem:s16], [sflag:$0x1] =	stream.linear.gather [hbm4b:s10+s2], $0x800, $0x38;
	[tilespmem:$0x1B280] =	vst v63  }
0x37: {  	s6 =	simm.s32 $0x2800;
	s7 =	rddreg [dreg:$0xa]  }
0x38: {  	[tilespmem:s6], [sflag:$0x1] =	stream.linear.gather [hbm4b:s4+s2], $0x800, $0x38;
	[tilespmem:$0x1B280] =	vst v63  }
0x39: {  	s8 =	simm.s32 $0x3000;
	s9 =	rddreg [dreg:$0xb]  }
0x3a: {  	[tilespmem:s8], [sflag:$0x1] =	stream.linear.gather [hbm4b:s7+s2], $0x800, $0x38;
	[tilespmem:$0x1B280] =	vst v63  }
0x3b: {  	s11 =	simm.s32 $0x3800;
	s12 =	rddreg [dreg:$0xc]  }
0x3c: {  	[tilespmem:s11], [sflag:$0x1] =	stream.linear.gather [hbm4b:s9+s2], $0x800, $0x38;
	[tilespmem:$0x1B280] =	vst v63  }
0x3d: {  	s13 =	simm.s32 $0x4000;
	s1 =	rddreg [dreg:$0xd]  }
0x3e: {  	[tilespmem:s13], [sflag:$0x1] =	stream.linear.gather [hbm4b:s12+s2], $0x800, $0x38;
	[tilespmem:$0x1B280] =	vst v63  }
0x3f: {  	s3 =	simm.s32 $0x4800;
	s4 =	rddreg [dreg:$0xe]  }
0x40: {  	[tilespmem:s3], [sflag:$0x1] =	stream.linear.gather [hbm4b:s1+s2], $0x800, $0x38;
	[tilespmem:$0x1B280] =	vst v63  }
0x41: {  	s6 =	simm.s32 $0x5000;
	s7 =	rddreg [dreg:$0xf]  }
0x42: {  	[tilespmem:s6], [sflag:$0x1] =	stream.linear.gather [hbm4b:s4+s2], $0x800, $0x38;
	[tilespmem:$0x1B280] =	vst v63  }
0x43: {  	s8 =	simm.s32 $0x5800;
	s9 =	rddreg [dreg:$0x10]  }
0x44: {  	[tilespmem:s8], [sflag:$0x1] =	stream.linear.gather [hbm4b:s7+s2], $0x800, $0x38;
	[tilespmem:$0x1B280] =	vst v63  }
0x45: {  	s11 =	simm.s32 $0x6000;
	s12 =	rddreg [dreg:$0x11]  }
0x46: {  	[tilespmem:s11], [sflag:$0x1] =	stream.linear.gather [hbm4b:s9+s2], $0x800, $0x38;
	[tilespmem:$0x1B280] =	vst v63  }
0x47: {  	s13 =	simm.s32 $0x6800;
	s1 =	rddreg [dreg:$0x12]  }
0x48: {  	[tilespmem:s13], [sflag:$0x1] =	stream.linear.gather [hbm4b:s12+s2], $0x800, $0x38;
	[tilespmem:$0x1B280] =	vst v63  }
0x49: {  	s3 =	simm.s32 $0x7000;
	s4 =	rddreg [dreg:$0x13]  }
0x4a: {  	[tilespmem:s3], [sflag:$0x1] =	stream.linear.gather [hbm4b:s1+s2], $0x800, $0x38;
	[tilespmem:$0x1B280] =	vst v63  }
0x4b: {  	s6 =	simm.s32 $0x7800;
	s7 =	rddreg [dreg:$0x14]  }
0x4c: {  	[tilespmem:s6], [sflag:$0x1] =	stream.linear.gather [hbm4b:s4+s2], $0x800, $0x38;
	[tilespmem:$0x1B280] =	vst v63  }
0x4d: {  	s8 =	simm.s32 $0x8000;
	s9 =	rddreg [dreg:$0x16]  }
0x4e: {  	[tilespmem:s8], [sflag:$0x1] =	stream.linear.gather [hbm4b:s7+s2], $0x800, $0x38;
	[tilespmem:$0x1B280] =	vst v63  }
0x4f: {  	s11 =	simm.s32 $0x8800;
	s12 =	rddreg [dreg:$0x18]  }
0x50: {  	[tilespmem:s11], [sflag:$0x1] =	stream.linear.gather [hbm4b:s9+s2], $0x800, $0x38;
	[tilespmem:$0x1B280] =	vst v63  }
0x51: {  	s13 =	simm.s32 $0x9000;
	s1 =	rddreg [dreg:$0x19]  }
0x52: {  	[tilespmem:s13], [sflag:$0x1] =	stream.linear.gather [hbm4b:s12+s2], $0x800, $0x38;
	[tilespmem:$0x1B280] =	vst v63  }
0x53: {  	s3 =	simm.s32 $0x9800;
	s4 =	rddreg [dreg:$0x1a]  }
0x54: {  	[tilespmem:s3], [sflag:$0x1] =	stream.linear.gather [hbm4b:s1+s2], $0x800, $0x38;
	[tilespmem:$0x1B280] =	vst v63  }
0x55: {  	s6 =	simm.s32 $0xA000;
	s7 =	rddreg [dreg:$0x1b]  }
0x56: {  	[tilespmem:s6], [sflag:$0x1] =	stream.linear.gather [hbm4b:s4+s2], $0x800, $0x38;
	[tilespmem:$0x1B280] =	vst v63  }
0x57: {  	s8 =	simm.s32 $0xA800;
	s9 =	rddreg [dreg:$0x1c]  }
0x58: {  	[tilespmem:s8], [sflag:$0x1] =	stream.linear.gather [hbm4b:s7+s2], $0x800, $0x38;
	[tilespmem:$0x1B280] =	vst v63  }
0x59: {  	s11 =	simm.s32 $0xB000;
	s12 =	rddreg [dreg:$0x1d]  }
0x5a: {  	[tilespmem:s11], [sflag:$0x1] =	stream.linear.gather [hbm4b:s9+s2], $0x800, $0x38;
	[tilespmem:$0x1B280] =	vst v63  }
0x5b: {  	s13 =	simm.s32 $0xB800;
	s1 =	rddreg [dreg:$0x1e]  }
0x5c: {  	[tilespmem:s13], [sflag:$0x1] =	stream.linear.gather [hbm4b:s12+s2], $0x800, $0x38;
	[tilespmem:$0x1B280] =	vst v63  }
0x5d: {  	s3 =	simm.s32 $0xC000;
	s4 =	rddreg [dreg:$0x1f]  }
0x5e: {  	[tilespmem:s3], [sflag:$0x1] =	stream.linear.gather [hbm4b:s1+s2], $0x800, $0x38;
	[tilespmem:$0x1B280] =	vst v63  }
0x5f: {  	s6 =	simm.s32 $0xC800;
	s7 =	sld [smem:$0x7F6]  }
0x60: {  	[tilespmem:s6], [sflag:$0x1] =	stream.linear.gather [hbm4b:s4+s2], $0x800, $0x38;
	[tilespmem:$0x1B280] =	vst v63  }
0x61: {  	s8 =	simm.s32 $0xD000;
	s9 =	sld [smem:$0x7F7]  }
0x62: {  	[tilespmem:s8], [sflag:$0x1] =	stream.linear.gather [hbm4b:s7+s2], $0x800, $0x38;
	[tilespmem:$0x1B280] =	vst v63  }
0x63: {  	s11 =	simm.s32 $0xD800;
	s12 =	sld [smem:$0x7F8]  }
0x64: {  	[tilespmem:s11], [sflag:$0x1] =	stream.linear.gather [hbm4b:s9+s2], $0x800, $0x38;
	[tilespmem:$0x1B280] =	vst v63  }
0x65: {  	s13 =	simm.s32 $0xE000;
	s1 =	sld [smem:$0x7F9]  }
0x66: {  	[tilespmem:s13], [sflag:$0x1] =	stream.linear.gather [hbm4b:s12+s2], $0x800, $0x38;
	[tilespmem:$0x1B280] =	vst v63  }
0x67: {  	s3 =	simm.s32 $0xE800;
	s4 =	sld [smem:$0x7FA]  }
0x68: {  	[tilespmem:s3], [sflag:$0x1] =	stream.linear.gather [hbm4b:s1+s2], $0x800, $0x38;
	[tilespmem:$0x1B280] =	vst v63  }
0x69: {  	s6 =	simm.s32 $0xF000;
	s7 =	sld [smem:$0x7FB]  }
0x6a: {  	[tilespmem:s6], [sflag:$0x1] =	stream.linear.gather [hbm4b:s4+s2], $0x800, $0x38;
	[tilespmem:$0x1B280] =	vst v63  }
0x6b: {  	s8 =	simm.s32 $0xF800;
	s9 =	sld [smem:$0x7FC]  }
0x6c: {  	[tilespmem:s8], [sflag:$0x1] =	stream.linear.gather [hbm4b:s7+s2], $0x800, $0x38;
	[tilespmem:$0x1B280] =	vst v63  }
0x6d: {  	s11 =	simm.s32 $0x10000;
	s12 =	sld [smem:$0x7FD]  }
0x6e: {  	[tilespmem:s11], [sflag:$0x1] =	stream.linear.gather [hbm4b:s9+s2], $0x800, $0x38;
	[tilespmem:$0x1B280] =	vst v63  }
0x6f: {  	s13 =	simm.s32 $0x10800  }
0x70: {  	[tilespmem:s13], [sflag:$0x1] =	stream.linear.gather [hbm4b:s12+s2], $0x800, $0x38;
	[tilespmem:$0x1B280] =	vst v63  }
0x71: {  	s1 =	simm.s32 $0x11000  }
0x72: {  	[tilespmem:s1], [sflag:$0x1] =	stream.linear.gather [hbm4b:s14+s2], $0x800, $0x38;
	[tilespmem:$0x1B280] =	vst v63  }
0x73: {  	s3 =	simm.s32 $0x11800  }
0x74: {  	[tilespmem:s3], [sflag:$0x1] =	stream.linear.gather [hbm4b:s15+s2], $0x800, $0x38;
	[tilespmem:$0x1B280] =	vst v63  }
0x75: {  	s4 =	rddreg [dreg:$0x4];
	s6 =	simm.s32 $0x1B180  }
0x76: {  	[tilespmem:s6], [sflag:$0x1] =	stream.linear.gather [hbm4b:s4+s2], $0x80, $0x38;
	[tilespmem:$0x1B280] =	vst v63  }
0x77: {  	s7 =	rddreg [dreg:$0x1];
	s8 =	simm.s32 $0x1B200  }
0x78: {  	[tilespmem:s8], [sflag:$0x1] =	stream.linear.gather [hbm4b:s7+s2], $0x80, $0x38;
	[tilespmem:$0x1B280] =	vst v63  }
0x79: {  	_ = 	snop  }
0x7a: {  	[tilespmem:s17], [sflag:$0x1] =	stream.linear.gather [hbm4b:s5+s2], $0x108, $0x38;
	[tilespmem:$0x1B280] =	vst v63  }
0x7b: {  	_ = 	snop  }
0x7c: {  	[tilespmem:s18], [sflag:$0x1] =	stream.linear.gather [hbm4b:s5+s2], $0x108, $0x38;
	[tilespmem:$0x1B280] =	vst v63  }
0x7d: {  	_ = 	snop  }
0x7e: {  	[tilespmem:s19], [sflag:$0x1] =	stream.linear.gather [hbm4b:s5+s2], $0x108, $0x38;
	[tilespmem:$0x1B280] =	vst v63  }
0x7f: {  	_ = 	snop  }
0x80: {  	[tilespmem:s20], [sflag:$0x1] =	stream.linear.gather [hbm4b:s5+s2], $0x1010, $0x38;
	[tilespmem:$0x1B280] =	vst v63  }
0x81: {  	_ = 	snop  }
0x82: {  	[tilespmem:s21], [sflag:$0x1] =	stream.linear.gather [hbm4b:s5+s2], $0x1010, $0x38;
	[tilespmem:$0x1B280] =	vst v63  }
0x83: {  	_ = 	snop  }
0x84: {  	[tilespmem:s22], [sflag:$0x1] =	stream.linear.gather [hbm4b:s5+s2], $0x1010, $0x38;
	[tilespmem:$0x1B280] =	vst v63  }
0x85: {  	_ = 	snop  }
0x86: {  	[tilespmem:s23], [sflag:$0x1] =	stream.linear.gather [hbm4b:s5+s2], $0x1010, $0x38;
	[tilespmem:$0x1B280] =	vst v63  }
0x87: {  	_ =	swait.ge [sflag:s24], $0x800  }
0x88: {  	[sflag:s24] =	ssyncset.done $0x0  }
0x89: {  	[sflag:s24] =	ssyncadd.s32 $0xFFFFF800  }
0x8a: {  	_ =	swait.ge [sflag:s24], $0x800  }
0x8b: {  	[sflag:s24] =	ssyncset.done $0x0  }
0x8c: {  	[sflag:s24] =	ssyncadd.s32 $0xFFFFF800  }
0x8d: {  	_ =	swait.ge [sflag:s24], $0x800  }
0x8e: {  	[sflag:s24] =	ssyncset.done $0x0  }
0x8f: {  	[sflag:s24] =	ssyncadd.s32 $0xFFFFF800  }
0x90: {  	_ =	swait.ge [sflag:s24], $0x800  }
0x91: {  	[sflag:s24] =	ssyncset.done $0x0  }
0x92: {  	[sflag:s24] =	ssyncadd.s32 $0xFFFFF800  }
0x93: {  	_ =	swait.ge [sflag:s24], $0x800  }
0x94: {  	[sflag:s24] =	ssyncset.done $0x0  }
0x95: {  	[sflag:s24] =	ssyncadd.s32 $0xFFFFF800  }
0x96: {  	_ =	swait.ge [sflag:s24], $0x800  }
0x97: {  	[sflag:s24] =	ssyncset.done $0x0  }
0x98: {  	[sflag:s24] =	ssyncadd.s32 $0xFFFFF800  }
0x99: {  	_ =	swait.ge [sflag:s24], $0x800  }
0x9a: {  	[sflag:s24] =	ssyncset.done $0x0  }
0x9b: {  	[sflag:s24] =	ssyncadd.s32 $0xFFFFF800  }
0x9c: {  	_ =	swait.ge [sflag:s24], $0x800  }
0x9d: {  	[sflag:s24] =	ssyncset.done $0x0  }
0x9e: {  	[sflag:s24] =	ssyncadd.s32 $0xFFFFF800  }
0x9f: {  	_ =	swait.ge [sflag:s24], $0x800  }
0xa0: {  	[sflag:s24] =	ssyncset.done $0x0  }
0xa1: {  	[sflag:s24] =	ssyncadd.s32 $0xFFFFF800  }
0xa2: {  	_ =	swait.ge [sflag:s24], $0x800  }
0xa3: {  	[sflag:s24] =	ssyncset.done $0x0  }
0xa4: {  	[sflag:s24] =	ssyncadd.s32 $0xFFFFF800  }
0xa5: {  	_ =	swait.ge [sflag:s24], $0x800  }
0xa6: {  	[sflag:s24] =	ssyncset.done $0x0  }
0xa7: {  	[sflag:s24] =	ssyncadd.s32 $0xFFFFF800  }
0xa8: {  	_ =	swait.ge [sflag:s24], $0x800  }
0xa9: {  	[sflag:s24] =	ssyncset.done $0x0  }
0xaa: {  	[sflag:s24] =	ssyncadd.s32 $0xFFFFF800  }
0xab: {  	_ =	swait.ge [sflag:s24], $0x800  }
0xac: {  	[sflag:s24] =	ssyncset.done $0x0  }
0xad: {  	[sflag:s24] =	ssyncadd.s32 $0xFFFFF800  }
0xae: {  	_ =	swait.ge [sflag:s24], $0x800  }
0xaf: {  	[sflag:s24] =	ssyncset.done $0x0  }
0xb0: {  	[sflag:s24] =	ssyncadd.s32 $0xFFFFF800  }
0xb1: {  	_ =	swait.ge [sflag:s24], $0x800  }
0xb2: {  	[sflag:s24] =	ssyncset.done $0x0  }
0xb3: {  	[sflag:s24] =	ssyncadd.s32 $0xFFFFF800  }
0xb4: {  	_ =	swait.ge [sflag:s24], $0x800  }
0xb5: {  	[sflag:s24] =	ssyncset.done $0x0  }
0xb6: {  	[sflag:s24] =	ssyncadd.s32 $0xFFFFF800  }
0xb7: {  	_ =	swait.ge [sflag:s24], $0x800  }
0xb8: {  	[sflag:s24] =	ssyncset.done $0x0  }
0xb9: {  	[sflag:s24] =	ssyncadd.s32 $0xFFFFF800  }
0xba: {  	_ =	swait.ge [sflag:s24], $0x800  }
0xbb: {  	[sflag:s24] =	ssyncset.done $0x0  }
0xbc: {  	[sflag:s24] =	ssyncadd.s32 $0xFFFFF800  }
0xbd: {  	_ =	swait.ge [sflag:s24], $0x800  }
0xbe: {  	[sflag:s24] =	ssyncset.done $0x0  }
0xbf: {  	[sflag:s24] =	ssyncadd.s32 $0xFFFFF800  }
0xc0: {  	_ =	swait.ge [sflag:s24], $0x800  }
0xc1: {  	[sflag:s24] =	ssyncset.done $0x0  }
0xc2: {  	[sflag:s24] =	ssyncadd.s32 $0xFFFFF800  }
0xc3: {  	_ =	swait.ge [sflag:s24], $0x800  }
0xc4: {  	[sflag:s24] =	ssyncset.done $0x0  }
0xc5: {  	[sflag:s24] =	ssyncadd.s32 $0xFFFFF800  }
0xc6: {  	_ =	swait.ge [sflag:s24], $0x800  }
0xc7: {  	[sflag:s24] =	ssyncset.done $0x0  }
0xc8: {  	[sflag:s24] =	ssyncadd.s32 $0xFFFFF800  }
0xc9: {  	_ =	swait.ge [sflag:s24], $0x800  }
0xca: {  	[sflag:s24] =	ssyncset.done $0x0  }
0xcb: {  	[sflag:s24] =	ssyncadd.s32 $0xFFFFF800  }
0xcc: {  	_ =	swait.ge [sflag:s24], $0x800  }
0xcd: {  	[sflag:s24] =	ssyncset.done $0x0  }
0xce: {  	[sflag:s24] =	ssyncadd.s32 $0xFFFFF800  }
0xcf: {  	_ =	swait.ge [sflag:s24], $0x800  }
0xd0: {  	[sflag:s24] =	ssyncset.done $0x0  }
0xd1: {  	[sflag:s24] =	ssyncadd.s32 $0xFFFFF800  }
0xd2: {  	_ =	swait.ge [sflag:s24], $0x800  }
0xd3: {  	[sflag:s24] =	ssyncset.done $0x0  }
0xd4: {  	[sflag:s24] =	ssyncadd.s32 $0xFFFFF800  }
0xd5: {  	_ =	swait.ge [sflag:s24], $0x800  }
0xd6: {  	[sflag:s24] =	ssyncset.done $0x0  }
0xd7: {  	[sflag:s24] =	ssyncadd.s32 $0xFFFFF800  }
0xd8: {  	_ =	swait.ge [sflag:s24], $0x800  }
0xd9: {  	[sflag:s24] =	ssyncset.done $0x0  }
0xda: {  	[sflag:s24] =	ssyncadd.s32 $0xFFFFF800  }
0xdb: {  	_ =	swait.ge [sflag:s24], $0x800  }
0xdc: {  	[sflag:s24] =	ssyncset.done $0x0  }
0xdd: {  	[sflag:s24] =	ssyncadd.s32 $0xFFFFF800  }
0xde: {  	_ =	swait.ge [sflag:s24], $0x800  }
0xdf: {  	[sflag:s24] =	ssyncset.done $0x0  }
0xe0: {  	[sflag:s24] =	ssyncadd.s32 $0xFFFFF800  }
0xe1: {  	_ =	swait.ge [sflag:s24], $0x800  }
0xe2: {  	[sflag:s24] =	ssyncset.done $0x0  }
0xe3: {  	[sflag:s24] =	ssyncadd.s32 $0xFFFFF800  }
0xe4: {  	_ =	swait.ge [sflag:s24], $0x800  }
0xe5: {  	[sflag:s24] =	ssyncset.done $0x0  }
0xe6: {  	[sflag:s24] =	ssyncadd.s32 $0xFFFFF800  }
0xe7: {  	_ =	swait.ge [sflag:s24], $0x800  }
0xe8: {  	[sflag:s24] =	ssyncset.done $0x0  }
0xe9: {  	[sflag:s24] =	ssyncadd.s32 $0xFFFFF800  }
0xea: {  	_ =	swait.ge [sflag:s24], $0x800  }
0xeb: {  	[sflag:s24] =	ssyncset.done $0x0  }
0xec: {  	[sflag:s24] =	ssyncadd.s32 $0xFFFFF800  }
0xed: {  	_ =	swait.ge [sflag:s24], $0x800  }
0xee: {  	[sflag:s24] =	ssyncset.done $0x0  }
0xef: {  	[sflag:s24] =	ssyncadd.s32 $0xFFFFF800  }
0xf0: {  	_ =	swait.ge [sflag:s24], $0x800  }
0xf1: {  	[sflag:s24] =	ssyncset.done $0x0  }
0xf2: {  	[sflag:s24] =	ssyncadd.s32 $0xFFFFF800  }
0xf3: {  	_ =	swait.ge [sflag:s24], $0x80  }
0xf4: {  	[sflag:s24] =	ssyncset.done $0x0  }
0xf5: {  	[sflag:s24] =	ssyncadd.s32 $0xFFFFFF80  }
0xf6: {  	_ =	swait.ge [sflag:s24], $0x80  }
0xf7: {  	[sflag:s24] =	ssyncset.done $0x0  }
0xf8: {  	[sflag:s24] =	ssyncadd.s32 $0xFFFFFF80  }
0xf9: {  	_ =	swait.ge [sflag:s24], $0x108  }
0xfa: {  	[sflag:s24] =	ssyncset.done $0x0  }
0xfb: {  	[sflag:s24] =	ssyncadd.s32 $0xFFFFFEF8  }
0xfc: {  	_ =	swait.ge [sflag:s24], $0x108  }
0xfd: {  	[sflag:s24] =	ssyncset.done $0x0  }
0xfe: {  	[sflag:s24] =	ssyncadd.s32 $0xFFFFFEF8  }
0xff: {  	_ =	swait.ge [sflag:s24], $0x108  }
0x100: {  	[sflag:s24] =	ssyncset.done $0x0  }
0x101: {  	[sflag:s24] =	ssyncadd.s32 $0xFFFFFEF8  }
0x102: {  	_ =	swait.ge [sflag:s24], $0x1010  }
0x103: {  	[sflag:s24] =	ssyncset.done $0x0  }
0x104: {  	[sflag:s24] =	ssyncadd.s32 $0xFFFFEFF0  }
0x105: {  	_ =	swait.ge [sflag:s24], $0x1010  }
0x106: {  	[sflag:s24] =	ssyncset.done $0x0  }
0x107: {  	[sflag:s24] =	ssyncadd.s32 $0xFFFFEFF0  }
0x108: {  	_ =	swait.ge [sflag:s24], $0x1010  }
0x109: {  	[sflag:s24] =	ssyncset.done $0x0  }
0x10a: {  	[sflag:s24] =	ssyncadd.s32 $0xFFFFEFF0  }
0x10b: {  	_ =	swait.ge [sflag:s24], $0x1010  }
0x10c: {  	[sflag:s24] =	ssyncset.done $0x0  }
0x10d: {  	[sflag:s24] =	ssyncadd.s32 $0xFFFFEFF0  }
0x10e: {  	_ =	strace $0x80000048  }
0x10f: {  	v6 =	vld [tilespmem:s2+$0x1810]  }
0x110: {  	v8 =	vld [tilespmem:s2+$0x1010];
	_ =	sdelay $0x1  }
0x111: {  	s9 =	simm.s32 $0x0  }
0x112: {  	s7 =	sand.u32 $0x7E0, s9  }
0x113: {  	v9 =	vld [tilespmem:s7+$0x1800]  }
0x114: {  	v10 =	vld [tilespmem:s7+$0x1000];
	v5 =	vand.u32 $0x7FFFFFFF, v6;
	v7 =	vand.u32 $0x7FFFFFFF, v8  }
0x115: {  	v11 =	vmax.f32 v5, v7  }
0x116: {  	(erf) = vrcp.f32 v11;
	_ =	sdelay $0x2  }
0x117: {  	v12 =	vand.u32 $0x7FFFFFFF, v9;
	v13 =	vand.u32 $0x7FFFFFFF, v10  }
0x118: {  	v14 =	vmax.f32 v12, v13  }
0x119: {  	(erf) = vrcp.f32 v14;
	_ =	sdelay $0x3  }
0x11a: {  	v15 =	vmin.f32 v5, v7;
	v16 =	vpop (erf)  }
0x11b: {  	v15 =	vmul.f32 v16, v15  }
0x11c: {  	vm0 =	vgt.f32 v11, $0.0e+00  }
0x11d: {  	v11 =	vnsel vm0, $0x0, v15  }
0x11e: {  	v16 =	vmul.f32 v11, v11  }
0x11f: {  	v17 =	vpop (erf);
	v15 =	vmin.f32 v12, v13  }
0x120: {  	v15 =	vmul.f32 v17, v15;
	v17 =	vmul.f32 $4.054057880e-03, v16  }
0x121: {  	vm0 =	vgt.f32 v14, $0.0e+00  }
0x122: {  	v14 =	vnsel vm0, $0x0, v15;
	v15 =	vsub.f32 $2.186122910e-02, v17  }
0x123: {  	v17 =	vmul.f32 v14, v14  }
0x124: {  	v15 =	vmul.f32 v15, v16  }
0x125: {  	v18 =	vmul.f32 $4.054057880e-03, v17  }
0x126: {  	s3 =	simm.s32 $0x20;
	v20 =	vadd.f32 $-5.590988700e-02, v15  }
0x127: {  	v19 =	vld [tilespmem:s3+$0x1010];
	v18 =	vsub.f32 $2.186122910e-02, v18  }
0x128: {  	v15 =	vld [tilespmem:s3+$0x1810];
	v20 =	vmul.f32 v20, v16  }
0x129: {  	v23 =	vor.u32 s9, v0;
	s4 =	simm.s32 $0x20;
	v18 =	vmul.f32 v18, v17  }
0x12a: {  	v22 =	vmov s9;
	v23 =	vand.u32 $0x2F, v23;
	s0 =	sand.u32 $0x7E0, s4;
	v21 =	vadd.f32 $9.642004220e-02, v20  }
0x12b: {  	v28 =	vshrl.u32 v22, $0x6;
	vm1 =	vne.s32 v23, $0x0;
	v20 =	vld [tilespmem:s0+$0x1800];
	v24 =	vadd.f32 $-5.590988700e-02, v18  }
0x12c: {  	v26 =	vand.u32 $0x7FFFFFFF, v19;
	vm6 =	vlt.f32 v9, $0.0e+00;
	v18 =	vld [tilespmem:s0+$0x1000];
	v21 =	vmul.f32 v21, v16  }
0x12d: {  	vm0 =	veq.s32 v22, v0;
	v25 =	vand.u32 $0x7FFFFFFF, v15;
	v24 =	vmul.f32 v24, v17  }
0x12e: {  	vm0 =	vmand vm0, vm1;
	v27 =	vmax.f32 v25, v26;
	v21 =	vadd.f32 $-1.390853380e-01, v21  }
0x12f: {  	s11 =	simm.s32 $0x10;
	vm1 =	vgt.f32 v13, v12;
	(erf) = vrcp.f32 v27;
	v22 =	vadd.f32 $9.642004220e-02, v24  }
0x130: {  	v12 =	vmov s11;
	v13 =	vmov s4;
	v21 =	vmul.f32 v21, v16  }
0x131: {  	v23 =	vand.u32 $0x7FFFFFFF, v20;
	v24 =	vand.u32 $0x7FFFFFFF, v18;
	v22 =	vmul.f32 v22, v17  }
0x132: {  	v30 =	vsel vm0, $0xFFFFFFFF, v2;
	v29 =	vmax.f32 v23, v24;
	v21 =	vadd.f32 $1.994653640e-01, v21  }
0x133: {  	vm0 =	vgt.f32 v7, v5;
	(erf) = vrcp.f32 v29;
	v5 =	vadd.f32 $-1.390853380e-01, v22  }
0x134: {  	v31 =	vshrl.u32 v13, $0x6;
	vm3 =	veq.s32 v13, v0;
	v7 =	vmul.f32 v21, v16  }
0x135: {  	v12 =	vshrl.u32 v12, $0x6;
	v28 =	vadd.s32 v30, v28;
	v5 =	vmul.f32 v5, v17  }
0x136: {  	vm2 =	vmmov vm0;
	vm0 =	vmmov vm1;
	v7 =	vadd.f32 $-3.332985640e-01, v7  }
0x137: {  	v58 =	vshll.u32 v12, $0x3;
	v28 =	vshll.u32 v28, $0x3;
	v5 =	vadd.f32 $1.994653640e-01, v5  }
0x138: {  	v22 =	vmin.f32 v25, v26;
	v21 =	vor.u32 s4, v0;
	v52 =	vpop (erf);
	v7 =	vmul.f32 v7, v16  }
0x139: {  	v21 =	vand.u32 $0x2F, v21;
	v16 =	vmul.f32 v52, v22;
	v5 =	vmul.f32 v5, v17  }
0x13a: {  	vm1 =	vgt.f32 v27, $0.0e+00;
	v13 =	vmin.f32 v23, v24;
	v7 =	vadd.f32 $9.999993440e-01, v7  }
0x13b: {  	vm4 =	vne.s32 v21, $0x0;
	v22 =	vnsel vm1, $0x0, v16;
	v5 =	vadd.f32 $-3.332985640e-01, v5  }
0x13c: {  	vm3 =	vmand vm3, vm4;
	v21 =	vpop (erf);
	v16 =	vmul.f32 v22, v22;
	v7 =	vmul.f32 v7, v11  }
0x13d: {  	vm1 =	vgt.f32 v26, v25;
	v11 =	vmul.f32 v21, v13;
	v5 =	vmul.f32 v5, v17  }
0x13e: {  	v17 =	vsel vm3, $0xFFFFFFFF, v2;
	vm3 =	vgt.f32 v29, $0.0e+00;
	v13 =	vmul.f32 $4.054057880e-03, v16  }
0x13f: {  	v21 =	vsub.f32 $1.570796370e+00, v7;
	v25 =	vnsel vm3, $0x0, v11;
	v11 =	vadd.f32 $9.999993440e-01, v5  }
0x140: {  	vm5 =	vgt.f32 v24, v23;
	vm4 =	vmmov vm1;
	v13 =	vsub.f32 $2.186122910e-02, v13  }
0x141: {  	v23 =	vmul.f32 v25, v25;
	v11 =	vmul.f32 v11, v14;
	v14 =	vsel vm2, v21, v7  }
0x142: {  	v5 =	vadd.s32 v17, v31;
	v13 =	vmul.f32 v13, v16;
	v21 =	vsub.f32 $3.141592740e+00, v14  }
0x143: {  	s12 =	simm.s32 $0x30;
	vm2 =	vlt.f32 v6, $0.0e+00;
	v17 =	vmul.f32 $4.054057880e-03, v23;
	v6 =	vsub.f32 $1.570796370e+00, v11  }
0x144: {  	v7 =	vmov s12;
	v13 =	vadd.f32 $-5.590988700e-02, v13;
	v14 =	vsel vm2, v21, v14  }
0x145: {  	s1 =	simm.s32 $0x40;
	v9 =	vsub.f32 $2.186122910e-02, v17;
	v17 =	vld [tilespmem:s2+$0x10];
	v6 =	vsel vm0, v6, v11;
	v11 =	vsub.f32 $0.0e+00, v14  }
0x146: {  	vm2 =	vlt.f32 v8, $0.0e+00;
	v8 =	vld [tilespmem:s1+$0x1810];
	vm0 =	vlt.f32 v10, $0.0e+00;
	v13 =	vmul.f32 v13, v16  }
0x147: {  	v9 =	vmul.f32 v9, v23;
	v21 =	vsub.f32 $3.141592740e+00, v6;
	v10 =	vsel vm2, v11, v14  }
0x148: {  	vm2 =	vmmov vm5;
	v11 =	vadd.f32 $9.642004220e-02, v13;
	v13 =	vadd.f32 $6.283185480e+00, v10  }
0x149: {  	s6 =	simm.s32 $0x40;
	v14 =	vadd.f32 $-5.590988700e-02, v9;
	vm7 =	vlt.f32 v10, $0.0e+00;
	v9 =	vld [tilespmem:s1+$0x1010];
	v21 =	vsel vm6, v21, v6  }
0x14a: {  	vm3 =	vgt.f32 v17, $0.0e+00;
	v17 =	vmov s6;
	v27 =	vsub.f32 $0.0e+00, v21  }
0x14b: {  	s4 =	sand.u32 $0x7E0, s6;
	v54 =	vand.u32 $0x7FFFFFFF, v8;
	v24 =	vsel vm7, v13, v10;
	v13 =	vor.u32 s6, v0  }
0x14c: {  	v6 =	vld [tilespmem:s4+$0x1000];
	v11 =	vmul.f32 v11, v16;
	v14 =	vmul.f32 v14, v23;
	v53 =	vshrl.u32 v17, $0x6  }
0x14d: {  	vm1 =	veq.s32 v17, v0;
	v26 =	vmul.f32 $1.273239490e+00, v24;
	v13 =	vand.u32 $0x2F, v13  }
0x14e: {  	v10 =	vld [tilespmem:s4+$0x1800];
	v21 =	vsel vm0, v27, v21;
	v11 =	vadd.f32 $-1.390853380e-01, v11;
	v55 =	vand.u32 $0x7FFFFFFF, v9  }
0x14f: {  	v14 =	vadd.f32 $9.642004220e-02, v14;
	v32 =	vadd.f32 $6.283185480e+00, v21;
	v17 =	vmax.f32 v54, v55  }
0x150: {  	vm0 =	vlt.f32 v21, $0.0e+00;
	v11 =	vmul.f32 v11, v16;
	(erf) = vrcp.f32 v17  }
0x151: {  	vm5 =	vne.s32 v13, $0x0;
	v34 =	vand.u32 $0x7FFFFFFF, v6;
	v14 =	vmul.f32 v14, v23  }
0x152: {  	vm1 =	vmand vm1, vm5;
	v26 =	vtrunc.f32 v26;
	v33 =	vadd.f32 $1.994653640e-01, v11  }
0x153: {  	v56 =	vmin.f32 v54, v55;
	v27 =	vand.u32 $0x7FFFFFFF, v10;
	v14 =	vadd.f32 $-1.390853380e-01, v14  }
0x154: {  	v11 =	vsel vm0, v32, v21;
	v21 =	vmax.f32 v27, v34;
	v33 =	vmul.f32 v33, v16  }
0x155: {  	v57 =	vsel vm1, $0xFFFFFFFF, v2;
	(erf) = vrcp.f32 v21;
	v13 =	vmul.f32 v14, v23  }
0x156: {  	v12 =	vadd.s32 v57, v53;
	vm6 =	vgt.f32 v17, $0.0e+00;
	v14 =	vadd.f32 $-3.332985640e-01, v33  }
0x157: {  	v59 =	vld [tilespmem:s2+$0x0];
	v35 =	vmin.f32 v27, v34;
	v60 =	vmul.f32 $1.273239490e+00, v11;
	v13 =	vadd.f32 $1.994653640e-01, v13  }
0x158: {  	vm0 =	vgt.f32 v55, v54;
	v14 =	vmul.f32 v14, v16;
	v16 =	vcvt.f32.s32 v26  }
0x159: {  	vm1 =	vgt.f32 v34, v27;
	v26 =	vbroadcast v58, $0x0;
	v13 =	vmul.f32 v13, v23;
	v27 =	vpop (erf)  }
0x15a: {  	v14 =	vadd.f32 $9.999993440e-01, v14;
	vm5 =	vlt.s32 v16, $0x8;
	v27 =	vmul.f32 v27, v56  }
0x15b: {  	v17 =	vadd.s32 v16, v26;
	v26 =	vadd.f32 $-3.332985640e-01, v13;
	vm3 =	vmand vm3, vm5  }
0x15c: {  	s13 =	simm.s32 $0x50;
	vm5 =	vgt.f32 v59, $0.0e+00;
	v62 =	vnsel vm3, $0x100, v17;
	v13 =	vnsel vm6, $0x0, v27  }
0x15d: {  	v22 =	vmul.f32 v14, v22;
	v17 =	vmov s13;
	v16 =	vmul.f32 v13, v13  }
0x15e: {  	v61 =	vpop (erf);
	v23 =	vmul.f32 v26, v23;
	vm3 =	vgt.f32 v21, $0.0e+00;
	v27 =	vtrunc.f32 v60  }
0x15f: {  	v63 =	vld [tilespmem:s2+$0x810];
	v14 =	vmul.f32 v61, v35;
	vm6 =	vlt.f32 v15, $0.0e+00;
	v26 =	vmul.f32 $4.054057880e-03, v16  }
0x160: {  	v21 =	vsub.f32 $1.570796370e+00, v22;
	v23 =	vadd.f32 $9.999993440e-01, v23;
	v27 =	vcvt.f32.s32 v27  }
0x161: {  	v14 =	vnsel vm3, $0x0, v14;
	vm3 =	vlt.f32 v20, $0.0e+00;
	v26 =	vsub.f32 $2.186122910e-02, v26  }
0x162: {  	v15 =	vmul.f32 v14, v14;
	v20 =	vmul.f32 v23, v25;
	v21 =	vsel vm4, v21, v22  }
0x163: {  	vm4 =	vlt.f32 v19, $0.0e+00;
	v25 =	vsub.f32 $3.141592740e+00, v21;
	v22 =	vmul.f32 v26, v16  }
0x164: {  	vm7 =	vlt.s32 v27, $0x8;
	[tilespmem:v62+s17+$0x0] =	vst.idx.add.f32.msk $0xffff, v63;
	v23 =	vmul.f32 $4.054057880e-03, v15;
	v26 =	vsub.f32 $1.570796370e+00, v20  }
0x165: {  	v27 =	vadd.s32 v27, v28;
	[tilespmem:v62+s18+$0x0] =	vst.idx.add.f32.msk $0xffff, v24;
	v25 =	vsel vm6, v25, v21;
	v19 =	vadd.f32 $-5.590988700e-02, v22  }
0x166: {  	v21 =	vld [tilespmem:s3+$0x10];
	v22 =	vsub.f32 $2.186122910e-02, v23;
	v23 =	vsel vm2, v26, v20;
	v20 =	vsub.f32 $0.0e+00, v25  }
0x167: {  	[tilespmem:v62+s19+$0x0] =	vst.idx.add.f32.msk $0xffff, v3;
	vm6 =	vlt.f32 v18, $0.0e+00;
	vm2 =	vmand vm5, vm7;
	v19 =	vmul.f32 v19, v16  }
0x168: {  	s11 =	simm.s32 $0x70;
	s6 =	simm.s32 $0x12010;
	v24 =	vsub.f32 $3.141592740e+00, v23;
	v26 =	vmul.f32 v22, v15;
	v25 =	vsel vm4, v20, v25;
	v22 =	vld [tilespmem:s7+$0x800];
	s7 =	simm.s32 $0x12010  }
0x169: {  	s8 =	simm.s32 $0x4;
	s9 =	simm.s32 $0x60;
	[tilespmem:s6+$0x0] =	vst v62;
	v18 =	vadd.f32 $6.283185480e+00, v25;
	v20 =	vadd.f32 $9.642004220e-02, v19;
	v19 =	vnsel vm2, $0x100, v27  }
.LBB2_2:
0x16a: {  	v26 =	vadd.f32 $-5.590988700e-02, v26;
	vm7 =	vlt.f32 v25, $0.0e+00  }
0x16b: {  	s13 =	sadd.s32 $0xFFFFFFF0, s11;
	v27 =	vld [tilespmem:s9+$0x1810];
	s8 =	sadd.s32 $0x2, s8;
	vm5 =	vgt.f32 v21, $0.0e+00;
	s6 =	sadd.s32 $0x20, s6;
	vm4 =	vmmov vm0;
	vm2 =	vmmov vm1  }
0x16c: {  	v29 =	vshrl.u32 v7, $0x6;
	v7 =	vmovc v17;
	s12 =	sand.u32 $0x7E0, s13;
	v28 =	vmov s13;
	v21 =	vld [tilespmem:s9+$0x1010];
	p0 =	slt.u32 s8, $0x7E;
	v25 =	vsel vm7, v18, v25  }
0x16d: {  	v17 =	vor.u32 s13, v0;
	v20 =	vmul.f32 v20, v16;
	v30 =	vld [tilespmem:s12+$0x1800];
	v31 =	vmul.f32 $1.273239490e+00, v25  }
0x16e: {  	v23 =	vsel vm3, v24, v23;
	v17 =	vand.u32 $0x2F, v17;
	v26 =	vmul.f32 v26, v15;
	v18 =	vld [tilespmem:s12+$0x1000]  }
0x16f: {  	v32 =	vsub.f32 $0.0e+00, v23;
	v24 =	vadd.f32 $-1.390853380e-01, v20;
	v20 =	vshll.u32 v5, $0x3;
	v5 =	vmovc v12;
	[tilespmem:v19+s17+$0x0] =	vst.idx.add.f32.msk $0xffff, v22  }
0x170: {  	v12 =	vshrl.u32 v28, $0x6;
	v26 =	vadd.f32 $9.642004220e-02, v26;
	v22 =	vand.u32 $0x7FFFFFFF, v27;
	[tilespmem:v19+s18+$0x0] =	vst.idx.add.f32.msk $0xffff, v11  }
0x171: {  	vm1 =	veq.s32 v28, v0;
	v11 =	vsel vm6, v32, v23;
	v28 =	vand.u32 $0x7FFFFFFF, v21;
	[tilespmem:v19+s19+$0x0] =	vst.idx.add.f32.msk $0xffff, v3  }
0x172: {  	v24 =	vmul.f32 v24, v16;
	v26 =	vmul.f32 v26, v15;
	v23 =	vmax.f32 v22, v28;
	[tilespmem:s7+$0xFFFFFFF0] =	vst v19;
	s7 =	smov.u32 s6  }
0x173: {  	v32 =	vadd.f32 $6.283185480e+00, v11;
	v19 =	vand.u32 $0x7FFFFFFF, v30;
	(erf) = vrcp.f32 v23  }
0x174: {  	vm0 =	vlt.f32 v11, $0.0e+00;
	v24 =	vadd.f32 $1.994653640e-01, v24;
	v26 =	vadd.f32 $-1.390853380e-01, v26  }
0x175: {  	v34 =	vmin.f32 v22, v28;
	v33 =	vand.u32 $0x7FFFFFFF, v18;
	v11 =	vsel vm0, v32, v11  }
0x176: {  	v32 =	vmax.f32 v19, v33;
	v35 =	vmin.f32 v19, v33;
	v24 =	vmul.f32 v24, v16  }
0x177: {  	vm3 =	vne.s32 v17, $0x0;
	vm0 =	vgt.f32 v28, v22;
	(erf) = vrcp.f32 v32  }
0x178: {  	vm1 =	vmand vm1, vm3;
	v17 =	vmul.f32 v26, v15;
	v22 =	vadd.f32 $-3.332985640e-01, v24  }
0x179: {  	v28 =	vshll.u32 v29, $0x3;
	v26 =	vtrunc.f32 v31;
	v24 =	vsel vm1, $0xFFFFFFFF, v2  }
0x17a: {  	v12 =	vadd.s32 v24, v12;
	v17 =	vadd.f32 $1.994653640e-01, v17;
	v16 =	vmul.f32 v22, v16  }
0x17b: {  	vm1 =	vgt.f32 v33, v19;
	v19 =	vcvt.f32.s32 v26;
	v22 =	vbroadcast v28, $0x0  }
0x17c: {  	v17 =	vmul.f32 v17, v15;
	v26 =	vadd.f32 $9.999993440e-01, v16;
	v16 =	vmul.f32 $1.273239490e+00, v11;
	v24 =	vpop (erf);
	v28 =	vld [tilespmem:s3+$0x0]  }
0x17d: {  	vm3 =	vlt.s32 v19, $0x8;
	v19 =	vadd.s32 v19, v22;
	v24 =	vmul.f32 v24, v34  }
0x17e: {  	vm6 =	vgt.f32 v23, $0.0e+00;
	vm3 =	vmand vm5, vm3;
	v22 =	vadd.f32 $-3.332985640e-01, v17  }
0x17f: {  	v19 =	vnsel vm3, $0x100, v19;
	v23 =	vnsel vm6, $0x0, v24;
	v24 =	vtrunc.f32 v16;
	v29 =	vld [tilespmem:s3+$0x810];
	s3 =	smov.u32 s1;
	s1 =	smov.u32 s9  }
0x180: {  	v26 =	vmul.f32 v26, v13;
	v31 =	vpop (erf)  }
0x181: {  	v17 =	vmov s11;
	v16 =	vmul.f32 v23, v23;
	v31 =	vmul.f32 v31, v35  }
0x182: {  	vm3 =	vgt.f32 v32, $0.0e+00;
	v15 =	vmul.f32 v22, v15;
	v13 =	vmovc v23;
	vm5 =	vgt.f32 v28, $0.0e+00  }
0x183: {  	v23 =	vsub.f32 $1.570796370e+00, v26;
	v22 =	vmul.f32 $4.054057880e-03, v16;
	v28 =	vnsel vm3, $0x0, v31  }
0x184: {  	vm6 =	vlt.f32 v8, $0.0e+00;
	v8 =	vmovc v27;
	v31 =	vadd.f32 $9.999993440e-01, v15;
	v15 =	vmul.f32 v28, v28  }
0x185: {  	vm3 =	vlt.f32 v10, $0.0e+00;
	v10 =	vmovc v30;
	v22 =	vsub.f32 $2.186122910e-02, v22;
	[tilespmem:v19+s17+$0x0] =	vst.idx.add.f32.msk $0xffff, v29;
	v29 =	vcvt.f32.s32 v24  }
0x186: {  	v23 =	vsel vm4, v23, v26;
	v27 =	vmul.f32 v31, v14;
	[tilespmem:v19+s18+$0x0] =	vst.idx.add.f32.msk $0xffff, v25;
	v24 =	vmul.f32 $4.054057880e-03, v15  }
0x187: {  	vm4 =	vlt.f32 v9, $0.0e+00;
	v25 =	vsub.f32 $3.141592740e+00, v23;
	v14 =	vmovc v28;
	v22 =	vmul.f32 v22, v16;
	[tilespmem:v19+s19+$0x0] =	vst.idx.add.f32.msk $0xffff, v3  }
0x188: {  	v9 =	vmovc v21;
	vm7 =	vlt.s32 v29, $0x8;
	v26 =	vsub.f32 $1.570796370e+00, v27;
	[tilespmem:s6+$0x0] =	vst v19;
	v19 =	vsub.f32 $2.186122910e-02, v24  }
.Ltmp0:
0x189: {  	v25 =	vsel vm6, v25, v23;
	v22 =	vadd.f32 $-5.590988700e-02, v22;
	v21 =	vld [tilespmem:s3+$0x10];
	(pc) =	sbr.rel @p0 .LBB2_2-.Ltmp0, $4  }
0x18a: {  	v23 =	vsel vm2, v26, v27;
	v27 =	vsub.f32 $0.0e+00, v25;
	vm2 =	vmand vm5, vm7  }
0x18b: {  	v26 =	vmul.f32 v19, v15;
	v19 =	vmul.f32 v22, v16;
	v24 =	vsub.f32 $3.141592740e+00, v23  }
0x18c: {  	vm6 =	vlt.f32 v6, $0.0e+00;
	v6 =	vmovc v18;
	v25 =	vsel vm4, v27, v25;
	v22 =	vld [tilespmem:s0+$0x800];
	v27 =	vadd.s32 v29, v20;
	s0 =	smov.u32 s4;
	s4 =	smov.u32 s12  }
0x18d: {  	s11 =	sadd.s32 $0x20, s11;
	s9 =	sadd.s32 $0x20, s9;
	v20 =	vadd.f32 $9.642004220e-02, v19;
	v18 =	vadd.f32 $6.283185480e+00, v25;
	v19 =	vnsel vm2, $0x100, v27  }
0x18e: {  	v26 =	vadd.f32 $-5.590988700e-02, v26;
	_ =	sdelay $0x1  }
0x18f: {  	v20 =	vmul.f32 v20, v16;
	v26 =	vmul.f32 v26, v15;
	_ =	sdelay $0x1  }
0x190: {  	v20 =	vadd.f32 $-1.390853380e-01, v20;
	v26 =	vadd.f32 $9.642004220e-02, v26;
	_ =	sdelay $0x1  }
0x191: {  	v20 =	vmul.f32 v20, v16;
	v26 =	vmul.f32 v26, v15;
	_ =	sdelay $0x1  }
0x192: {  	v20 =	vadd.f32 $1.994653640e-01, v20;
	v26 =	vadd.f32 $-1.390853380e-01, v26;
	_ =	sdelay $0x1  }
0x193: {  	v20 =	vmul.f32 v20, v16;
	v26 =	vmul.f32 v26, v15;
	_ =	sdelay $0x1  }
0x194: {  	v20 =	vadd.f32 $-3.332985640e-01, v20;
	v26 =	vadd.f32 $1.994653640e-01, v26;
	_ =	sdelay $0x1  }
0x195: {  	v23 =	vsel vm3, v24, v23;
	v16 =	vmul.f32 v20, v16;
	v20 =	vmul.f32 v26, v15  }
0x196: {  	vm2 =	vlt.f32 v25, $0.0e+00;
	vm13 =	vgt.f32 v21, $0.0e+00;
	vm0 =	vmmov vm0  }
0x197: {  	vm1 =	vmmov vm1;
	v16 =	vadd.f32 $9.999993440e-01, v16;
	v20 =	vadd.f32 $-3.332985640e-01, v20  }
0x198: {  	v7 =	vshrl.u32 v7, $0x6;
	v5 =	vshll.u32 v5, $0x3;
	vm4 =	vlt.f32 v8, $0.0e+00  }
0x199: {  	v21 =	vsub.f32 $0.0e+00, v23;
	v13 =	vmul.f32 v16, v13;
	v15 =	vmul.f32 v20, v15  }
0x19a: {  	vm5 =	vlt.f32 v9, $0.0e+00;
	vm10 =	vlt.f32 v6, $0.0e+00;
	v18 =	vsel vm2, v18, v25  }
0x19b: {  	v21 =	vsel vm6, v21, v23;
	v23 =	vsub.f32 $1.570796370e+00, v13;
	v15 =	vadd.f32 $9.999993440e-01, v15  }
0x19c: {  	v7 =	vshll.u32 v7, $0x3;
	v16 =	vmul.f32 $1.273239490e+00, v18;
	v20 =	vadd.f32 $6.283185480e+00, v21  }
0x19d: {  	vm14 =	vlt.f32 v21, $0.0e+00;
	v13 =	vsel vm0, v23, v13;
	v14 =	vmul.f32 v15, v14  }
0x19e: {  	v16 =	vtrunc.f32 v16;
	v20 =	vsel vm14, v20, v21;
	v21 =	vsub.f32 $3.141592740e+00, v13  }
0x19f: {  	v7 =	vbroadcast v7, $0x0;
	v16 =	vcvt.f32.s32 v16;
	v8 =	vsub.f32 $1.570796370e+00, v14  }
0x1a0: {  	vm6 =	vlt.f32 v10, $0.0e+00;
	v23 =	vld [tilespmem:s3+$0x0];
	v15 =	vmul.f32 $1.273239490e+00, v20;
	v13 =	vsel vm4, v21, v13  }
0x1a1: {  	vm15 =	vlt.s32 v16, $0x8;
	v8 =	vsel vm1, v8, v14;
	v14 =	vsub.f32 $0.0e+00, v13  }
0x1a2: {  	v7 =	vadd.s32 v16, v7;
	vm0 =	vmand vm13, vm15;
	v9 =	vsub.f32 $3.141592740e+00, v8  }
0x1a3: {  	v15 =	vtrunc.f32 v15;
	v7 =	vnsel vm0, $0x100, v7;
	v13 =	vsel vm5, v14, v13  }
0x1a4: {  	v10 =	vcvt.f32.s32 v15;
	v14 =	vld [tilespmem:s3+$0x810];
	v15 =	vadd.f32 $6.283185480e+00, v13;
	v8 =	vsel vm6, v9, v8  }
0x1a5: {  	[tilespmem:v19+s17+$0x0] =	vst.idx.add.f32.msk $0xffff, v22;
	vm7 =	vgt.f32 v23, $0.0e+00;
	vm9 =	vlt.f32 v13, $0.0e+00;
	v9 =	vsub.f32 $0.0e+00, v8  }
0x1a6: {  	[tilespmem:v19+s18+$0x0] =	vst.idx.add.f32.msk $0xffff, v11;
	vm8 =	vlt.s32 v10, $0x8;
	v5 =	vadd.s32 v10, v5;
	v6 =	vsel vm9, v15, v13  }
0x1a7: {  	v11 =	vld [tilespmem:s1+$0x10];
	vm0 =	vmand vm7, vm8;
	v10 =	vmul.f32 $1.273239490e+00, v6;
	v8 =	vsel vm10, v9, v8  }
0x1a8: {  	[tilespmem:v19+s19+$0x0] =	vst.idx.add.f32.msk $0xffff, v3;
	v5 =	vnsel vm0, $0x100, v5;
	v9 =	vadd.f32 $6.283185480e+00, v8  }
0x1a9: {  	v13 =	vshrl.u32 v17, $0x6;
	[tilespmem:v7+s17+$0x0] =	vst.idx.add.f32.msk $0xffff, v14;
	vm11 =	vlt.f32 v8, $0.0e+00;
	v10 =	vtrunc.f32 v10  }
0x1aa: {  	v14 =	vld [tilespmem:s0+$0x800];
	v8 =	vsel vm11, v9, v8;
	v9 =	vshll.u32 v13, $0x3;
	v10 =	vcvt.f32.s32 v10  }
0x1ab: {  	[tilespmem:s7+$0xFFFFFFF0] =	vst v19;
	v13 =	vld [tilespmem:s1+$0x0];
	v9 =	vbroadcast v9, $0x0;
	v15 =	vmul.f32 $1.273239490e+00, v8  }
0x1ac: {  	vm12 =	vgt.f32 v11, $0.0e+00;
	[tilespmem:v7+s18+$0x0] =	vst.idx.add.f32.msk $0xffff, v18;
	vm13 =	vlt.s32 v10, $0x8  }
0x1ad: {  	s3 =	sadd.s32 $0x20, s6;
	[tilespmem:v7+s19+$0x0] =	vst.idx.add.f32.msk $0xffff, v3;
	v9 =	vadd.s32 v10, v9;
	vm0 =	vmand vm12, vm13;
	v10 =	vtrunc.f32 v15  }
0x1ae: {  	[tilespmem:s3+$0x0] =	vst v7;
	v7 =	vld [tilespmem:s1+$0x810];
	v9 =	vnsel vm0, $0x100, v9;
	v10 =	vcvt.f32.s32 v10  }
0x1af: {  	[tilespmem:v5+s17+$0x0] =	vst.idx.add.f32.msk $0xffff, v14  }
0x1b0: {  	v11 =	vshll.u32 v12, $0x3;
	[tilespmem:v5+s18+$0x0] =	vst.idx.add.f32.msk $0xffff, v20;
	vm14 =	vgt.f32 v13, $0.0e+00;
	vm15 =	vlt.s32 v10, $0x8  }
0x1b1: {  	[tilespmem:v5+s19+$0x0] =	vst.idx.add.f32.msk $0xffff, v3;
	v10 =	vadd.s32 v10, v11;
	vm0 =	vmand vm14, vm15  }
0x1b2: {  	[tilespmem:s3+$0xFFFFFFF0] =	vst v5;
	v5 =	vld [tilespmem:s4+$0x800];
	v10 =	vnsel vm0, $0x100, v10  }
0x1b3: {  	[tilespmem:v9+s17+$0x0] =	vst.idx.add.f32.msk $0xffff, v7  }
0x1b4: {  	[tilespmem:v9+s18+$0x0] =	vst.idx.add.f32.msk $0xffff, v6  }
0x1b5: {  	s0 =	sadd.s32 $0x20, s3;
	s4 =	simm.s32 $0x0;
	[tilespmem:v9+s19+$0x0] =	vst.idx.add.f32.msk $0xffff, v3  }
0x1b6: {  	s6 =	simm.s32 $0x0;
	s1 =	sand.u32 $0x700, s4;
	[tilespmem:s0+$0x0] =	vst v9  }
0x1b7: {  	s3 =	sor.u32 s6, s1;
	[tilespmem:v10+s17+$0x0] =	vst.idx.add.f32.msk $0xffff, v5  }
0x1b8: {  	v5 =	vmov s3;
	[tilespmem:v10+s18+$0x0] =	vst.idx.add.f32.msk $0xffff, v8  }
0x1b9: {  	[tilespmem:v10+s19+$0x0] =	vst.idx.add.f32.msk $0xffff, v3  }
0x1ba: {  	[tilespmem:s0+$0xFFFFFFF0] =	vst v10  }
0x1bb: {  	s7 =	sor.u32 $0x80, s3;
	_ =	strace $0x90000048  }
0x1bc: {  	v6 =	vmov s7;
	_ =	strace $0x80000049  }
0x1bd: {  	s9 =	sor.u32 $0x40, s3;
	v7 =	vor.u32 s3, v1;
	v5 =	vld.idx.msk [tilespmem:v5+s25+$0x0], $0xffff  }
0x1be: {  	v8 =	vmov s9;
	_ =	sdelay $0x1  }
0x1bf: {  	s11 =	sor.u32 $0xC0, s3  }
0x1c0: {  	v9 =	vmov s11;
	v6 =	vld.idx.msk [tilespmem:v6+s25+$0x0], $0xffff  }
0x1c1: {  	v10 =	vor.u32 s7, v1;
	v7 =	vld.idx.msk [tilespmem:v7+s16+$0x0], $0xffff;
	v5 =	vshll.u32 v5, $0x4  }
0x1c2: {  	v8 =	vld.idx.msk [tilespmem:v8+s25+$0x0], $0xffff;
	v5 =	vor.u32 v0, v5  }
0x1c3: {  	v11 =	vor.u32 s9, v1;
	_ =	sdelay $0x1  }
0x1c4: {  	v9 =	vld.idx.msk [tilespmem:v9+s25+$0x0], $0xffff;
	v6 =	vshll.u32 v6, $0x4  }
0x1c5: {  	s0 =	simm.s32 $0x100;
	v10 =	vld.idx.msk [tilespmem:v10+s16+$0x0], $0xffff;
	v17 =	vor.u32 v0, v6  }
0x1c6: {  	s8 =	simm.s32 $0x0;
	v12 =	vor.u32 s11, v1;
	s12 =	sand.u32 $0x700, s0;
	v6 =	vshll.u32 v8, $0x4;
	[tilespmem:v5+s20+$0x0] =	vst.idx.add.f32.msk $0xffff, v7  }
0x1c7: {  	s8 =	sor.u32 s8, s12;
	v6 =	vor.u32 v0, v6;
	v8 =	vld.idx.msk [tilespmem:v11+s16+$0x0], $0xffff  }
0x1c8: {  	v11 =	vmov s8  }
0x1c9: {  	s1 =	sor.u32 $0x80, s8;
	v13 =	vor.u32 s8, v1  }
0x1ca: {  	[tilespmem:v17+s20+$0x0] =	vst.idx.add.f32.msk $0xffff, v10;
	v10 =	vmov s1;
	v7 =	vshll.u32 v9, $0x4  }
0x1cb: {  	v9 =	vld.idx.msk [tilespmem:v12+s16+$0x0], $0xffff;
	v7 =	vor.u32 v0, v7  }
0x1cc: {  	s13 =	sor.u32 $0x40, s8;
	v12 =	vor.u32 s7, v4;
	[tilespmem:v6+s22+$0x0] =	vst.idx.add.f32.msk $0xffff, v8  }
0x1cd: {  	v8 =	vmov s13;
	v11 =	vld.idx.msk [tilespmem:v11+s25+$0x0], $0xffff  }
0x1ce: {  	v14 =	vor.u32 s3, v4;
	s3 =	sor.u32 $0xC0, s8;
	v16 =	vld.idx.msk [tilespmem:v13+s16+$0x0], $0xffff  }
0x1cf: {  	v19 =	vld.idx.msk [tilespmem:v10+s25+$0x0], $0xffff;
	v10 =	vmov s3  }
0x1d0: {  	[tilespmem:v7+s22+$0x0] =	vst.idx.add.f32.msk $0xffff, v9;
	v9 =	vor.u32 s1, v1  }
0x1d1: {  	v20 =	vld.idx.msk [tilespmem:v12+s16+$0x0], $0xffff  }
0x1d2: {  	v22 =	vor.u32 s11, v4;
	v21 =	vld.idx.msk [tilespmem:v8+s25+$0x0], $0xffff;
	v11 =	vshll.u32 v11, $0x4  }
0x1d3: {  	v13 =	vld.idx.msk [tilespmem:v14+s16+$0x0], $0xffff;
	v14 =	vor.u32 v0, v11  }
0x1d4: {  	v12 =	vor.u32 s13, v1;
	v15 =	vld.idx.msk [tilespmem:v10+s25+$0x0], $0xffff;
	v11 =	vshll.u32 v19, $0x4  }
0x1d5: {  	v18 =	vld.idx.msk [tilespmem:v9+s16+$0x0], $0xffff;
	v11 =	vor.u32 v0, v11  }
0x1d6: {  	v10 =	vor.u32 s8, v4;
	[tilespmem:v17+s21+$0x0] =	vst.idx.add.f32.msk $0xffff, v20;
	v19 =	vor.u32 s3, v1  }
0x1d7: {  	s4 =	simm.s32 $0x4;
	v8 =	vor.u32 s9, v4;
	v9 =	vor.u32 s13, v4;
	v17 =	vld.idx.msk [tilespmem:v22+s16+$0x0], $0xffff;
	v20 =	vshll.u32 v21, $0x4  }
.LBB2_4:
0x1d8: {  	s4 =	sadd.s32 $0x4, s4;
	[tilespmem:v14+s20+$0x0] =	vst.idx.add.f32.msk $0xffff, v16;
	v21 =	vor.u32 v0, v20;
	s0 =	sadd.s32 $0x100, s0  }
0x1d9: {  	s6 =	sand.u32 $0x700, s0;
	s7 =	sshrl.u32 s4, $0x5;
	v16 =	vld.idx.msk [tilespmem:v12+s16+$0x0], $0xffff  }
0x1da: {  	p0 =	slt.u32 s4, $0x7FC;
	s6 =	sor.u32 s7, s6;
	[tilespmem:v11+s20+$0x0] =	vst.idx.add.f32.msk $0xffff, v18  }
0x1db: {  	s7 =	sor.u32 $0x40, s6;
	v18 =	vmov s6;
	v20 =	vor.u32 s6, v1;
	v22 =	vor.u32 s6, v4;
	s8 =	sor.u32 $0x80, s6;
	v19 =	vld.idx.msk [tilespmem:v19+s16+$0x0], $0xffff  }
0x1dc: {  	v15 =	vshll.u32 v15, $0x4;
	v23 =	vmov s7;
	v24 =	vmov s8;
	[tilespmem:v7+s23+$0x0] =	vst.idx.add.f32.msk $0xffff, v17  }
0x1dd: {  	v12 =	vor.u32 s7, v1;
	v17 =	vor.u32 s7, v4;
	v7 =	vor.u32 v0, v15;
	[tilespmem:v5+s21+$0x0] =	vst.idx.add.f32.msk $0xffff, v13;
	v5 =	vmovc v14  }
0x1de: {  	v13 =	vor.u32 s1, v4;
	s1 =	smov.u32 s8;
	v25 =	vld.idx.msk [tilespmem:v8+s16+$0x0], $0xffff;
	v8 =	vmov v9;
	v9 =	vmov v17  }
0x1df: {  	[tilespmem:v21+s22+$0x0] =	vst.idx.add.f32.msk $0xffff, v16  }
0x1e0: {  	v14 =	vld.idx.msk [tilespmem:v18+s25+$0x0], $0xffff  }
0x1e1: {  	s6 =	sor.u32 $0xC0, s6;
	v17 =	vld.idx.msk [tilespmem:v24+s25+$0x0], $0xffff  }
0x1e2: {  	v15 =	vmov s6;
	[tilespmem:v7+s22+$0x0] =	vst.idx.add.f32.msk $0xffff, v19  }
0x1e3: {  	v18 =	vor.u32 s1, v1;
	v19 =	vld.idx.msk [tilespmem:v13+s16+$0x0], $0xffff  }
0x1e4: {  	v16 =	vld.idx.msk [tilespmem:v20+s16+$0x0], $0xffff  }
0x1e5: {  	v20 =	vld.idx.msk [tilespmem:v23+s25+$0x0], $0xffff;
	v23 =	vor.u32 s3, v4;
	s3 =	smov.u32 s6  }
0x1e6: {  	v14 =	vshll.u32 v14, $0x4;
	v13 =	vld.idx.msk [tilespmem:v10+s16+$0x0], $0xffff;
	v10 =	vmov v22  }
.Ltmp1:
0x1e7: {  	v14 =	vor.u32 v0, v14;
	v15 =	vld.idx.msk [tilespmem:v15+s25+$0x0], $0xffff;
	(pc) =	sbr.rel @p0 .LBB2_4-.Ltmp1, $4  }
0x1e8: {  	v17 =	vshll.u32 v17, $0x4;
	v18 =	vld.idx.msk [tilespmem:v18+s16+$0x0], $0xffff  }
0x1e9: {  	[tilespmem:v11+s21+$0x0] =	vst.idx.add.f32.msk $0xffff, v19;
	v11 =	vor.u32 v0, v17  }
0x1ea: {  	v19 =	vor.u32 s3, v1;
	v17 =	vld.idx.msk [tilespmem:v23+s16+$0x0], $0xffff  }
0x1eb: {  	v20 =	vshll.u32 v20, $0x4;
	[tilespmem:v6+s23+$0x0] =	vst.idx.add.f32.msk $0xffff, v25;
	v6 =	vmov v21  }
0x1ec: {  	_ =	sdelay $0x3  }
0x1ed: {  	[tilespmem:v14+s20+$0x0] =	vst.idx.add.f32.msk $0xffff, v16  }
0x1ee: {  	[tilespmem:v11+s20+$0x0] =	vst.idx.add.f32.msk $0xffff, v18  }
0x1ef: {  	v15 =	vshll.u32 v15, $0x4;
	v62 =	vor.u32 v0, v20;
	v12 =	vld.idx.msk [tilespmem:v12+s16+$0x0], $0xffff  }
0x1f0: {  	v15 =	vor.u32 v0, v15;
	v18 =	vld.idx.msk [tilespmem:v19+s16+$0x0], $0xffff;
	_ =	sdelay $0x1  }
0x1f1: {  	v61 =	vor.u32 s1, v4;
	_ =	sdelay $0x1  }
0x1f2: {  	[tilespmem:v62+s22+$0x0] =	vst.idx.add.f32.msk $0xffff, v12  }
0x1f3: {  	[tilespmem:v15+s22+$0x0] =	vst.idx.add.f32.msk $0xffff, v18  }
0x1f4: {  	v10 =	vld.idx.msk [tilespmem:v10+s16+$0x0], $0xffff  }
0x1f5: {  	v16 =	vld.idx.msk [tilespmem:v61+s16+$0x0], $0xffff;
	_ =	sdelay $0x1  }
0x1f6: {  	v63 =	vor.u32 s3, v4;
	[tilespmem:v5+s21+$0x0] =	vst.idx.add.f32.msk $0xffff, v13  }
0x1f7: {  	v5 =	vld.idx.msk [tilespmem:v8+s16+$0x0], $0xffff  }
0x1f8: {  	[tilespmem:v14+s21+$0x0] =	vst.idx.add.f32.msk $0xffff, v10  }
0x1f9: {  	[tilespmem:v11+s21+$0x0] =	vst.idx.add.f32.msk $0xffff, v16  }
0x1fa: {  	v9 =	vld.idx.msk [tilespmem:v9+s16+$0x0], $0xffff  }
0x1fb: {  	v8 =	vld.idx.msk [tilespmem:v63+s16+$0x0], $0xffff;
	_ =	sdelay $0x1  }
0x1fc: {  	[tilespmem:v7+s23+$0x0] =	vst.idx.add.f32.msk $0xffff, v17  }
0x1fd: {  	[tilespmem:v6+s23+$0x0] =	vst.idx.add.f32.msk $0xffff, v5  }
0x1fe: {  	[tilespmem:v62+s23+$0x0] =	vst.idx.add.f32.msk $0xffff, v9  }
0x1ff: {  	[tilespmem:v15+s23+$0x0] =	vst.idx.add.f32.msk $0xffff, v8  }
0x200: {  	_ =	strace $0x90000049  }
0x201: {  	s3 =	simm.s32 $0x0;
	_ =	strace $0x8000004A  }
0x202: {  	v5 =	vld [tilespmem:s3+$0x12B00];
	_ =	sdelay $0x4  }
0x203: {  	v5 =	vadd.f32 $9.999999740e-05, v5  }
0x204: {  	s1 =	simm.s32 $0x10  }
0x205: {  	(erf) = vrcp.f32 v5;
	v5 =	vld [tilespmem:s1+$0x12B00];
	_ =	sdelay $0x2  }
0x206: {  	v7 =	vld [tilespmem:s3+$0x12800]  }
0x207: {  	v6 =	vld [tilespmem:s1+$0x12800]  }
0x208: {  	s0 =	simm.s32 $0x20;
	v8 =	vld [tilespmem:s3+$0x12980];
	v10 =	vadd.f32 $9.999999740e-05, v5  }
0x209: {  	v9 =	vld [tilespmem:s0+$0x12B00]  }
0x20a: {  	v5 =	vld [tilespmem:s0+$0x12800];
	(erf) = vrcp.f32 v10;
	_ =	sdelay $0x2  }
0x20b: {  	s4 =	simm.s32 $0xC0;
	v10 =	vpop (erf)  }
.LBB2_6:
0x20c: {  	s6 =	sshra.s32 s4, $0x2;
	p0 =	sne.s32 s4, $0x3C0;
	s4 =	sadd.s32 $0x40, s4;
	v11 =	vadd.f32 $9.999999740e-05, v9;
	v12 =	vmul.f32 v10, v7;
	v13 =	vmul.f32 v8, v10;
	v8 =	vld [tilespmem:s1+$0x12980];
	[tilespmem:s3+$0x17080] =	vst v10;
	v7 =	vmovc v6  }
.Ltmp2:
0x20d: {  	v9 =	vld [tilespmem:s6+$0x12B00];
	v6 =	vmov v5;
	(pc) =	sbr.rel @p0 .LBB2_6-.Ltmp2, $4  }
0x20e: {  	v5 =	vld [tilespmem:s6+$0x12800];
	(erf) = vrcp.f32 v11;
	[tilespmem:s3+$0x16F80] =	vst v13  }
0x20f: {  	[tilespmem:s3+$0x16E80] =	vst v12;
	s3 =	smov.u32 s1;
	s1 =	smov.u32 s0;
	s0 =	smov.u32 s6  }
0x210: {  	_ = 	snop  }
0x211: {  	v10 =	vpop (erf)  }
0x212: {  	v9 =	vadd.f32 $9.999999740e-05, v9;
	_ =	sdelay $0x1  }
0x213: {  	(erf) = vrcp.f32 v9  }
0x214: {  	v8 =	vmul.f32 v8, v10  }
0x215: {  	v7 =	vmul.f32 v10, v7;
	v9 =	vld [tilespmem:s1+$0x12980];
	[tilespmem:s3+$0x17080] =	vst v10  }
0x216: {  	[tilespmem:s3+$0x16F80] =	vst v8  }
0x217: {  	[tilespmem:s3+$0x16E80] =	vst v7  }
0x218: {  	v7 =	vld [tilespmem:s0+$0x12980]  }
0x219: {  	v8 =	vpop (erf)  }
0x21a: {  	v6 =	vmul.f32 v8, v6  }
0x21b: {  	[tilespmem:s1+$0x17080] =	vst v8;
	v9 =	vmul.f32 v9, v8  }
0x21c: {  	[tilespmem:s1+$0x16E80] =	vst v6;
	v8 =	vpop (erf)  }
0x21d: {  	[tilespmem:s1+$0x16F80] =	vst v9;
	v6 =	vmul.f32 v7, v8  }
0x21e: {  	v5 =	vmul.f32 v8, v5;
	[tilespmem:s0+$0x17080] =	vst v8  }
0x21f: {  	[tilespmem:s0+$0x16F80] =	vst v6  }
0x220: {  	[tilespmem:s0+$0x16E80] =	vst v5  }
0x221: {  	v10 =	vld [tilespmem:$0x1B180]  }
0x222: {  	v8 =	vld [tilespmem:$0x1B190]  }
0x223: {  	v11 =	vld [tilespmem:$0x1B1A0]  }
0x224: {  	v9 =	vld [tilespmem:$0x1B1B0]  }
0x225: {  	s12 =	simm.s32 $0x0;
	s13 =	simm.s32 $0x1;
	v6 =	vld [tilespmem:$0x1B200]  }
0x226: {  	v12 =	vmov s13;
	s3 =	simm.s32 $0x10;
	v7 =	vmov s12;
	v5 =	vld [tilespmem:$0x1B210]  }
0x227: {  	v7 =	vand.u32 $0xFFFFFFFE, v7;
	v13 =	vld [tilespmem:s3+$0x12C80]  }
0x228: {  	v7 =	vbroadcast v7, $0x0;
	v15 =	vld [tilespmem:s3+$0x14D80]  }
0x229: {  	v17 =	vld [tilespmem:s3+$0x15E00]  }
0x22a: {  	v21 =	vld [tilespmem:s3+$0x13D00]  }
0x22b: {  	v19 =	vld.idx.msk [tilespmem:v12+s28+$0x0], $0xffff  }
0x22c: {  	v23 =	vld.idx.msk [tilespmem:v12+s29+$0x0], $0xffff  }
0x22d: {  	v14 =	vld.idx.msk [tilespmem:v12+s26+$0x0], $0xffff  }
0x22e: {  	v18 =	vld.idx.msk [tilespmem:v7+s28+$0x0], $0xffff  }
0x22f: {  	v16 =	vld.idx.msk [tilespmem:v7+s29+$0x0], $0xffff  }
0x230: {  	v7 =	vld.idx.msk [tilespmem:v7+s26+$0x0], $0xffff  }
0x231: {  	s7 =	simm.s32 $0x2;
	v12 =	vadd.f32 v15, v13;
	v13 =	vld [tilespmem:s3+$0x15DF0];
	v20 =	vmul.f32 v19, v10;
	v19 =	vmul.f32 v19, v8  }
0x232: {  	s4 =	simm.s32 $0xC0;
	s1 =	simm.s32 $0x171A0;
	s0 =	simm.s32 $0x40;
	v17 =	vadd.f32 v17, v21;
	v15 =	vld [tilespmem:s3+$0x13CF0];
	v22 =	vmul.f32 v23, v11;
	v21 =	vmul.f32 v23, v9  }
.LBB2_8:
0x233: {  	s6 =	smov.u32 s7  }
0x234: {  	v23 =	vmov s7;
	s8 =	sshra.s32 s4, $0x2;
	s9 =	sadd.s32 $0x1, s7;
	v24 =	vld [tilespmem:s3+$0x14D70];
	v25 =	vmul.f32 v18, v10;
	v18 =	vmul.f32 v18, v8;
	s6 =	sadd.s32 $0x2, s7  }
0x235: {  	p0 =	slt.u32 s7, $0xFE;
	v28 =	vmul.f32 v16, v11;
	v23 =	vand.u32 $0xFFFFFFFE, v23;
	v26 =	vmov s9;
	v27 =	vld [tilespmem:s8+$0x12C80]  }
0x236: {  	v16 =	vmul.f32 v16, v9;
	v20 =	vadd.f32 v22, v20;
	v23 =	vbroadcast v23, $0x0;
	v29 =	vld [tilespmem:s8+$0x14D80]  }
0x237: {  	v12 =	vmul.f32 v12, v14;
	v19 =	vadd.f32 v21, v19;
	v25 =	vadd.f32 v28, v25;
	v22 =	vld [tilespmem:s3+$0x12C70];
	s3 =	smov.u32 s8  }
0x238: {  	v14 =	vmul.f32 v17, v14;
	v16 =	vadd.f32 v16, v18;
	v17 =	vadd.f32 v20, v6;
	v21 =	vld [tilespmem:s3+$0x15E00]  }
0x239: {  	s7 =	sor.u32 $0x50, s0;
	v13 =	vadd.f32 v13, v15;
	v15 =	vadd.f32 v25, v6;
	v20 =	vld [tilespmem:s3+$0x13D00];
	[tilespmem:s1+$0x20] =	vst v12  }
0x23a: {  	v16 =	vadd.f32 v16, v5;
	v25 =	vld.idx.msk [tilespmem:v26+s28+$0x0], $0xffff;
	[tilespmem:s7+$0x17180] =	vst v14;
	v14 =	vmax.f32 v17, $0.0e+00;
	s7 =	sor.u32 $0x60, s0  }
0x23b: {  	v15 =	vmax.f32 v15, $0.0e+00;
	v28 =	vld.idx.msk [tilespmem:v26+s29+$0x0], $0xffff;
	v12 =	vadd.f32 v29, v27;
	[tilespmem:s7+$0x17180] =	vst v14;
	v14 =	vadd.f32 v19, v5  }
0x23c: {  	v13 =	vmul.f32 v13, v7;
	v18 =	vld.idx.msk [tilespmem:v23+s28+$0x0], $0xffff;
	v19 =	vadd.f32 v24, v22;
	[tilespmem:s1+$0x0] =	vst v15;
	v15 =	vmax.f32 v16, $0.0e+00  }
.Ltmp3:
0x23d: {  	s7 =	sor.u32 $0x70, s0;
	s0 =	smov.u32 s4;
	v16 =	vld.idx.msk [tilespmem:v23+s29+$0x0], $0xffff;
	[tilespmem:s1+$0x10] =	vst v15;
	v15 =	vmax.f32 v14, $0.0e+00;
	(pc) =	sbr.rel @p0 .LBB2_8-.Ltmp3, $4  }
0x23e: {  	v14 =	vld.idx.msk [tilespmem:v26+s26+$0x0], $0xffff;
	v17 =	vadd.f32 v21, v20;
	v21 =	vmul.f32 v19, v7;
	[tilespmem:s7+$0x17180] =	vst v15  }
0x23f: {  	v7 =	vld.idx.msk [tilespmem:v23+s26+$0x0], $0xffff;
	[tilespmem:s1+$0xFFFFFFF0] =	vst v13  }
0x240: {  	v20 =	vmul.f32 v25, v10;
	v19 =	vmul.f32 v25, v8;
	v13 =	vld [tilespmem:s3+$0x15DF0];
	[tilespmem:s1+$0xFFFFFFE0] =	vst v21  }
0x241: {  	s4 =	sadd.s32 $0x80, s4;
	s7 =	smov.u32 s6;
	v22 =	vmul.f32 v28, v11;
	v21 =	vmul.f32 v28, v9;
	s1 =	sadd.s32 $0x80, s1;
	v15 =	vld [tilespmem:s3+$0x13CF0]  }
0x242: {  	v10 =	vmul.f32 v18, v10;
	v11 =	vmul.f32 v16, v11  }
0x243: {  	v23 =	vld [tilespmem:s3+$0x14D70];
	v8 =	vmul.f32 v18, v8;
	v9 =	vmul.f32 v16, v9;
	v54 =	vadd.f32 v22, v20  }
0x244: {  	v55 =	vld [tilespmem:s3+$0x12C70];
	v56 =	vmul.f32 v12, v14;
	v59 =	vadd.f32 v21, v19;
	v10 =	vadd.f32 v11, v10  }
0x245: {  	v57 =	vmul.f32 v17, v14;
	v8 =	vadd.f32 v9, v8;
	v58 =	vadd.f32 v54, v6  }
0x246: {  	s7 =	sor.u32 $0x50, s0;
	[tilespmem:s1+$0x20] =	vst v56;
	v6 =	vadd.f32 v10, v6  }
0x247: {  	s8 =	sor.u32 $0x60, s0;
	v8 =	vadd.f32 v8, v5;
	[tilespmem:s7+$0x17180] =	vst v57;
	v5 =	vadd.f32 v59, v5;
	v60 =	vmax.f32 v58, $0.0e+00  }
0x248: {  	v61 =	vadd.f32 v13, v15;
	v6 =	vmax.f32 v6, $0.0e+00;
	[tilespmem:s8+$0x17180] =	vst v60  }
0x249: {  	s9 =	sor.u32 $0x70, s0;
	v62 =	vadd.f32 v23, v55;
	v5 =	vmax.f32 v5, $0.0e+00;
	[tilespmem:s1+$0x0] =	vst v6  }
0x24a: {  	v63 =	vmul.f32 v61, v7;
	v6 =	vmax.f32 v8, $0.0e+00;
	[tilespmem:s9+$0x17180] =	vst v5  }
0x24b: {  	[tilespmem:s1+$0x10] =	vst v6;
	v6 =	vmul.f32 v62, v7  }
0x24c: {  	[tilespmem:s1+$0xFFFFFFF0] =	vst v63  }
0x24d: {  	[tilespmem:s1+$0xFFFFFFE0] =	vst v6  }
0x24e: {  	_ =	strace $0x9000004A  }
0x24f: {  	s12 =	simm.s32 $0x17180;
	s11 =	rddreg [dreg:$0x15]  }
0x250: {  	[hbm4b:s11+s2] =	stream.linear.scatter [tilespmem:s12], [sflag:$0x2], $0x4000, $0x38;
	[tilespmem:$0x1B280] =	vst v63  }
0x251: {  	_ =	swait.ge [sflag:s30], $0x4000  }
0x252: {  	s31 =	sadd.s32 $0x1, s31;
	s13 =	rddreg [dreg:$0x17]  }
0x253: {  	p0 =	sne.s32 s31, s13  }
.Ltmp4:
0x254: {  	_ = 	snop;
	(pc) =	sbr.rel @p0 .LBB2_1-.Ltmp4, $3  }
0x255: {  	_ =	sdelay $0x1  }
0x256: {  	[sflag:s30] =	ssyncset.done $0x0  }
0x257: {  	[sflag:s30] =	ssyncadd.s32 $0xFFFFC000  }
0x258: {  	_ =	sfence.sel $0x180000  }
0x259: {  	[bflag:$0x0] =	sbarrier.arrive $0xFFFF  }
0x25a: {  	_ =	strace $0x90000047  }
0x25b: {  	s0 =	stileid.u32;
	[bflag:$0x2] =	sbarrier.arrive $0xFFFF  }
0x25c: {  	p0 =	sne.s32 s0, $0x0;
	s0 =	rddreg [dreg:$0x3]  }
0x25d: {  	s0 =	sadd.s32 @!p0 $0x100000, s0  }
0x25e: {  	[sflag:s0] =	ssyncadd.tile.s32 @!p0 $0x1;
	_ =	shalt  }
.Lfunc_end2:
_tile_overlayer_lowered:
.L_overlay_start_2:
0x25f: {  	(tag) =	ssettag $0x2  }
0x260: {  	s0 =	rddreg [dreg:$0x0];
	s2 =	stileid.u32  }
0x261: {  	s1 =	rddreg [dreg:$0x1];
	p0 =	sne.s32 s2, $0x0  }
0x262: {  	s3 =	rddreg [dreg:$0x2];
	[bflag:$0x3] =	sbarrier.arrive $0xFFFF;
	s2 =	simm.s32 @!p0 $0x1C02  }
0x263: {  	[timem:s3], [sflag:s2] =	dma.local @!p0 [hbm:s0], s1  }
0x264: {  	s0 =	simm.s32 @!p0 $0x2  }
0x265: {  	_ =	swait.ge @!p0 [sflag:s0], s1  }
0x266: {  	s1 =	ssub.s32 @!p0 $0x0, s1;
	[sflag:s0] =	ssyncset.done @!p0 $0x0  }
0x267: {  	[sflag:s0] =	ssyncadd.s32 @!p0 s1  }
0x268: {  	[bflag:$0x3] =	sbarrier.arrive $0xFFFF  }
0x269: {  	_ =	shalt  }

</sc_bundles>
